<compile_context>
chip_gen: v7x
topology: tpu7x:2x2x1
jax: 0.10.2.dev20260603
libtpu: 0.0.44.dev20260713+nightly
codegen_flags: <defaults>
</compile_context>

<pallas_src>
import functools
import jax
import jax.numpy as jnp
from jax import lax
from jax.experimental import pallas as pl
from jax.experimental.pallas import tpu as pltpu, tpu_sc as plsc

PAD = 999.0
PAD_I = 999
EPS = 1e-10
NB, NC, NR = 8, 4, 8192
BC = NB * NC
NA = 2097152
TILE_SLOTS = 3 * NR
CH = 8192
NCHUNK = NA // CH
VPC = CH // 16
FCAP = 1072

_A0, _A1, _A2, _A3 = 1.5707288, -0.2121144, 0.0742610, -0.0187293



def _pack_body(rn_ref, an_ref, chn_ref, bt_ref, a0_ref, a1_ref, key_ref):
    rn = rn_ref[...]
    an = an_ref[...]
    chn = chn_ref[...]
    bt = bt_ref[...]
    a0 = a0_ref[...]
    a1 = a1_ref[...]
    cls = an & 3
    validc = cls < 3
    unmasked = an < 3
    v0 = validc & ((a0 != 0) | unmasked)
    v1 = validc & ((a1 != 0) | unmasked)
    dest = (bt * NC + chn) * TILE_SLOTS + cls * NR + rn
    key = dest | (v0.astype(jnp.int32) << 30) | (v1.astype(jnp.int32) << 31)
    key_ref[...] = key


def _pack_keys(rn, an, chn, bt, a0, a1):
    spec = pl.BlockSpec((32, NR), lambda i: (i, 0))
    return pl.pallas_call(
        _pack_body,
        grid=(NA // (32 * NR),),
        in_specs=[spec] * 6,
        out_specs=spec,
        out_shape=jax.ShapeDtypeStruct((NA // NR, NR), jnp.int32),
    )(rn, an, chn, bt, a0, a1)



def _sc_body(key_hbm, cx_hbm, cy_hbm, cz_hbm, rn_hbm, gf_hbm,
             w0, w1, kbuf, fk, fi, idxb, vx, vy, vz, si, sem0, sem1, gsem):
    wid = lax.axis_index("s") * 2 + lax.axis_index("c")
    base = wid * TILE_SLOTS
    lane = lax.iota(jnp.int32, 16)
    neg1 = jnp.full((16,), -1, jnp.int32)
    sems = [sem0, sem1]

    def initb(i, c):
        w0[pl.ds(i * 16, 16)] = neg1
        w1[pl.ds(i * 16, 16)] = neg1
        return c
    lax.fori_loop(0, TILE_SLOTS // 16, initb, 0)

    zero16 = jnp.zeros((16,), jnp.int32)

    def initf(i, c):
        fk[pl.ds(i * 16, 16)] = zero16
        fi[pl.ds(i * 16, 16)] = zero16
        return c
    lax.fori_loop(0, FCAP // 16, initf, 0)

    pltpu.make_async_copy(key_hbm.at[pl.ds(0, CH)], kbuf.at[0], sem0).start()

    def chunk_body(g2, c0):
        for ph in range(2):
            g = g2 * 2 + ph
            nxt = g + 1

            @pl.when(nxt < NCHUNK)
            def _():
                pltpu.make_async_copy(
                    key_hbm.at[pl.ds(nxt * CH, CH)],
                    kbuf.at[1 - ph], sems[1 - ph]).start()

            pltpu.make_async_copy(
                key_hbm.at[pl.ds(g * CH, CH)], kbuf.at[ph], sems[ph]).wait()
            gbase = g * CH

            def vbody(j, iv):
                k = kbuf[ph, pl.ds(j * 16, 16)]
                local = (k & 0xFFFFF) - base
                m_in = local.astype(jnp.uint32) < jnp.uint32(TILE_SLOTS)
                lc = jnp.minimum(jnp.maximum(local, 0),
                                 jnp.int32(TILE_SLOTS - 1))
                m0 = m_in & ((k & (1 << 30)) != 0)
                m1 = m_in & (k < 0)
                plsc.store_scatter(w0, [lc], iv, mask=m0)
                plsc.store_scatter(w1, [lc], iv, mask=m1)
                return iv + 16
            lax.fori_loop(0, VPC, vbody, gbase + lane, unroll=4)
        return c0
    lax.fori_loop(0, NCHUNK // 2, chunk_body, 0)

    ws = [w0, w1]
    for a in range(2):
        for cls in range(3):
            woff = cls * NR

            def fixb(j, c, _a=a, _woff=woff):
                w = ws[_a][pl.ds(_woff + j * 16, 16)]
                safe = jnp.where(w < 0, j * 16 + lane, w)
                idxb[pl.ds(j * 16, 16)] = safe
                return c
            lax.fori_loop(0, NR // 16, fixb, 0)

            pltpu.make_async_copy(cx_hbm.at[idxb], vx, gsem).start()
            pltpu.make_async_copy(cy_hbm.at[idxb], vy, gsem).start()
            pltpu.make_async_copy(cz_hbm.at[idxb], vz, gsem).start()
            if cls == 2:
                pltpu.make_async_copy(rn_hbm.at[idxb], si, gsem).start()
            pltpu.make_async_copy(cx_hbm.at[idxb], vx, gsem).wait()
            pltpu.make_async_copy(cy_hbm.at[idxb], vy, gsem).wait()
            pltpu.make_async_copy(cz_hbm.at[idxb], vz, gsem).wait()
            if cls == 2:
                pltpu.make_async_copy(rn_hbm.at[idxb], si, gsem).wait()

            def comb(j, c, _a=a, _woff=woff):
                w = ws[_a][pl.ds(_woff + j * 16, 16)]
                emp = w < 0
                sl = pl.ds(j * 16, 16)
                vx[sl] = jnp.where(emp, PAD, vx[sl])
                vy[sl] = jnp.where(emp, PAD, vy[sl])
                vz[sl] = jnp.where(emp, PAD, vz[sl])
                return c
            lax.fori_loop(0, NR // 16, comb, 0)

            pltpu.sync_copy(vx, gf_hbm.at[a, wid, cls * 3 + 0])
            pltpu.sync_copy(vy, gf_hbm.at[a, wid, cls * 3 + 1])
            pltpu.sync_copy(vz, gf_hbm.at[a, wid, cls * 3 + 2])
            if cls == 2:
                def combs(j, c, _a=a, _woff=woff):
                    w = ws[_a][pl.ds(_woff + j * 16, 16)]
                    emp = w < 0
                    sl = pl.ds(j * 16, 16)
                    vx[sl] = jnp.where(emp, jnp.float32(PAD_I),
                                       si[sl].astype(jnp.float32))
                    return c
                lax.fori_loop(0, NR // 16, combs, 0)
                pltpu.sync_copy(vx, gf_hbm.at[a, wid, 9])


def _sc_build(keys, cx, cy, cz, rn):
    mesh = plsc.VectorSubcoreMesh(core_axis_name="c", subcore_axis_name="s")
    f = functools.partial(
        pl.kernel,
        out_type=jax.ShapeDtypeStruct((2, BC, 10, NR), jnp.float32),
        mesh=mesh,
        scratch_types=[
            pltpu.VMEM((TILE_SLOTS,), jnp.int32),
            pltpu.VMEM((TILE_SLOTS,), jnp.int32),
            pltpu.VMEM((2, CH), jnp.int32),
            pltpu.VMEM((FCAP,), jnp.int32),
            pltpu.VMEM((FCAP,), jnp.int32),
            pltpu.VMEM((NR,), jnp.int32),
            pltpu.VMEM((NR,), jnp.float32),
            pltpu.VMEM((NR,), jnp.float32),
            pltpu.VMEM((NR,), jnp.float32),
            pltpu.VMEM((NR,), jnp.int32),
            pltpu.SemaphoreType.DMA,
            pltpu.SemaphoreType.DMA,
            pltpu.SemaphoreType.DMA,
        ],
        compiler_params=pltpu.CompilerParams(needs_layout_passes=False),
    )(_sc_body)
    return f(keys, cx, cy, cz, rn)



def _acos(x):
    ax = jnp.abs(x)
    p = ((_A3 * ax + _A2) * ax + _A1) * ax + _A0
    r = jnp.sqrt(jnp.maximum(1.0 - ax, 0.0)) * p
    return jnp.where(x >= 0, r, jnp.float32(3.14159265358979) - r)


def _geom_body(g_ref, tab_ref, out_ref):
    g = g_ref[0, 0]
    nx, ny, nz = g[0:1], g[1:2], g[2:3]
    pad3 = jnp.full((3, 1), PAD, jnp.float32)
    cprev = jnp.concatenate([pad3, g[3:6, :NR - 1]], axis=1)
    cpx, cpy, cpz = cprev[0:1], cprev[1:2], cprev[2:3]
    cax, cay, caz = g[6:7], g[7:8], g[8:9]
    caprev = jnp.concatenate([pad3, g[6:9, :NR - 1]], axis=1)
    capx, capy, capz = caprev[0:1], caprev[1:2], caprev[2:3]
    sc = g[9:10]
    sp = jnp.concatenate([jnp.full((1, 1), float(PAD_I), jnp.float32),
                          sc[:, :NR - 1]], axis=1)

    todo = (nx != PAD) & (cpx != PAD) & (cax != PAD) & (capx != PAD) \
        & (sc != jnp.float32(PAD_I)) & (sp != jnp.float32(PAD_I))

    v1x, v1y, v1z = cpx - nx, cpy - ny, cpz - nz
    v2x, v2y, v2z = cax - nx, cay - ny, caz - nz
    w1x, w1y, w1z = capx - cpx, capy - cpy, capz - cpz

    bond = jnp.sqrt(v1x * v1x + v1y * v1y + v1z * v1z)

    d1 = v1x * v2x + v1y * v2y + v1z * v2z
    n2 = jnp.sqrt(v2x * v2x + v2y * v2y + v2z * v2z)
    cos1 = jnp.clip(d1 / jnp.clip(bond * n2, 1e-8, None),
                    -0.9999999, 0.9999999)
    a1 = _acos(cos1)

    d2 = -(w1x * v1x + w1y * v1y + w1z * v1z)
    n3 = jnp.sqrt(w1x * w1x + w1y * w1y + w1z * w1z)
    cos2 = jnp.clip(d2 / jnp.clip(n3 * bond, 1e-8, None),
                    -0.9999999, 0.9999999)
    a2 = _acos(cos2)

    seq_sel = jnp.where(todo, sc, 0.0).astype(jnp.int32)
    row = lax.broadcasted_iota(jnp.int32, (32, NR), 0)
    oh = jnp.where(row == seq_sel, 1.0, 0.0)
    gathered = jnp.dot(tab_ref[...], oh,
                       preferred_element_type=jnp.float32)

    total = jnp.zeros((1, NR), jnp.float32)
    xs = (bond, a1, a2)
    for i in range(3):
        m = gathered[i:i + 1]
        iv = gathered[3 + i:4 + i]
        tcap = gathered[6 + i:7 + i]
        d = xs[i] - m
        total = total + jnp.minimum(d * d * iv, tcap)

    out_ref[0, 0] = jnp.where(todo, total, 0.0)


def _geom(gf, tab):
    return pl.pallas_call(
        _geom_body,
        grid=(2, BC),
        in_specs=[
            pl.BlockSpec((1, 1, 10, NR), lambda a, b: (a, b, 0, 0)),
            pl.BlockSpec((9, 32), lambda a, b: (0, 0)),
        ],
        out_specs=pl.BlockSpec((1, 1, 1, NR), lambda a, b: (a, b, 0, 0)),
        out_shape=jax.ShapeDtypeStruct((2, BC, 1, NR), jnp.float32),
    )(gf, tab)



def kernel(atom_description, coords, alternatives, mean, std, weight):
    shp = (NA // NR, NR)
    rn = atom_description[:, 0].reshape(shp)
    an = atom_description[:, 1].reshape(shp)
    chn = atom_description[:, 2].reshape(shp)
    resname = atom_description[:, 3]
    bt = atom_description[:, 4].reshape(shp)
    a0 = alternatives[:, 0].astype(jnp.int32).reshape(shp)
    a1 = alternatives[:, 1].astype(jnp.int32).reshape(shp)

    keys = _pack_keys(rn, an, chn, bt, a0, a1).reshape(NA)
    ct = coords.astype(jnp.float32).T
    gf = _sc_build(keys, ct[0], ct[1], ct[2], resname.astype(jnp.int32))

    factor = 1.0 - jnp.tanh(-weight[0])
    var = std.astype(jnp.float32) ** 2
    iv = factor / (2.0 * var)
    tcap = factor * (-jnp.log(jnp.float32(EPS))
                     - jnp.log(jnp.sqrt(2.0 * jnp.pi * var)))
    tab = jnp.zeros((9, 32), jnp.float32)
    tab = tab.at[0:3, :20].set(mean.astype(jnp.float32).T)
    tab = tab.at[3:6, :20].set(iv.T)
    tab = tab.at[6:9, :20].set(tcap.T)

    out = _geom(gf, tab)
    return out.reshape(2, NB, NC, NR).transpose(1, 2, 3, 0)

# --- scband reference (transcript-rebuilt; emitter-appended) ---
"""Pipeline reference for scband-bond-len-constrain-69810398429596 (READ-ONLY COPY).

The authoritative reference and input builder live on the scoring server;
editing this copy changes nothing except your own understanding.
"""

import jax, jax.numpy as jnp
import numpy as np

PADDING_INDEX = 999.0
PAD_I = 999
EPS = 1e-10
H = {'resnum': 0, 'at_name': 1, 'chain': 2, 'resname': 3, 'batch': 4}
NRES = 20
NATOMS_H = [r * 4 + 0 for r in range(NRES)]
CATOMS_H = [r * 4 + 1 for r in range(NRES)]
CAATOMS_H = [r * 4 + 2 for r in range(NRES)]
N_ATOMS = 2097152
NBATCH = 8
MAXCHAIN = 4
MAXRES = 8192
NALT = 2


def setup_inputs(seed: int = 0):
    key = jax.random.key(seed)
    ks = jax.random.split(key, 10)
    resnum = jax.random.randint(ks[0], (N_ATOMS,), 0, MAXRES)
    at_name = jax.random.randint(ks[1], (N_ATOMS,), 0, 4 * NRES)
    chain = jax.random.randint(ks[2], (N_ATOMS,), 0, MAXCHAIN)
    resname = jax.random.randint(ks[3], (N_ATOMS,), 0, NRES)
    batch = jax.random.randint(ks[4], (N_ATOMS,), 0, NBATCH)
    atom_description = jnp.stack([resnum, at_name, chain, resname, batch], axis=1)
    coords = jax.random.normal(ks[5], (N_ATOMS, 3), dtype=jnp.float32) * 10.0
    alternatives = jax.random.randint(ks[6], (N_ATOMS, NALT), 0, 2).astype(bool)
    mean = jax.random.normal(ks[7], (NRES, 3), dtype=jnp.float32)
    std = jax.random.uniform(ks[8], (NRES, 3), dtype=jnp.float32) * 0.5 + 0.5
    weight = jnp.array([-5.0], dtype=jnp.float32)
    return {'atom_description': atom_description, 'coords': coords, 'alternatives': alternatives, 'mean': mean, 'std': std, 'weight': weight}


def angle2dVectors(v1, v2):
    dot = jnp.sum(v1 * v2, axis=-1)
    nrm = jnp.linalg.norm(v1, axis=-1) * jnp.linalg.norm(v2, axis=-1)
    cos = jnp.clip(dot / jnp.clip(nrm, 1e-8, None), -0.9999999, 0.9999999)
    ang = jnp.arccos(cos)
    return ang[:, None], None, None


def scoreDistro(inputs, seq, mean, std):
    score = []
    for i in range(std.shape[1]):
        var = std[seq, i] ** 2
        denom = (2.0 * np.pi * var) ** 0.5
        num = jnp.exp(-((inputs[:, i] - mean[seq, i]) ** 2) / (2.0 * var))
        norm_factor = 1.0 / denom
        score.append((-(jnp.log(jnp.clip(num / denom, EPS, None)) - jnp.log(norm_factor)))[:, None])
    return jnp.concatenate(score, axis=-1)


def _masks(a, mask):
    nm = a == NATOMS_H[0]
    for h in NATOMS_H[1:]:
        nm = nm | ((a == h) & mask)
    cam = a == CAATOMS_H[0]
    for h in CAATOMS_H[1:]:
        cam = cam | ((a == h) & mask)
    cm = a == CATOMS_H[0]
    for h in CATOMS_H[1:]:
        cm = cm | ((a == h) & mask)
    return nm, cm, cam


def reference(atom_description, coords, alternatives, mean, std, weight):
    resnum = atom_description[:, H['resnum']]
    atname = atom_description[:, H['at_name']]
    chain = atom_description[:, H['chain']]
    resname = atom_description[:, H['resname']]
    batch_ind = atom_description[:, H['batch']]
    maxres = MAXRES
    nbatch = NBATCH
    maxchain = MAXCHAIN
    nalt = alternatives.shape[-1]
    resiEnergy = jnp.zeros((nbatch, maxchain, maxres, nalt), dtype=jnp.float32)
    for alt in range(nalt):
        mask = alternatives[..., alt]
        nm, cm, cam = _masks(atname, mask)
        Narray = jnp.full((nbatch, maxchain, maxres, 3), PADDING_INDEX, dtype=jnp.float32)
        Carray = jnp.full((nbatch, maxchain, maxres, 3), PADDING_INDEX, dtype=jnp.float32)
        CAarray = jnp.full((nbatch, maxchain, maxres, 3), PADDING_INDEX, dtype=jnp.float32)
        seq = jnp.full((nbatch, maxchain, maxres), PAD_I, dtype=jnp.int32)
        b_nm = jnp.where(nm, batch_ind, nbatch)
        b_cm = jnp.where(cm, batch_ind, nbatch)
        b_cam = jnp.where(cam, batch_ind, nbatch)
        Narray = Narray.at[b_nm, chain, resnum].set(coords, mode='drop')
        Carray = Carray.at[b_cm, chain, resnum].set(coords, mode='drop')
        CAarray = CAarray.at[b_cam, chain, resnum].set(coords, mode='drop')
        seq = seq.at[b_cam, chain, resnum].set(resname.astype(jnp.int32), mode='drop')
        N_next = Narray[:, :, 1:]
        C_prev = Carray[:, :, :-1]
        CA_next = CAarray[:, :, 1:]
        CA_prev = CAarray[:, :, :-1]
        pad_mask = (seq[:, :, 1:] != PAD_I) & (seq[:, :, :-1] != PAD_I)
        todo = (N_next[..., 0] != PADDING_INDEX) & (C_prev[..., 0] != PADDING_INDEX) & (CA_next[..., 0] != PADDING_INDEX) & (CA_prev[..., 0] != PADDING_INDEX) & pad_mask
        todo_flat = todo.reshape(-1)
        Nn = N_next.reshape(-1, 3)
        Cp = C_prev.reshape(-1, 3)
        CAn = CA_next.reshape(-1, 3)
        CAp = CA_prev.reshape(-1, 3)
        peptide_bond_lenth = jnp.linalg.norm(Nn - Cp, axis=-1)
        C_N_CA_Angle, _, _ = angle2dVectors(Cp - Nn, CAn - Nn)
        CA_C_N_Angle, _, _ = angle2dVectors(CAp - Cp, Nn - Cp)
        distro_input = jnp.concatenate([peptide_bond_lenth[:, None], C_N_CA_Angle, CA_C_N_Angle], axis=1)
        seq_sel = jnp.where(todo_flat, seq[:, :, 1:].reshape(-1), 0)
        scores = scoreDistro(distro_input, seq_sel, mean, std).sum(-1)
        vals = jnp.where(todo_flat, scores * (1.0 - jnp.tanh(-weight[0])), 0.0)
        resiEnergy = resiEnergy.at[:, :, 1:, alt].set(vals.reshape(nbatch, maxchain, maxres - 1))
    return resiEnergy

if __name__ == "__main__":
    import jax
    _d = setup_inputs()
    print(jax.jit(kernel)(*tuple(_d.values())))

</pallas_src>

<mosaic_0001>
#map = affine_map<(d0, d1) -> (0)>
#map1 = affine_map<(d0, d1) -> (0, 0, 0, 0)>
module attributes {stable_mosaic.version = 14 : i64} {
  func.func @_sc_body(%arg0: i32, %arg1: i32, %arg2: memref<2097152xi32, #tpu.memory_space<hbm>>, %arg3: memref<2097152xf32, #tpu.memory_space<hbm>>, %arg4: memref<2097152xf32, #tpu.memory_space<hbm>>, %arg5: memref<2097152xf32, #tpu.memory_space<hbm>>, %arg6: memref<2097152xi32, #tpu.memory_space<hbm>>, %arg7: memref<2x32x10x8192xf32, #tpu.memory_space<hbm>>, %arg8: memref<24576xi32, #tpu.memory_space<vmem>>, %arg9: memref<24576xi32, #tpu.memory_space<vmem>>, %arg10: memref<2x8192xi32, #tpu.memory_space<vmem>>, %arg11: memref<1072xi32, #tpu.memory_space<vmem>>, %arg12: memref<1072xi32, #tpu.memory_space<vmem>>, %arg13: memref<8192xi32, #tpu.memory_space<vmem>>, %arg14: memref<8192xf32, #tpu.memory_space<vmem>>, %arg15: memref<8192xf32, #tpu.memory_space<vmem>>, %arg16: memref<8192xf32, #tpu.memory_space<vmem>>, %arg17: memref<8192xi32, #tpu.memory_space<vmem>>, %arg18: memref<!tpu.dma_semaphore, #tpu.memory_space<semaphore_mem>>, %arg19: memref<!tpu.dma_semaphore, #tpu.memory_space<semaphore_mem>>, %arg20: memref<!tpu.dma_semaphore, #tpu.memory_space<semaphore_mem>>) attributes {dimension_semantics = [#tpu.dimension_semantics<core_parallel>, #tpu.dimension_semantics<subcore_parallel>], iteration_bounds = array<i64: 2, 16>, scalar_prefetch = 0 : i64, scratch_operands = 13 : i64, tpu.core_type = #tpu.core_type<sc_vector_subcore>, window_params = [{transform_indices = #map}, {transform_indices = #map}, {transform_indices = #map}, {transform_indices = #map}, {transform_indices = #map}, {transform_indices = #map1}]} {
    %mul3A = arith.constant 2 : i32
    %mul3A_0 = arith.muli %arg1, %mul3A : i32
    %add3A = arith.addi %mul3A_0, %arg0 : i32
    %mul3A_1 = arith.constant 24576 : i32
    %mul3A_2 = arith.muli %add3A, %mul3A_1 : i32
    %iota3A = tpu.iota {dimensions = array<i32: 0>} : vector<16xi32>
    %broadcast_in_dim3A = arith.constant -1 : i32
    %broadcast_in_dim3A_3 = vector.broadcast %broadcast_in_dim3A : i32 to vector<16xi32>
    %scan3A = arith.constant 0 : i32
    %scan3A_4 = arith.constant 0 : i32
    %scan3A_5 = arith.constant 1536 : i32
    %scan3A_6 = arith.addi %scan3A_4, %scan3A_5 : i32
    %scan3A_7 = arith.constant 1 : i32
    scf.for %scan3A_235 = %scan3A_4 to %scan3A_6 step %scan3A_7  : i32 {
      %mul3A_236 = arith.constant 16 : i32
      %mul3A_237 = arith.muli %scan3A_235, %mul3A_236 : i32
      %swap3A = arith.index_cast %mul3A_237 : i32 to index
      %swap3A_238 = tpu.vector_load %arg8[%swap3A] {strides = array<i32>} : memref<24576xi32, #tpu.memory_space<vmem>>, vector<16xi32>,
      tpu.vector_store %arg8[%swap3A], %broadcast_in_dim3A_3 {strides = array<i32>} : memref<24576xi32, #tpu.memory_space<vmem>>, vector<16xi32>,
      %mul3A_239 = arith.constant 16 : i32
      %mul3A_240 = arith.muli %scan3A_235, %mul3A_239 : i32
      %swap3A_241 = arith.index_cast %mul3A_240 : i32 to index
      %swap3A_242 = tpu.vector_load %arg9[%swap3A_241] {strides = array<i32>} : memref<24576xi32, #tpu.memory_space<vmem>>, vector<16xi32>,
      tpu.vector_store %arg9[%swap3A_241], %broadcast_in_dim3A_3 {strides = array<i32>} : memref<24576xi32, #tpu.memory_space<vmem>>, vector<16xi32>,
    }
    %scan3A_8 = arith.constant 1536 : i32
    %broadcast_in_dim3A_9 = arith.constant 0 : i32
    %broadcast_in_dim3A_10 = vector.broadcast %broadcast_in_dim3A_9 : i32 to vector<16xi32>
    %scan3A_11 = arith.constant 0 : i32
    %scan3A_12 = arith.constant 0 : i32
    %scan3A_13 = arith.constant 67 : i32
    %scan3A_14 = arith.addi %scan3A_12, %scan3A_13 : i32
    %scan3A_15 = arith.constant 1 : i32
    scf.for %scan3A_235 = %scan3A_12 to %scan3A_14 step %scan3A_15  : i32 {
      %mul3A_236 = arith.constant 16 : i32
      %mul3A_237 = arith.muli %scan3A_235, %mul3A_236 : i32
      %swap3A = arith.index_cast %mul3A_237 : i32 to index
      %swap3A_238 = tpu.vector_load %arg11[%swap3A] {strides = array<i32>} : memref<1072xi32, #tpu.memory_space<vmem>>, vector<16xi32>,
      tpu.vector_store %arg11[%swap3A], %broadcast_in_dim3A_10 {strides = array<i32>} : memref<1072xi32, #tpu.memory_space<vmem>>, vector<16xi32>,
      %mul3A_239 = arith.constant 16 : i32
      %mul3A_240 = arith.muli %scan3A_235, %mul3A_239 : i32
      %swap3A_241 = arith.index_cast %mul3A_240 : i32 to index
      %swap3A_242 = tpu.vector_load %arg12[%swap3A_241] {strides = array<i32>} : memref<1072xi32, #tpu.memory_space<vmem>>, vector<16xi32>,
      tpu.vector_store %arg12[%swap3A_241], %broadcast_in_dim3A_10 {strides = array<i32>} : memref<1072xi32, #tpu.memory_space<vmem>>, vector<16xi32>,
    }
    %scan3A_16 = arith.constant 67 : i32
    %dma_start3A = arith.constant 0 : i32
    %dma_start3A_17 = arith.constant 0 : i32
    %dma_start3A_18 = tpu.memref_slice %arg10[%dma_start3A, %dma_start3A_17] : memref<2x8192xi32, #tpu.memory_space<vmem>> -> memref<1x8192xi32, #tpu.memory_space<vmem>>
    %dma_start3A_19 = tpu.memref_squeeze %dma_start3A_18 : memref<1x8192xi32, #tpu.memory_space<vmem>> -> memref<8192xi32, #tpu.memory_space<vmem>>
    %dma_start3A_20 = arith.constant 0 : i32
    %dma_start3A_21 = tpu.memref_slice %arg2[%dma_start3A_20] : memref<2097152xi32, #tpu.memory_space<hbm>> -> memref<8192xi32, #tpu.memory_space<hbm>>
    %dma_start3A_22 = arith.constant 0 : i32
    %dma_start3A_23 = tpu.memref_slice %arg10[%dma_start3A, %dma_start3A_22] : memref<2x8192xi32, #tpu.memory_space<vmem>> -> memref<1x8192xi32, #tpu.memory_space<vmem>>
    %dma_start3A_24 = tpu.memref_squeeze %dma_start3A_23 : memref<1x8192xi32, #tpu.memory_space<vmem>> -> memref<8192xi32, #tpu.memory_space<vmem>>
    %dma_start3A_25 = arith.constant 0 : i32
    %dma_start3A_26 = tpu.memref_slice %arg2[%dma_start3A_25] : memref<2097152xi32, #tpu.memory_space<hbm>> -> memref<8192xi32, #tpu.memory_space<hbm>>
    tpu.enqueue_dma source(%dma_start3A_26 : memref<8192xi32, #tpu.memory_space<hbm>>) target(%dma_start3A_24 : memref<8192xi32, #tpu.memory_space<vmem>>) target_semaphore(%arg18 : memref<!tpu.dma_semaphore, #tpu.memory_space<semaphore_mem>>)
    %scan3A_27 = arith.constant 0 : i32
    %scan3A_28 = arith.constant 0 : i32
    %scan3A_29 = arith.constant 128 : i32
    %scan3A_30 = arith.addi %scan3A_28, %scan3A_29 : i32
    %scan3A_31 = arith.constant 1 : i32
    scf.for %scan3A_235 = %scan3A_28 to %scan3A_30 step %scan3A_31  : i32 {
      %mul3A_236 = arith.constant 2 : i32
      %mul3A_237 = arith.muli %scan3A_235, %mul3A_236 : i32
      %add3A_238 = arith.constant 0 : i32
      %add3A_239 = arith.addi %mul3A_237, %add3A_238 : i32
      %add3A_240 = arith.constant 1 : i32
      %add3A_241 = arith.addi %add3A_239, %add3A_240 : i32
      %lt3A = arith.constant 256 : i32
      %lt3A_242 = arith.cmpi slt, %add3A_241, %lt3A : i32
      %convert_element_type3A = arith.extui %lt3A_242 : i1 to i32
      %cond3A = arith.constant 0 : i32
      %cond3A_243 = arith.cmpi ne, %convert_element_type3A, %cond3A : i32
      scf.if %cond3A_243 {
        %mul3A_297 = arith.constant 8192 : i32
        %mul3A_298 = arith.muli %add3A_241, %mul3A_297 : i32
        %dma_start3A_299 = arith.constant 1 : i32
        %dma_start3A_300 = arith.constant 0 : i32
        %dma_start3A_301 = tpu.memref_slice %arg10[%dma_start3A_299, %dma_start3A_300] : memref<2x8192xi32, #tpu.memory_space<vmem>> -> memref<1x8192xi32, #tpu.memory_space<vmem>>
        %dma_start3A_302 = tpu.memref_squeeze %dma_start3A_301 : memref<1x8192xi32, #tpu.memory_space<vmem>> -> memref<8192xi32, #tpu.memory_space<vmem>>
        %dma_start3A_303 = tpu.memref_slice %arg2[%mul3A_298] : memref<2097152xi32, #tpu.memory_space<hbm>> -> memref<8192xi32, #tpu.memory_space<hbm>>
        %dma_start3A_304 = arith.constant 0 : i32
        %dma_start3A_305 = tpu.memref_slice %arg10[%dma_start3A_299, %dma_start3A_304] : memref<2x8192xi32, #tpu.memory_space<vmem>> -> memref<1x8192xi32, #tpu.memory_space<vmem>>
        %dma_start3A_306 = tpu.memref_squeeze %dma_start3A_305 : memref<1x8192xi32, #tpu.memory_space<vmem>> -> memref<8192xi32, #tpu.memory_space<vmem>>
        %dma_start3A_307 = tpu.memref_slice %arg2[%mul3A_298] : memref<2097152xi32, #tpu.memory_space<hbm>> -> memref<8192xi32, #tpu.memory_space<hbm>>
        tpu.enqueue_dma source(%dma_start3A_307 : memref<8192xi32, #tpu.memory_space<hbm>>) target(%dma_start3A_306 : memref<8192xi32, #tpu.memory_space<vmem>>) target_semaphore(%arg19 : memref<!tpu.dma_semaphore, #tpu.memory_space<semaphore_mem>>)
      } else {
      }
      %mul3A_244 = arith.constant 8192 : i32
      %mul3A_245 = arith.muli %add3A_239, %mul3A_244 : i32
      %dma_wait3A_246 = arith.constant 0 : i32
      %dma_wait3A_247 = arith.constant 0 : i32
      %dma_wait3A_248 = tpu.memref_slice %arg10[%dma_wait3A_246, %dma_wait3A_247] : memref<2x8192xi32, #tpu.memory_space<vmem>> -> memref<1x8192xi32, #tpu.memory_space<vmem>>
      %dma_wait3A_249 = tpu.memref_squeeze %dma_wait3A_248 : memref<1x8192xi32, #tpu.memory_space<vmem>> -> memref<8192xi32, #tpu.memory_space<vmem>>
      %dma_wait3A_250 = tpu.memref_slice %arg2[%mul3A_245] : memref<2097152xi32, #tpu.memory_space<hbm>> -> memref<8192xi32, #tpu.memory_space<hbm>>
      %dma_wait3A_251 = arith.constant 0 : i32
      %dma_wait3A_252 = tpu.memref_slice %arg10[%dma_wait3A_246, %dma_wait3A_251] : memref<2x8192xi32, #tpu.memory_space<vmem>> -> memref<1x8192xi32, #tpu.memory_space<vmem>>
      %dma_wait3A_253 = tpu.memref_squeeze %dma_wait3A_252 : memref<1x8192xi32, #tpu.memory_space<vmem>> -> memref<8192xi32, #tpu.memory_space<vmem>>
      %dma_wait3A_254 = tpu.memref_slice %arg2[%mul3A_245] : memref<2097152xi32, #tpu.memory_space<hbm>> -> memref<8192xi32, #tpu.memory_space<hbm>>
      tpu.wait_dma2 semaphore(%arg18 : memref<!tpu.dma_semaphore, #tpu.memory_space<semaphore_mem>>) src(%dma_wait3A_254 : memref<8192xi32, #tpu.memory_space<hbm>>) dst(%dma_wait3A_253 : memref<8192xi32, #tpu.memory_space<vmem>>)
      %mul3A_255 = arith.constant 8192 : i32
      %mul3A_256 = arith.muli %add3A_239, %mul3A_255 : i32
      %add3A_257 = vector.broadcast %mul3A_256 : i32 to vector<16xi32>
      %add3A_258 = arith.addi %add3A_257, %iota3A : vector<16xi32>
      %scan3A_259 = arith.constant 0 : i32
      %scan3A_260 = arith.constant 512 : i32
      %scan3A_261 = arith.addi %scan3A_259, %scan3A_260 : i32
      %scan3A_262 = arith.constant 4 : i32
      %scan3A_263 = scf.for %scan3A_297 = %scan3A_259 to %scan3A_261 step %scan3A_262 iter_args(%scan3A_298 = %add3A_258) -> (vector<16xi32>)  : i32 {
        %mul3A_299 = arith.constant 16 : i32
        %mul3A_300 = arith.muli %scan3A_297, %mul3A_299 : i32
        %get3A = arith.constant 0 : i32
        %get3A_301 = arith.index_cast %get3A : i32 to index
        %get3A_302 = arith.index_cast %mul3A_300 : i32 to index
        %get3A_303 = tpu.vector_load %arg10[%get3A_301, %get3A_302] {strides = array<i32>} : memref<2x8192xi32, #tpu.memory_space<vmem>>, vector<16xi32>,
        %and3A = arith.constant 1048575 : i32
        %and3A_304 = vector.broadcast %and3A : i32 to vector<16xi32>
        %and3A_305 = arith.andi %get3A_303, %and3A_304 : vector<16xi32>
        %sub3A = vector.broadcast %mul3A_2 : i32 to vector<16xi32>
        %sub3A_306 = arith.subi %and3A_305, %sub3A : vector<16xi32>
        %lt3A_307 = arith.constant 24576 : i32
        %lt3A_308 = vector.broadcast %lt3A_307 : i32 to vector<16xi32>
        %lt3A_309 = arith.cmpi ult, %sub3A_306, %lt3A_308 : vector<16xi32>
        %max3A = arith.constant 0 : i32
        %max3A_310 = vector.broadcast %max3A : i32 to vector<16xi32>
        %max3A_311 = arith.maxsi %sub3A_306, %max3A_310 : vector<16xi32>
        %min3A = arith.constant 24575 : i32
        %min3A_312 = vector.broadcast %min3A : i32 to vector<16xi32>
        %min3A_313 = arith.minsi %max3A_311, %min3A_312 : vector<16xi32>
        %and3A_314 = arith.constant 1073741824 : i32
        %and3A_315 = vector.broadcast %and3A_314 : i32 to vector<16xi32>
        %and3A_316 = arith.andi %get3A_303, %and3A_315 : vector<16xi32>
        %ne3A = arith.constant 0 : i32
        %ne3A_317 = vector.broadcast %ne3A : i32 to vector<16xi32>
        %ne3A_318 = arith.cmpi ne, %and3A_316, %ne3A_317 : vector<16xi32>
        %and3A_319 = arith.andi %lt3A_309, %ne3A_318 : vector<16xi1>
        %lt3A_320 = arith.constant 0 : i32
        %lt3A_321 = vector.broadcast %lt3A_320 : i32 to vector<16xi32>
        %lt3A_322 = arith.cmpi slt, %get3A_303, %lt3A_321 : vector<16xi32>
        %and3A_323 = arith.andi %lt3A_309, %lt3A_322 : vector<16xi1>
        tpu.vector_store_idx %arg8[%min3A_313], %scan3A_298 masked %and3A_319 : memref<24576xi32, #tpu.memory_space<vmem>>[vector<16xi32>], vector<16xi32>, vector<16xi1>
        tpu.vector_store_idx %arg9[%min3A_313], %scan3A_298 masked %and3A_323 : memref<24576xi32, #tpu.memory_space<vmem>>[vector<16xi32>], vector<16xi32>, vector<16xi1>
        %add3A_324 = arith.constant 16 : i32
        %add3A_325 = vector.broadcast %add3A_324 : i32 to vector<16xi32>
        %add3A_326 = arith.addi %scan3A_298, %add3A_325 : vector<16xi32>
        %scan3A_327 = arith.constant 1 : i32
        %scan3A_328 = arith.addi %scan3A_297, %scan3A_327 : i32
        %mul3A_329 = arith.constant 16 : i32
        %mul3A_330 = arith.muli %scan3A_328, %mul3A_329 : i32
        %get3A_331 = arith.constant 0 : i32
        %get3A_332 = arith.index_cast %get3A_331 : i32 to index
        %get3A_333 = arith.index_cast %mul3A_330 : i32 to index
        %get3A_334 = tpu.vector_load %arg10[%get3A_332, %get3A_333] {strides = array<i32>} : memref<2x8192xi32, #tpu.memory_space<vmem>>, vector<16xi32>,
        %and3A_335 = arith.constant 1048575 : i32
        %and3A_336 = vector.broadcast %and3A_335 : i32 to vector<16xi32>
        %and3A_337 = arith.andi %get3A_334, %and3A_336 : vector<16xi32>
        %sub3A_338 = vector.broadcast %mul3A_2 : i32 to vector<16xi32>
        %sub3A_339 = arith.subi %and3A_337, %sub3A_338 : vector<16xi32>
        %lt3A_340 = arith.constant 24576 : i32
        %lt3A_341 = vector.broadcast %lt3A_340 : i32 to vector<16xi32>
        %lt3A_342 = arith.cmpi ult, %sub3A_339, %lt3A_341 : vector<16xi32>
        %max3A_343 = arith.constant 0 : i32
        %max3A_344 = vector.broadcast %max3A_343 : i32 to vector<16xi32>
        %max3A_345 = arith.maxsi %sub3A_339, %max3A_344 : vector<16xi32>
        %min3A_346 = arith.constant 24575 : i32
        %min3A_347 = vector.broadcast %min3A_346 : i32 to vector<16xi32>
        %min3A_348 = arith.minsi %max3A_345, %min3A_347 : vector<16xi32>
        %and3A_349 = arith.constant 1073741824 : i32
        %and3A_350 = vector.broadcast %and3A_349 : i32 to vector<16xi32>
        %and3A_351 = arith.andi %get3A_334, %and3A_350 : vector<16xi32>
        %ne3A_352 = arith.constant 0 : i32
        %ne3A_353 = vector.broadcast %ne3A_352 : i32 to vector<16xi32>
        %ne3A_354 = arith.cmpi ne, %and3A_351, %ne3A_353 : vector<16xi32>
        %and3A_355 = arith.andi %lt3A_342, %ne3A_354 : vector<16xi1>
        %lt3A_356 = arith.constant 0 : i32
        %lt3A_357 = vector.broadcast %lt3A_356 : i32 to vector<16xi32>
        %lt3A_358 = arith.cmpi slt, %get3A_334, %lt3A_357 : vector<16xi32>
        %and3A_359 = arith.andi %lt3A_342, %lt3A_358 : vector<16xi1>
        tpu.vector_store_idx %arg8[%min3A_348], %add3A_326 masked %and3A_355 : memref<24576xi32, #tpu.memory_space<vmem>>[vector<16xi32>], vector<16xi32>, vector<16xi1>
        tpu.vector_store_idx %arg9[%min3A_348], %add3A_326 masked %and3A_359 : memref<24576xi32, #tpu.memory_space<vmem>>[vector<16xi32>], vector<16xi32>, vector<16xi1>
        %add3A_360 = arith.constant 16 : i32
        %add3A_361 = vector.broadcast %add3A_360 : i32 to vector<16xi32>
        %add3A_362 = arith.addi %add3A_326, %add3A_361 : vector<16xi32>
        %scan3A_363 = arith.constant 2 : i32
        %scan3A_364 = arith.addi %scan3A_297, %scan3A_363 : i32
        %mul3A_365 = arith.constant 16 : i32
        %mul3A_366 = arith.muli %scan3A_364, %mul3A_365 : i32
        %get3A_367 = arith.constant 0 : i32
        %get3A_368 = arith.index_cast %get3A_367 : i32 to index
        %get3A_369 = arith.index_cast %mul3A_366 : i32 to index
        %get3A_370 = tpu.vector_load %arg10[%get3A_368, %get3A_369] {strides = array<i32>} : memref<2x8192xi32, #tpu.memory_space<vmem>>, vector<16xi32>,
        %and3A_371 = arith.constant 1048575 : i32
        %and3A_372 = vector.broadcast %and3A_371 : i32 to vector<16xi32>
        %and3A_373 = arith.andi %get3A_370, %and3A_372 : vector<16xi32>
        %sub3A_374 = vector.broadcast %mul3A_2 : i32 to vector<16xi32>
        %sub3A_375 = arith.subi %and3A_373, %sub3A_374 : vector<16xi32>
        %lt3A_376 = arith.constant 24576 : i32
        %lt3A_377 = vector.broadcast %lt3A_376 : i32 to vector<16xi32>
        %lt3A_378 = arith.cmpi ult, %sub3A_375, %lt3A_377 : vector<16xi32>
        %max3A_379 = arith.constant 0 : i32
        %max3A_380 = vector.broadcast %max3A_379 : i32 to vector<16xi32>
        %max3A_381 = arith.maxsi %sub3A_375, %max3A_380 : vector<16xi32>
        %min3A_382 = arith.constant 24575 : i32
        %min3A_383 = vector.broadcast %min3A_382 : i32 to vector<16xi32>
        %min3A_384 = arith.minsi %max3A_381, %min3A_383 : vector<16xi32>
        %and3A_385 = arith.constant 1073741824 : i32
        %and3A_386 = vector.broadcast %and3A_385 : i32 to vector<16xi32>
        %and3A_387 = arith.andi %get3A_370, %and3A_386 : vector<16xi32>
        %ne3A_388 = arith.constant 0 : i32
        %ne3A_389 = vector.broadcast %ne3A_388 : i32 to vector<16xi32>
        %ne3A_390 = arith.cmpi ne, %and3A_387, %ne3A_389 : vector<16xi32>
        %and3A_391 = arith.andi %lt3A_378, %ne3A_390 : vector<16xi1>
        %lt3A_392 = arith.constant 0 : i32
        %lt3A_393 = vector.broadcast %lt3A_392 : i32 to vector<16xi32>
        %lt3A_394 = arith.cmpi slt, %get3A_370, %lt3A_393 : vector<16xi32>
        %and3A_395 = arith.andi %lt3A_378, %lt3A_394 : vector<16xi1>
        tpu.vector_store_idx %arg8[%min3A_384], %add3A_362 masked %and3A_391 : memref<24576xi32, #tpu.memory_space<vmem>>[vector<16xi32>], vector<16xi32>, vector<16xi1>
        tpu.vector_store_idx %arg9[%min3A_384], %add3A_362 masked %and3A_395 : memref<24576xi32, #tpu.memory_space<vmem>>[vector<16xi32>], vector<16xi32>, vector<16xi1>
        %add3A_396 = arith.constant 16 : i32
        %add3A_397 = vector.broadcast %add3A_396 : i32 to vector<16xi32>
        %add3A_398 = arith.addi %add3A_362, %add3A_397 : vector<16xi32>
        %scan3A_399 = arith.constant 3 : i32
        %scan3A_400 = arith.addi %scan3A_297, %scan3A_399 : i32
        %mul3A_401 = arith.constant 16 : i32
        %mul3A_402 = arith.muli %scan3A_400, %mul3A_401 : i32
        %get3A_403 = arith.constant 0 : i32
        %get3A_404 = arith.index_cast %get3A_403 : i32 to index
        %get3A_405 = arith.index_cast %mul3A_402 : i32 to index
        %get3A_406 = tpu.vector_load %arg10[%get3A_404, %get3A_405] {strides = array<i32>} : memref<2x8192xi32, #tpu.memory_space<vmem>>, vector<16xi32>,
        %and3A_407 = arith.constant 1048575 : i32
        %and3A_408 = vector.broadcast %and3A_407 : i32 to vector<16xi32>
        %and3A_409 = arith.andi %get3A_406, %and3A_408 : vector<16xi32>
        %sub3A_410 = vector.broadcast %mul3A_2 : i32 to vector<16xi32>
        %sub3A_411 = arith.subi %and3A_409, %sub3A_410 : vector<16xi32>
        %lt3A_412 = arith.constant 24576 : i32
        %lt3A_413 = vector.broadcast %lt3A_412 : i32 to vector<16xi32>
        %lt3A_414 = arith.cmpi ult, %sub3A_411, %lt3A_413 : vector<16xi32>
        %max3A_415 = arith.constant 0 : i32
        %max3A_416 = vector.broadcast %max3A_415 : i32 to vector<16xi32>
        %max3A_417 = arith.maxsi %sub3A_411, %max3A_416 : vector<16xi32>
        %min3A_418 = arith.constant 24575 : i32
        %min3A_419 = vector.broadcast %min3A_418 : i32 to vector<16xi32>
        %min3A_420 = arith.minsi %max3A_417, %min3A_419 : vector<16xi32>
        %and3A_421 = arith.constant 1073741824 : i32
        %and3A_422 = vector.broadcast %and3A_421 : i32 to vector<16xi32>
        %and3A_423 = arith.andi %get3A_406, %and3A_422 : vector<16xi32>
        %ne3A_424 = arith.constant 0 : i32
        %ne3A_425 = vector.broadcast %ne3A_424 : i32 to vector<16xi32>
        %ne3A_426 = arith.cmpi ne, %and3A_423, %ne3A_425 : vector<16xi32>
        %and3A_427 = arith.andi %lt3A_414, %ne3A_426 : vector<16xi1>
        %lt3A_428 = arith.constant 0 : i32
        %lt3A_429 = vector.broadcast %lt3A_428 : i32 to vector<16xi32>
        %lt3A_430 = arith.cmpi slt, %get3A_406, %lt3A_429 : vector<16xi32>
        %and3A_431 = arith.andi %lt3A_414, %lt3A_430 : vector<16xi1>
        tpu.vector_store_idx %arg8[%min3A_420], %add3A_398 masked %and3A_427 : memref<24576xi32, #tpu.memory_space<vmem>>[vector<16xi32>], vector<16xi32>, vector<16xi1>
        tpu.vector_store_idx %arg9[%min3A_420], %add3A_398 masked %and3A_431 : memref<24576xi32, #tpu.memory_space<vmem>>[vector<16xi32>], vector<16xi32>, vector<16xi1>
        %add3A_432 = arith.constant 16 : i32
        %add3A_433 = vector.broadcast %add3A_432 : i32 to vector<16xi32>
        %add3A_434 = arith.addi %add3A_398, %add3A_433 : vector<16xi32>
        scf.yield %add3A_434 : vector<16xi32>
      }
      %scan3A_264 = arith.constant 512 : i32
      %mul3A_265 = arith.constant 2 : i32
      %mul3A_266 = arith.muli %scan3A_235, %mul3A_265 : i32
      %add3A_267 = arith.constant 1 : i32
      %add3A_268 = arith.addi %mul3A_266, %add3A_267 : i32
      %add3A_269 = arith.constant 1 : i32
      %add3A_270 = arith.addi %add3A_268, %add3A_269 : i32
      %lt3A_271 = arith.constant 256 : i32
      %lt3A_272 = arith.cmpi slt, %add3A_270, %lt3A_271 : i32
      %convert_element_type3A_273 = arith.extui %lt3A_272 : i1 to i32
      %cond3A_274 = arith.constant 0 : i32
      %cond3A_275 = arith.cmpi ne, %convert_element_type3A_273, %cond3A_274 : i32
      scf.if %cond3A_275 {
        %mul3A_297 = arith.constant 8192 : i32
        %mul3A_298 = arith.muli %add3A_270, %mul3A_297 : i32
        %dma_start3A_299 = arith.constant 0 : i32
        %dma_start3A_300 = arith.constant 0 : i32
        %dma_start3A_301 = tpu.memref_slice %arg10[%dma_start3A_299, %dma_start3A_300] : memref<2x8192xi32, #tpu.memory_space<vmem>> -> memref<1x8192xi32, #tpu.memory_space<vmem>>
        %dma_start3A_302 = tpu.memref_squeeze %dma_start3A_301 : memref<1x8192xi32, #tpu.memory_space<vmem>> -> memref<8192xi32, #tpu.memory_space<vmem>>
        %dma_start3A_303 = tpu.memref_slice %arg2[%mul3A_298] : memref<2097152xi32, #tpu.memory_space<hbm>> -> memref<8192xi32, #tpu.memory_space<hbm>>
        %dma_start3A_304 = arith.constant 0 : i32
        %dma_start3A_305 = tpu.memref_slice %arg10[%dma_start3A_299, %dma_start3A_304] : memref<2x8192xi32, #tpu.memory_space<vmem>> -> memref<1x8192xi32, #tpu.memory_space<vmem>>
        %dma_start3A_306 = tpu.memref_squeeze %dma_start3A_305 : memref<1x8192xi32, #tpu.memory_space<vmem>> -> memref<8192xi32, #tpu.memory_space<vmem>>
        %dma_start3A_307 = tpu.memref_slice %arg2[%mul3A_298] : memref<2097152xi32, #tpu.memory_space<hbm>> -> memref<8192xi32, #tpu.memory_space<hbm>>
        tpu.enqueue_dma source(%dma_start3A_307 : memref<8192xi32, #tpu.memory_space<hbm>>) target(%dma_start3A_306 : memref<8192xi32, #tpu.memory_space<vmem>>) target_semaphore(%arg18 : memref<!tpu.dma_semaphore, #tpu.memory_space<semaphore_mem>>)
      } else {
      }
      %mul3A_276 = arith.constant 8192 : i32
      %mul3A_277 = arith.muli %add3A_268, %mul3A_276 : i32
      %dma_wait3A_278 = arith.constant 1 : i32
      %dma_wait3A_279 = arith.constant 0 : i32
      %dma_wait3A_280 = tpu.memref_slice %arg10[%dma_wait3A_278, %dma_wait3A_279] : memref<2x8192xi32, #tpu.memory_space<vmem>> -> memref<1x8192xi32, #tpu.memory_space<vmem>>
      %dma_wait3A_281 = tpu.memref_squeeze %dma_wait3A_280 : memref<1x8192xi32, #tpu.memory_space<vmem>> -> memref<8192xi32, #tpu.memory_space<vmem>>
      %dma_wait3A_282 = tpu.memref_slice %arg2[%mul3A_277] : memref<2097152xi32, #tpu.memory_space<hbm>> -> memref<8192xi32, #tpu.memory_space<hbm>>
      %dma_wait3A_283 = arith.constant 0 : i32
      %dma_wait3A_284 = tpu.memref_slice %arg10[%dma_wait3A_278, %dma_wait3A_283] : memref<2x8192xi32, #tpu.memory_space<vmem>> -> memref<1x8192xi32, #tpu.memory_space<vmem>>
      %dma_wait3A_285 = tpu.memref_squeeze %dma_wait3A_284 : memref<1x8192xi32, #tpu.memory_space<vmem>> -> memref<8192xi32, #tpu.memory_space<vmem>>
      %dma_wait3A_286 = tpu.memref_slice %arg2[%mul3A_277] : memref<2097152xi32, #tpu.memory_space<hbm>> -> memref<8192xi32, #tpu.memory_space<hbm>>
      tpu.wait_dma2 semaphore(%arg19 : memref<!tpu.dma_semaphore, #tpu.memory_space<semaphore_mem>>) src(%dma_wait3A_286 : memref<8192xi32, #tpu.memory_space<hbm>>) dst(%dma_wait3A_285 : memref<8192xi32, #tpu.memory_space<vmem>>)
      %mul3A_287 = arith.constant 8192 : i32
      %mul3A_288 = arith.muli %add3A_268, %mul3A_287 : i32
      %add3A_289 = vector.broadcast %mul3A_288 : i32 to vector<16xi32>
      %add3A_290 = arith.addi %add3A_289, %iota3A : vector<16xi32>
      %scan3A_291 = arith.constant 0 : i32
      %scan3A_292 = arith.constant 512 : i32
      %scan3A_293 = arith.addi %scan3A_291, %scan3A_292 : i32
      %scan3A_294 = arith.constant 4 : i32
      %scan3A_295 = scf.for %scan3A_297 = %scan3A_291 to %scan3A_293 step %scan3A_294 iter_args(%scan3A_298 = %add3A_290) -> (vector<16xi32>)  : i32 {
        %mul3A_299 = arith.constant 16 : i32
        %mul3A_300 = arith.muli %scan3A_297, %mul3A_299 : i32
        %get3A = arith.constant 1 : i32
        %get3A_301 = arith.index_cast %get3A : i32 to index
        %get3A_302 = arith.index_cast %mul3A_300 : i32 to index
        %get3A_303 = tpu.vector_load %arg10[%get3A_301, %get3A_302] {strides = array<i32>} : memref<2x8192xi32, #tpu.memory_space<vmem>>, vector<16xi32>,
        %and3A = arith.constant 1048575 : i32
        %and3A_304 = vector.broadcast %and3A : i32 to vector<16xi32>
        %and3A_305 = arith.andi %get3A_303, %and3A_304 : vector<16xi32>
        %sub3A = vector.broadcast %mul3A_2 : i32 to vector<16xi32>
        %sub3A_306 = arith.subi %and3A_305, %sub3A : vector<16xi32>
        %lt3A_307 = arith.constant 24576 : i32
        %lt3A_308 = vector.broadcast %lt3A_307 : i32 to vector<16xi32>
        %lt3A_309 = arith.cmpi ult, %sub3A_306, %lt3A_308 : vector<16xi32>
        %max3A = arith.constant 0 : i32
        %max3A_310 = vector.broadcast %max3A : i32 to vector<16xi32>
        %max3A_311 = arith.maxsi %sub3A_306, %max3A_310 : vector<16xi32>
        %min3A = arith.constant 24575 : i32
        %min3A_312 = vector.broadcast %min3A : i32 to vector<16xi32>
        %min3A_313 = arith.minsi %max3A_311, %min3A_312 : vector<16xi32>
        %and3A_314 = arith.constant 1073741824 : i32
        %and3A_315 = vector.broadcast %and3A_314 : i32 to vector<16xi32>
        %and3A_316 = arith.andi %get3A_303, %and3A_315 : vector<16xi32>
        %ne3A = arith.constant 0 : i32
        %ne3A_317 = vector.broadcast %ne3A : i32 to vector<16xi32>
        %ne3A_318 = arith.cmpi ne, %and3A_316, %ne3A_317 : vector<16xi32>
        %and3A_319 = arith.andi %lt3A_309, %ne3A_318 : vector<16xi1>
        %lt3A_320 = arith.constant 0 : i32
        %lt3A_321 = vector.broadcast %lt3A_320 : i32 to vector<16xi32>
        %lt3A_322 = arith.cmpi slt, %get3A_303, %lt3A_321 : vector<16xi32>
        %and3A_323 = arith.andi %lt3A_309, %lt3A_322 : vector<16xi1>
        tpu.vector_store_idx %arg8[%min3A_313], %scan3A_298 masked %and3A_319 : memref<24576xi32, #tpu.memory_space<vmem>>[vector<16xi32>], vector<16xi32>, vector<16xi1>
        tpu.vector_store_idx %arg9[%min3A_313], %scan3A_298 masked %and3A_323 : memref<24576xi32, #tpu.memory_space<vmem>>[vector<16xi32>], vector<16xi32>, vector<16xi1>
        %add3A_324 = arith.constant 16 : i32
        %add3A_325 = vector.broadcast %add3A_324 : i32 to vector<16xi32>
        %add3A_326 = arith.addi %scan3A_298, %add3A_325 : vector<16xi32>
        %scan3A_327 = arith.constant 1 : i32
        %scan3A_328 = arith.addi %scan3A_297, %scan3A_327 : i32
        %mul3A_329 = arith.constant 16 : i32
        %mul3A_330 = arith.muli %scan3A_328, %mul3A_329 : i32
        %get3A_331 = arith.constant 1 : i32
        %get3A_332 = arith.index_cast %get3A_331 : i32 to index
        %get3A_333 = arith.index_cast %mul3A_330 : i32 to index
        %get3A_334 = tpu.vector_load %arg10[%get3A_332, %get3A_333] {strides = array<i32>} : memref<2x8192xi32, #tpu.memory_space<vmem>>, vector<16xi32>,
        %and3A_335 = arith.constant 1048575 : i32
        %and3A_336 = vector.broadcast %and3A_335 : i32 to vector<16xi32>
        %and3A_337 = arith.andi %get3A_334, %and3A_336 : vector<16xi32>
        %sub3A_338 = vector.broadcast %mul3A_2 : i32 to vector<16xi32>
        %sub3A_339 = arith.subi %and3A_337, %sub3A_338 : vector<16xi32>
        %lt3A_340 = arith.constant 24576 : i32
        %lt3A_341 = vector.broadcast %lt3A_340 : i32 to vector<16xi32>
        %lt3A_342 = arith.cmpi ult, %sub3A_339, %lt3A_341 : vector<16xi32>
        %max3A_343 = arith.constant 0 : i32
        %max3A_344 = vector.broadcast %max3A_343 : i32 to vector<16xi32>
        %max3A_345 = arith.maxsi %sub3A_339, %max3A_344 : vector<16xi32>
        %min3A_346 = arith.constant 24575 : i32
        %min3A_347 = vector.broadcast %min3A_346 : i32 to vector<16xi32>
        %min3A_348 = arith.minsi %max3A_345, %min3A_347 : vector<16xi32>
        %and3A_349 = arith.constant 1073741824 : i32
        %and3A_350 = vector.broadcast %and3A_349 : i32 to vector<16xi32>
        %and3A_351 = arith.andi %get3A_334, %and3A_350 : vector<16xi32>
        %ne3A_352 = arith.constant 0 : i32
        %ne3A_353 = vector.broadcast %ne3A_352 : i32 to vector<16xi32>
        %ne3A_354 = arith.cmpi ne, %and3A_351, %ne3A_353 : vector<16xi32>
        %and3A_355 = arith.andi %lt3A_342, %ne3A_354 : vector<16xi1>
        %lt3A_356 = arith.constant 0 : i32
        %lt3A_357 = vector.broadcast %lt3A_356 : i32 to vector<16xi32>
        %lt3A_358 = arith.cmpi slt, %get3A_334, %lt3A_357 : vector<16xi32>
        %and3A_359 = arith.andi %lt3A_342, %lt3A_358 : vector<16xi1>
        tpu.vector_store_idx %arg8[%min3A_348], %add3A_326 masked %and3A_355 : memref<24576xi32, #tpu.memory_space<vmem>>[vector<16xi32>], vector<16xi32>, vector<16xi1>
        tpu.vector_store_idx %arg9[%min3A_348], %add3A_326 masked %and3A_359 : memref<24576xi32, #tpu.memory_space<vmem>>[vector<16xi32>], vector<16xi32>, vector<16xi1>
        %add3A_360 = arith.constant 16 : i32
        %add3A_361 = vector.broadcast %add3A_360 : i32 to vector<16xi32>
        %add3A_362 = arith.addi %add3A_326, %add3A_361 : vector<16xi32>
        %scan3A_363 = arith.constant 2 : i32
        %scan3A_364 = arith.addi %scan3A_297, %scan3A_363 : i32
        %mul3A_365 = arith.constant 16 : i32
        %mul3A_366 = arith.muli %scan3A_364, %mul3A_365 : i32
        %get3A_367 = arith.constant 1 : i32
        %get3A_368 = arith.index_cast %get3A_367 : i32 to index
        %get3A_369 = arith.index_cast %mul3A_366 : i32 to index
        %get3A_370 = tpu.vector_load %arg10[%get3A_368, %get3A_369] {strides = array<i32>} : memref<2x8192xi32, #tpu.memory_space<vmem>>, vector<16xi32>,
        %and3A_371 = arith.constant 1048575 : i32
        %and3A_372 = vector.broadcast %and3A_371 : i32 to vector<16xi32>
        %and3A_373 = arith.andi %get3A_370, %and3A_372 : vector<16xi32>
        %sub3A_374 = vector.broadcast %mul3A_2 : i32 to vector<16xi32>
        %sub3A_375 = arith.subi %and3A_373, %sub3A_374 : vector<16xi32>
        %lt3A_376 = arith.constant 24576 : i32
        %lt3A_377 = vector.broadcast %lt3A_376 : i32 to vector<16xi32>
        %lt3A_378 = arith.cmpi ult, %sub3A_375, %lt3A_377 : vector<16xi32>
        %max3A_379 = arith.constant 0 : i32
        %max3A_380 = vector.broadcast %max3A_379 : i32 to vector<16xi32>
        %max3A_381 = arith.maxsi %sub3A_375, %max3A_380 : vector<16xi32>
        %min3A_382 = arith.constant 24575 : i32
        %min3A_383 = vector.broadcast %min3A_382 : i32 to vector<16xi32>
        %min3A_384 = arith.minsi %max3A_381, %min3A_383 : vector<16xi32>
        %and3A_385 = arith.constant 1073741824 : i32
        %and3A_386 = vector.broadcast %and3A_385 : i32 to vector<16xi32>
        %and3A_387 = arith.andi %get3A_370, %and3A_386 : vector<16xi32>
        %ne3A_388 = arith.constant 0 : i32
        %ne3A_389 = vector.broadcast %ne3A_388 : i32 to vector<16xi32>
        %ne3A_390 = arith.cmpi ne, %and3A_387, %ne3A_389 : vector<16xi32>
        %and3A_391 = arith.andi %lt3A_378, %ne3A_390 : vector<16xi1>
        %lt3A_392 = arith.constant 0 : i32
        %lt3A_393 = vector.broadcast %lt3A_392 : i32 to vector<16xi32>
        %lt3A_394 = arith.cmpi slt, %get3A_370, %lt3A_393 : vector<16xi32>
        %and3A_395 = arith.andi %lt3A_378, %lt3A_394 : vector<16xi1>
        tpu.vector_store_idx %arg8[%min3A_384], %add3A_362 masked %and3A_391 : memref<24576xi32, #tpu.memory_space<vmem>>[vector<16xi32>], vector<16xi32>, vector<16xi1>
        tpu.vector_store_idx %arg9[%min3A_384], %add3A_362 masked %and3A_395 : memref<24576xi32, #tpu.memory_space<vmem>>[vector<16xi32>], vector<16xi32>, vector<16xi1>
        %add3A_396 = arith.constant 16 : i32
        %add3A_397 = vector.broadcast %add3A_396 : i32 to vector<16xi32>
        %add3A_398 = arith.addi %add3A_362, %add3A_397 : vector<16xi32>
        %scan3A_399 = arith.constant 3 : i32
        %scan3A_400 = arith.addi %scan3A_297, %scan3A_399 : i32
        %mul3A_401 = arith.constant 16 : i32
        %mul3A_402 = arith.muli %scan3A_400, %mul3A_401 : i32
        %get3A_403 = arith.constant 1 : i32
        %get3A_404 = arith.index_cast %get3A_403 : i32 to index
        %get3A_405 = arith.index_cast %mul3A_402 : i32 to index
        %get3A_406 = tpu.vector_load %arg10[%get3A_404, %get3A_405] {strides = array<i32>} : memref<2x8192xi32, #tpu.memory_space<vmem>>, vector<16xi32>,
        %and3A_407 = arith.constant 1048575 : i32
        %and3A_408 = vector.broadcast %and3A_407 : i32 to vector<16xi32>
        %and3A_409 = arith.andi %get3A_406, %and3A_408 : vector<16xi32>
        %sub3A_410 = vector.broadcast %mul3A_2 : i32 to vector<16xi32>
        %sub3A_411 = arith.subi %and3A_409, %sub3A_410 : vector<16xi32>
        %lt3A_412 = arith.constant 24576 : i32
        %lt3A_413 = vector.broadcast %lt3A_412 : i32 to vector<16xi32>
        %lt3A_414 = arith.cmpi ult, %sub3A_411, %lt3A_413 : vector<16xi32>
        %max3A_415 = arith.constant 0 : i32
        %max3A_416 = vector.broadcast %max3A_415 : i32 to vector<16xi32>
        %max3A_417 = arith.maxsi %sub3A_411, %max3A_416 : vector<16xi32>
        %min3A_418 = arith.constant 24575 : i32
        %min3A_419 = vector.broadcast %min3A_418 : i32 to vector<16xi32>
        %min3A_420 = arith.minsi %max3A_417, %min3A_419 : vector<16xi32>
        %and3A_421 = arith.constant 1073741824 : i32
        %and3A_422 = vector.broadcast %and3A_421 : i32 to vector<16xi32>
        %and3A_423 = arith.andi %get3A_406, %and3A_422 : vector<16xi32>
        %ne3A_424 = arith.constant 0 : i32
        %ne3A_425 = vector.broadcast %ne3A_424 : i32 to vector<16xi32>
        %ne3A_426 = arith.cmpi ne, %and3A_423, %ne3A_425 : vector<16xi32>
        %and3A_427 = arith.andi %lt3A_414, %ne3A_426 : vector<16xi1>
        %lt3A_428 = arith.constant 0 : i32
        %lt3A_429 = vector.broadcast %lt3A_428 : i32 to vector<16xi32>
        %lt3A_430 = arith.cmpi slt, %get3A_406, %lt3A_429 : vector<16xi32>
        %and3A_431 = arith.andi %lt3A_414, %lt3A_430 : vector<16xi1>
        tpu.vector_store_idx %arg8[%min3A_420], %add3A_398 masked %and3A_427 : memref<24576xi32, #tpu.memory_space<vmem>>[vector<16xi32>], vector<16xi32>, vector<16xi1>
        tpu.vector_store_idx %arg9[%min3A_420], %add3A_398 masked %and3A_431 : memref<24576xi32, #tpu.memory_space<vmem>>[vector<16xi32>], vector<16xi32>, vector<16xi1>
        %add3A_432 = arith.constant 16 : i32
        %add3A_433 = vector.broadcast %add3A_432 : i32 to vector<16xi32>
        %add3A_434 = arith.addi %add3A_398, %add3A_433 : vector<16xi32>
        scf.yield %add3A_434 : vector<16xi32>
      }
      %scan3A_296 = arith.constant 512 : i32
    }
    %scan3A_32 = arith.constant 128 : i32
    %scan3A_33 = arith.constant 0 : i32
    %scan3A_34 = arith.constant 0 : i32
    %scan3A_35 = arith.constant 512 : i32
    %scan3A_36 = arith.addi %scan3A_34, %scan3A_35 : i32
    %scan3A_37 = arith.constant 1 : i32
    scf.for %scan3A_235 = %scan3A_34 to %scan3A_36 step %scan3A_37  : i32 {
      %mul3A_236 = arith.constant 16 : i32
      %mul3A_237 = arith.muli %scan3A_235, %mul3A_236 : i32
      %add3A_238 = arith.constant 0 : i32
      %add3A_239 = arith.addi %add3A_238, %mul3A_237 : i32
      %get3A = arith.index_cast %add3A_239 : i32 to index
      %get3A_240 = tpu.vector_load %arg8[%get3A] {strides = array<i32>} : memref<24576xi32, #tpu.memory_space<vmem>>, vector<16xi32>,
      %lt3A = arith.constant 0 : i32
      %lt3A_241 = vector.broadcast %lt3A : i32 to vector<16xi32>
      %lt3A_242 = arith.cmpi slt, %get3A_240, %lt3A_241 : vector<16xi32>
      %mul3A_243 = arith.constant 16 : i32
      %mul3A_244 = arith.muli %scan3A_235, %mul3A_243 : i32
      %add3A_245 = vector.broadcast %mul3A_244 : i32 to vector<16xi32>
      %add3A_246 = arith.addi %add3A_245, %iota3A : vector<16xi32>
      %select_n3A = arith.select %lt3A_242, %add3A_246, %get3A_240 : vector<16xi1>, vector<16xi32>
      %mul3A_247 = arith.constant 16 : i32
      %mul3A_248 = arith.muli %scan3A_235, %mul3A_247 : i32
      %swap3A = arith.index_cast %mul3A_248 : i32 to index
      %swap3A_249 = tpu.vector_load %arg13[%swap3A] {strides = array<i32>} : memref<8192xi32, #tpu.memory_space<vmem>>, vector<16xi32>,
      tpu.vector_store %arg13[%swap3A], %select_n3A {strides = array<i32>} : memref<8192xi32, #tpu.memory_space<vmem>>, vector<16xi32>,
    }
    %scan3A_38 = arith.constant 512 : i32
    %dma_start3A_39 = arith.constant 0 : i32
    %dma_start3A_40 = tpu.memref_slice %arg3[%dma_start3A_39] : memref<2097152xf32, #tpu.memory_space<hbm>> -> memref<2097152xf32, #tpu.memory_space<hbm>>
    tpu.enqueue_indirect_dma source(%dma_start3A_40 : memref<2097152xf32, #tpu.memory_space<hbm>>) target(%arg14 : memref<8192xf32, #tpu.memory_space<vmem>>) offsets(%arg13 : memref<8192xi32, #tpu.memory_space<vmem>>) semaphore(%arg20 : memref<!tpu.dma_semaphore, #tpu.memory_space<semaphore_mem>>)
    %dma_start3A_41 = arith.constant 0 : i32
    %dma_start3A_42 = tpu.memref_slice %arg4[%dma_start3A_41] : memref<2097152xf32, #tpu.memory_space<hbm>> -> memref<2097152xf32, #tpu.memory_space<hbm>>
    tpu.enqueue_indirect_dma source(%dma_start3A_42 : memref<2097152xf32, #tpu.memory_space<hbm>>) target(%arg15 : memref<8192xf32, #tpu.memory_space<vmem>>) offsets(%arg13 : memref<8192xi32, #tpu.memory_space<vmem>>) semaphore(%arg20 : memref<!tpu.dma_semaphore, #tpu.memory_space<semaphore_mem>>)
    %dma_start3A_43 = arith.constant 0 : i32
    %dma_start3A_44 = tpu.memref_slice %arg5[%dma_start3A_43] : memref<2097152xf32, #tpu.memory_space<hbm>> -> memref<2097152xf32, #tpu.memory_space<hbm>>
    tpu.enqueue_indirect_dma source(%dma_start3A_44 : memref<2097152xf32, #tpu.memory_space<hbm>>) target(%arg16 : memref<8192xf32, #tpu.memory_space<vmem>>) offsets(%arg13 : memref<8192xi32, #tpu.memory_space<vmem>>) semaphore(%arg20 : memref<!tpu.dma_semaphore, #tpu.memory_space<semaphore_mem>>)
    %dma_wait3A = arith.constant 0 : i32
    %dma_wait3A_45 = tpu.memref_slice %arg3[%dma_wait3A] : memref<2097152xf32, #tpu.memory_space<hbm>> -> memref<2097152xf32, #tpu.memory_space<hbm>>
    tpu.wait_indirect_dma semaphore(%arg20 : memref<!tpu.dma_semaphore, #tpu.memory_space<semaphore_mem>>) src(%dma_wait3A_45 : memref<2097152xf32, #tpu.memory_space<hbm>>) dst(%arg14 : memref<8192xf32, #tpu.memory_space<vmem>>)
    %dma_wait3A_46 = arith.constant 0 : i32
    %dma_wait3A_47 = tpu.memref_slice %arg4[%dma_wait3A_46] : memref<2097152xf32, #tpu.memory_space<hbm>> -> memref<2097152xf32, #tpu.memory_space<hbm>>
    tpu.wait_indirect_dma semaphore(%arg20 : memref<!tpu.dma_semaphore, #tpu.memory_space<semaphore_mem>>) src(%dma_wait3A_47 : memref<2097152xf32, #tpu.memory_space<hbm>>) dst(%arg15 : memref<8192xf32, #tpu.memory_space<vmem>>)
    %dma_wait3A_48 = arith.constant 0 : i32
    %dma_wait3A_49 = tpu.memref_slice %arg5[%dma_wait3A_48] : memref<2097152xf32, #tpu.memory_space<hbm>> -> memref<2097152xf32, #tpu.memory_space<hbm>>
    tpu.wait_indirect_dma semaphore(%arg20 : memref<!tpu.dma_semaphore, #tpu.memory_space<semaphore_mem>>) src(%dma_wait3A_49 : memref<2097152xf32, #tpu.memory_space<hbm>>) dst(%arg16 : memref<8192xf32, #tpu.memory_space<vmem>>)
    %scan3A_50 = arith.constant 0 : i32
    %scan3A_51 = arith.constant 0 : i32
    %scan3A_52 = arith.constant 512 : i32
    %scan3A_53 = arith.addi %scan3A_51, %scan3A_52 : i32
    %scan3A_54 = arith.constant 1 : i32
    scf.for %scan3A_235 = %scan3A_51 to %scan3A_53 step %scan3A_54  : i32 {
      %mul3A_236 = arith.constant 16 : i32
      %mul3A_237 = arith.muli %scan3A_235, %mul3A_236 : i32
      %add3A_238 = arith.constant 0 : i32
      %add3A_239 = arith.addi %add3A_238, %mul3A_237 : i32
      %get3A = arith.index_cast %add3A_239 : i32 to index
      %get3A_240 = tpu.vector_load %arg8[%get3A] {strides = array<i32>} : memref<24576xi32, #tpu.memory_space<vmem>>, vector<16xi32>,
      %lt3A = arith.constant 0 : i32
      %lt3A_241 = vector.broadcast %lt3A : i32 to vector<16xi32>
      %lt3A_242 = arith.cmpi slt, %get3A_240, %lt3A_241 : vector<16xi32>
      %mul3A_243 = arith.constant 16 : i32
      %mul3A_244 = arith.muli %scan3A_235, %mul3A_243 : i32
      %get3A_245 = arith.index_cast %mul3A_244 : i32 to index
      %get3A_246 = tpu.vector_load %arg14[%get3A_245] {strides = array<i32>} : memref<8192xf32, #tpu.memory_space<vmem>>, vector<16xf32>,
      %jit3A = arith.constant 9.990000e+02 : f32
      %broadcast_in_dim3A_247 = vector.broadcast %jit3A : f32 to vector<16xf32>
      %select_n3A = arith.select %lt3A_242, %broadcast_in_dim3A_247, %get3A_246 : vector<16xi1>, vector<16xf32>
      %swap3A = arith.index_cast %mul3A_244 : i32 to index
      %swap3A_248 = tpu.vector_load %arg14[%swap3A] {strides = array<i32>} : memref<8192xf32, #tpu.memory_space<vmem>>, vector<16xf32>,
      tpu.vector_store %arg14[%swap3A], %select_n3A {strides = array<i32>} : memref<8192xf32, #tpu.memory_space<vmem>>, vector<16xf32>,
      %get3A_249 = arith.index_cast %mul3A_244 : i32 to index
      %get3A_250 = tpu.vector_load %arg15[%get3A_249] {strides = array<i32>} : memref<8192xf32, #tpu.memory_space<vmem>>, vector<16xf32>,
      %jit3A_251 = arith.constant 9.990000e+02 : f32
      %broadcast_in_dim3A_252 = vector.broadcast %jit3A_251 : f32 to vector<16xf32>
      %select_n3A_253 = arith.select %lt3A_242, %broadcast_in_dim3A_252, %get3A_250 : vector<16xi1>, vector<16xf32>
      %swap3A_254 = arith.index_cast %mul3A_244 : i32 to index
      %swap3A_255 = tpu.vector_load %arg15[%swap3A_254] {strides = array<i32>} : memref<8192xf32, #tpu.memory_space<vmem>>, vector<16xf32>,
      tpu.vector_store %arg15[%swap3A_254], %select_n3A_253 {strides = array<i32>} : memref<8192xf32, #tpu.memory_space<vmem>>, vector<16xf32>,
      %get3A_256 = arith.index_cast %mul3A_244 : i32 to index
      %get3A_257 = tpu.vector_load %arg16[%get3A_256] {strides = array<i32>} : memref<8192xf32, #tpu.memory_space<vmem>>, vector<16xf32>,
      %jit3A_258 = arith.constant 9.990000e+02 : f32
      %broadcast_in_dim3A_259 = vector.broadcast %jit3A_258 : f32 to vector<16xf32>
      %select_n3A_260 = arith.select %lt3A_242, %broadcast_in_dim3A_259, %get3A_257 : vector<16xi1>, vector<16xf32>
      %swap3A_261 = arith.index_cast %mul3A_244 : i32 to index
      %swap3A_262 = tpu.vector_load %arg16[%swap3A_261] {strides = array<i32>} : memref<8192xf32, #tpu.memory_space<vmem>>, vector<16xf32>,
      tpu.vector_store %arg16[%swap3A_261], %select_n3A_260 {strides = array<i32>} : memref<8192xf32, #tpu.memory_space<vmem>>, vector<16xf32>,
    }
    %scan3A_55 = arith.constant 512 : i32
    %run_scoped3A = arith.constant 0 : i32
    %run_scoped3A_56 = arith.constant 0 : i32
    "tpu.region"() ({
      %run_scoped3A_235 = tpu.sem_alloc : memref<!tpu.dma_semaphore, #tpu.memory_space<semaphore_mem>>
      %dma_start3A_236 = arith.constant 0 : i32
      %dma_start3A_237 = tpu.memref_slice %arg7[%run_scoped3A, %add3A, %run_scoped3A_56, %dma_start3A_236] : memref<2x32x10x8192xf32, #tpu.memory_space<hbm>> -> memref<1x1x1x8192xf32, #tpu.memory_space<hbm>>
      %dma_start3A_238 = tpu.memref_squeeze %dma_start3A_237 : memref<1x1x1x8192xf32, #tpu.memory_space<hbm>> -> memref<8192xf32, #tpu.memory_space<hbm>>
      %dma_start3A_239 = arith.constant 0 : i32
      %dma_start3A_240 = tpu.memref_slice %arg7[%run_scoped3A, %add3A, %run_scoped3A_56, %dma_start3A_239] : memref<2x32x10x8192xf32, #tpu.memory_space<hbm>> -> memref<1x1x1x8192xf32, #tpu.memory_space<hbm>>
      %dma_start3A_241 = tpu.memref_squeeze %dma_start3A_240 : memref<1x1x1x8192xf32, #tpu.memory_space<hbm>> -> memref<8192xf32, #tpu.memory_space<hbm>>
      tpu.enqueue_dma source(%arg14 : memref<8192xf32, #tpu.memory_space<vmem>>) target(%dma_start3A_241 : memref<8192xf32, #tpu.memory_space<hbm>>) target_semaphore(%run_scoped3A_235 : memref<!tpu.dma_semaphore, #tpu.memory_space<semaphore_mem>>)
      %dma_wait3A_242 = arith.constant 0 : i32
      %dma_wait3A_243 = tpu.memref_slice %arg7[%run_scoped3A, %add3A, %run_scoped3A_56, %dma_wait3A_242] : memref<2x32x10x8192xf32, #tpu.memory_space<hbm>> -> memref<1x1x1x8192xf32, #tpu.memory_space<hbm>>
      %dma_wait3A_244 = tpu.memref_squeeze %dma_wait3A_243 : memref<1x1x1x8192xf32, #tpu.memory_space<hbm>> -> memref<8192xf32, #tpu.memory_space<hbm>>
      %dma_wait3A_245 = arith.constant 0 : i32
      %dma_wait3A_246 = tpu.memref_slice %arg7[%run_scoped3A, %add3A, %run_scoped3A_56, %dma_wait3A_245] : memref<2x32x10x8192xf32, #tpu.memory_space<hbm>> -> memref<1x1x1x8192xf32, #tpu.memory_space<hbm>>
      %dma_wait3A_247 = tpu.memref_squeeze %dma_wait3A_246 : memref<1x1x1x8192xf32, #tpu.memory_space<hbm>> -> memref<8192xf32, #tpu.memory_space<hbm>>
      tpu.wait_dma2 semaphore(%run_scoped3A_235 : memref<!tpu.dma_semaphore, #tpu.memory_space<semaphore_mem>>) src(%arg14 : memref<8192xf32, #tpu.memory_space<vmem>>) dst(%dma_wait3A_247 : memref<8192xf32, #tpu.memory_space<hbm>>)
      tpu.yield
    }) : () -> ()
    %run_scoped3A_57 = arith.constant 0 : i32
    %run_scoped3A_58 = arith.constant 1 : i32
    "tpu.region"() ({
      %run_scoped3A_235 = tpu.sem_alloc : memref<!tpu.dma_semaphore, #tpu.memory_space<semaphore_mem>>
      %dma_start3A_236 = arith.constant 0 : i32
      %dma_start3A_237 = tpu.memref_slice %arg7[%run_scoped3A_57, %add3A, %run_scoped3A_58, %dma_start3A_236] : memref<2x32x10x8192xf32, #tpu.memory_space<hbm>> -> memref<1x1x1x8192xf32, #tpu.memory_space<hbm>>
      %dma_start3A_238 = tpu.memref_squeeze %dma_start3A_237 : memref<1x1x1x8192xf32, #tpu.memory_space<hbm>> -> memref<8192xf32, #tpu.memory_space<hbm>>
      %dma_start3A_239 = arith.constant 0 : i32
      %dma_start3A_240 = tpu.memref_slice %arg7[%run_scoped3A_57, %add3A, %run_scoped3A_58, %dma_start3A_239] : memref<2x32x10x8192xf32, #tpu.memory_space<hbm>> -> memref<1x1x1x8192xf32, #tpu.memory_space<hbm>>
      %dma_start3A_241 = tpu.memref_squeeze %dma_start3A_240 : memref<1x1x1x8192xf32, #tpu.memory_space<hbm>> -> memref<8192xf32, #tpu.memory_space<hbm>>
      tpu.enqueue_dma source(%arg15 : memref<8192xf32, #tpu.memory_space<vmem>>) target(%dma_start3A_241 : memref<8192xf32, #tpu.memory_space<hbm>>) target_semaphore(%run_scoped3A_235 : memref<!tpu.dma_semaphore, #tpu.memory_space<semaphore_mem>>)
      %dma_wait3A_242 = arith.constant 0 : i32
      %dma_wait3A_243 = tpu.memref_slice %arg7[%run_scoped3A_57, %add3A, %run_scoped3A_58, %dma_wait3A_242] : memref<2x32x10x8192xf32, #tpu.memory_space<hbm>> -> memref<1x1x1x8192xf32, #tpu.memory_space<hbm>>
      %dma_wait3A_244 = tpu.memref_squeeze %dma_wait3A_243 : memref<1x1x1x8192xf32, #tpu.memory_space<hbm>> -> memref<8192xf32, #tpu.memory_space<hbm>>
      %dma_wait3A_245 = arith.constant 0 : i32
      %dma_wait3A_246 = tpu.memref_slice %arg7[%run_scoped3A_57, %add3A, %run_scoped3A_58, %dma_wait3A_245] : memref<2x32x10x8192xf32, #tpu.memory_space<hbm>> -> memref<1x1x1x8192xf32, #tpu.memory_space<hbm>>
      %dma_wait3A_247 = tpu.memref_squeeze %dma_wait3A_246 : memref<1x1x1x8192xf32, #tpu.memory_space<hbm>> -> memref<8192xf32, #tpu.memory_space<hbm>>
      tpu.wait_dma2 semaphore(%run_scoped3A_235 : memref<!tpu.dma_semaphore, #tpu.memory_space<semaphore_mem>>) src(%arg15 : memref<8192xf32, #tpu.memory_space<vmem>>) dst(%dma_wait3A_247 : memref<8192xf32, #tpu.memory_space<hbm>>)
      tpu.yield
    }) : () -> ()
    %run_scoped3A_59 = arith.constant 0 : i32
    %run_scoped3A_60 = arith.constant 2 : i32
    "tpu.region"() ({
      %run_scoped3A_235 = tpu.sem_alloc : memref<!tpu.dma_semaphore, #tpu.memory_space<semaphore_mem>>
      %dma_start3A_236 = arith.constant 0 : i32
      %dma_start3A_237 = tpu.memref_slice %arg7[%run_scoped3A_59, %add3A, %run_scoped3A_60, %dma_start3A_236] : memref<2x32x10x8192xf32, #tpu.memory_space<hbm>> -> memref<1x1x1x8192xf32, #tpu.memory_space<hbm>>
      %dma_start3A_238 = tpu.memref_squeeze %dma_start3A_237 : memref<1x1x1x8192xf32, #tpu.memory_space<hbm>> -> memref<8192xf32, #tpu.memory_space<hbm>>
      %dma_start3A_239 = arith.constant 0 : i32
      %dma_start3A_240 = tpu.memref_slice %arg7[%run_scoped3A_59, %add3A, %run_scoped3A_60, %dma_start3A_239] : memref<2x32x10x8192xf32, #tpu.memory_space<hbm>> -> memref<1x1x1x8192xf32, #tpu.memory_space<hbm>>
      %dma_start3A_241 = tpu.memref_squeeze %dma_start3A_240 : memref<1x1x1x8192xf32, #tpu.memory_space<hbm>> -> memref<8192xf32, #tpu.memory_space<hbm>>
      tpu.enqueue_dma source(%arg16 : memref<8192xf32, #tpu.memory_space<vmem>>) target(%dma_start3A_241 : memref<8192xf32, #tpu.memory_space<hbm>>) target_semaphore(%run_scoped3A_235 : memref<!tpu.dma_semaphore, #tpu.memory_space<semaphore_mem>>)
      %dma_wait3A_242 = arith.constant 0 : i32
      %dma_wait3A_243 = tpu.memref_slice %arg7[%run_scoped3A_59, %add3A, %run_scoped3A_60, %dma_wait3A_242] : memref<2x32x10x8192xf32, #tpu.memory_space<hbm>> -> memref<1x1x1x8192xf32, #tpu.memory_space<hbm>>
      %dma_wait3A_244 = tpu.memref_squeeze %dma_wait3A_243 : memref<1x1x1x8192xf32, #tpu.memory_space<hbm>> -> memref<8192xf32, #tpu.memory_space<hbm>>
      %dma_wait3A_245 = arith.constant 0 : i32
      %dma_wait3A_246 = tpu.memref_slice %arg7[%run_scoped3A_59, %add3A, %run_scoped3A_60, %dma_wait3A_245] : memref<2x32x10x8192xf32, #tpu.memory_space<hbm>> -> memref<1x1x1x8192xf32, #tpu.memory_space<hbm>>
      %dma_wait3A_247 = tpu.memref_squeeze %dma_wait3A_246 : memref<1x1x1x8192xf32, #tpu.memory_space<hbm>> -> memref<8192xf32, #tpu.memory_space<hbm>>
      tpu.wait_dma2 semaphore(%run_scoped3A_235 : memref<!tpu.dma_semaphore, #tpu.memory_space<semaphore_mem>>) src(%arg16 : memref<8192xf32, #tpu.memory_space<vmem>>) dst(%dma_wait3A_247 : memref<8192xf32, #tpu.memory_space<hbm>>)
      tpu.yield
    }) : () -> ()
    %scan3A_61 = arith.constant 0 : i32
    %scan3A_62 = arith.constant 0 : i32
    %scan3A_63 = arith.constant 512 : i32
    %scan3A_64 = arith.addi %scan3A_62, %scan3A_63 : i32
    %scan3A_65 = arith.constant 1 : i32
    scf.for %scan3A_235 = %scan3A_62 to %scan3A_64 step %scan3A_65  : i32 {
      %mul3A_236 = arith.constant 16 : i32
      %mul3A_237 = arith.muli %scan3A_235, %mul3A_236 : i32
      %add3A_238 = arith.constant 8192 : i32
      %add3A_239 = arith.addi %add3A_238, %mul3A_237 : i32
      %get3A = arith.index_cast %add3A_239 : i32 to index
      %get3A_240 = tpu.vector_load %arg8[%get3A] {strides = array<i32>} : memref<24576xi32, #tpu.memory_space<vmem>>, vector<16xi32>,
      %lt3A = arith.constant 0 : i32
      %lt3A_241 = vector.broadcast %lt3A : i32 to vector<16xi32>
      %lt3A_242 = arith.cmpi slt, %get3A_240, %lt3A_241 : vector<16xi32>
      %mul3A_243 = arith.constant 16 : i32
      %mul3A_244 = arith.muli %scan3A_235, %mul3A_243 : i32
      %add3A_245 = vector.broadcast %mul3A_244 : i32 to vector<16xi32>
      %add3A_246 = arith.addi %add3A_245, %iota3A : vector<16xi32>
      %select_n3A = arith.select %lt3A_242, %add3A_246, %get3A_240 : vector<16xi1>, vector<16xi32>
      %mul3A_247 = arith.constant 16 : i32
      %mul3A_248 = arith.muli %scan3A_235, %mul3A_247 : i32
      %swap3A = arith.index_cast %mul3A_248 : i32 to index
      %swap3A_249 = tpu.vector_load %arg13[%swap3A] {strides = array<i32>} : memref<8192xi32, #tpu.memory_space<vmem>>, vector<16xi32>,
      tpu.vector_store %arg13[%swap3A], %select_n3A {strides = array<i32>} : memref<8192xi32, #tpu.memory_space<vmem>>, vector<16xi32>,
    }
    %scan3A_66 = arith.constant 512 : i32
    %dma_start3A_67 = arith.constant 0 : i32
    %dma_start3A_68 = tpu.memref_slice %arg3[%dma_start3A_67] : memref<2097152xf32, #tpu.memory_space<hbm>> -> memref<2097152xf32, #tpu.memory_space<hbm>>
    tpu.enqueue_indirect_dma source(%dma_start3A_68 : memref<2097152xf32, #tpu.memory_space<hbm>>) target(%arg14 : memref<8192xf32, #tpu.memory_space<vmem>>) offsets(%arg13 : memref<8192xi32, #tpu.memory_space<vmem>>) semaphore(%arg20 : memref<!tpu.dma_semaphore, #tpu.memory_space<semaphore_mem>>)
    %dma_start3A_69 = arith.constant 0 : i32
    %dma_start3A_70 = tpu.memref_slice %arg4[%dma_start3A_69] : memref<2097152xf32, #tpu.memory_space<hbm>> -> memref<2097152xf32, #tpu.memory_space<hbm>>
    tpu.enqueue_indirect_dma source(%dma_start3A_70 : memref<2097152xf32, #tpu.memory_space<hbm>>) target(%arg15 : memref<8192xf32, #tpu.memory_space<vmem>>) offsets(%arg13 : memref<8192xi32, #tpu.memory_space<vmem>>) semaphore(%arg20 : memref<!tpu.dma_semaphore, #tpu.memory_space<semaphore_mem>>)
    %dma_start3A_71 = arith.constant 0 : i32
    %dma_start3A_72 = tpu.memref_slice %arg5[%dma_start3A_71] : memref<2097152xf32, #tpu.memory_space<hbm>> -> memref<2097152xf32, #tpu.memory_space<hbm>>
    tpu.enqueue_indirect_dma source(%dma_start3A_72 : memref<2097152xf32, #tpu.memory_space<hbm>>) target(%arg16 : memref<8192xf32, #tpu.memory_space<vmem>>) offsets(%arg13 : memref<8192xi32, #tpu.memory_space<vmem>>) semaphore(%arg20 : memref<!tpu.dma_semaphore, #tpu.memory_space<semaphore_mem>>)
    %dma_wait3A_73 = arith.constant 0 : i32
    %dma_wait3A_74 = tpu.memref_slice %arg3[%dma_wait3A_73] : memref<2097152xf32, #tpu.memory_space<hbm>> -> memref<2097152xf32, #tpu.memory_space<hbm>>
    tpu.wait_indirect_dma semaphore(%arg20 : memref<!tpu.dma_semaphore, #tpu.memory_space<semaphore_mem>>) src(%dma_wait3A_74 : memref<2097152xf32, #tpu.memory_space<hbm>>) dst(%arg14 : memref<8192xf32, #tpu.memory_space<vmem>>)
    %dma_wait3A_75 = arith.constant 0 : i32
    %dma_wait3A_76 = tpu.memref_slice %arg4[%dma_wait3A_75] : memref<2097152xf32, #tpu.memory_space<hbm>> -> memref<2097152xf32, #tpu.memory_space<hbm>>
    tpu.wait_indirect_dma semaphore(%arg20 : memref<!tpu.dma_semaphore, #tpu.memory_space<semaphore_mem>>) src(%dma_wait3A_76 : memref<2097152xf32, #tpu.memory_space<hbm>>) dst(%arg15 : memref<8192xf32, #tpu.memory_space<vmem>>)
    %dma_wait3A_77 = arith.constant 0 : i32
    %dma_wait3A_78 = tpu.memref_slice %arg5[%dma_wait3A_77] : memref<2097152xf32, #tpu.memory_space<hbm>> -> memref<2097152xf32, #tpu.memory_space<hbm>>
    tpu.wait_indirect_dma semaphore(%arg20 : memref<!tpu.dma_semaphore, #tpu.memory_space<semaphore_mem>>) src(%dma_wait3A_78 : memref<2097152xf32, #tpu.memory_space<hbm>>) dst(%arg16 : memref<8192xf32, #tpu.memory_space<vmem>>)
    %scan3A_79 = arith.constant 0 : i32
    %scan3A_80 = arith.constant 0 : i32
    %scan3A_81 = arith.constant 512 : i32
    %scan3A_82 = arith.addi %scan3A_80, %scan3A_81 : i32
    %scan3A_83 = arith.constant 1 : i32
    scf.for %scan3A_235 = %scan3A_80 to %scan3A_82 step %scan3A_83  : i32 {
      %mul3A_236 = arith.constant 16 : i32
      %mul3A_237 = arith.muli %scan3A_235, %mul3A_236 : i32
      %add3A_238 = arith.constant 8192 : i32
      %add3A_239 = arith.addi %add3A_238, %mul3A_237 : i32
      %get3A = arith.index_cast %add3A_239 : i32 to index
      %get3A_240 = tpu.vector_load %arg8[%get3A] {strides = array<i32>} : memref<24576xi32, #tpu.memory_space<vmem>>, vector<16xi32>,
      %lt3A = arith.constant 0 : i32
      %lt3A_241 = vector.broadcast %lt3A : i32 to vector<16xi32>
      %lt3A_242 = arith.cmpi slt, %get3A_240, %lt3A_241 : vector<16xi32>
      %mul3A_243 = arith.constant 16 : i32
      %mul3A_244 = arith.muli %scan3A_235, %mul3A_243 : i32
      %get3A_245 = arith.index_cast %mul3A_244 : i32 to index
      %get3A_246 = tpu.vector_load %arg14[%get3A_245] {strides = array<i32>} : memref<8192xf32, #tpu.memory_space<vmem>>, vector<16xf32>,
      %jit3A = arith.constant 9.990000e+02 : f32
      %broadcast_in_dim3A_247 = vector.broadcast %jit3A : f32 to vector<16xf32>
      %select_n3A = arith.select %lt3A_242, %broadcast_in_dim3A_247, %get3A_246 : vector<16xi1>, vector<16xf32>
      %swap3A = arith.index_cast %mul3A_244 : i32 to index
      %swap3A_248 = tpu.vector_load %arg14[%swap3A] {strides = array<i32>} : memref<8192xf32, #tpu.memory_space<vmem>>, vector<16xf32>,
      tpu.vector_store %arg14[%swap3A], %select_n3A {strides = array<i32>} : memref<8192xf32, #tpu.memory_space<vmem>>, vector<16xf32>,
      %get3A_249 = arith.index_cast %mul3A_244 : i32 to index
      %get3A_250 = tpu.vector_load %arg15[%get3A_249] {strides = array<i32>} : memref<8192xf32, #tpu.memory_space<vmem>>, vector<16xf32>,
      %jit3A_251 = arith.constant 9.990000e+02 : f32
      %broadcast_in_dim3A_252 = vector.broadcast %jit3A_251 : f32 to vector<16xf32>
      %select_n3A_253 = arith.select %lt3A_242, %broadcast_in_dim3A_252, %get3A_250 : vector<16xi1>, vector<16xf32>
      %swap3A_254 = arith.index_cast %mul3A_244 : i32 to index
      %swap3A_255 = tpu.vector_load %arg15[%swap3A_254] {strides = array<i32>} : memref<8192xf32, #tpu.memory_space<vmem>>, vector<16xf32>,
      tpu.vector_store %arg15[%swap3A_254], %select_n3A_253 {strides = array<i32>} : memref<8192xf32, #tpu.memory_space<vmem>>, vector<16xf32>,
      %get3A_256 = arith.index_cast %mul3A_244 : i32 to index
      %get3A_257 = tpu.vector_load %arg16[%get3A_256] {strides = array<i32>} : memref<8192xf32, #tpu.memory_space<vmem>>, vector<16xf32>,
      %jit3A_258 = arith.constant 9.990000e+02 : f32
      %broadcast_in_dim3A_259 = vector.broadcast %jit3A_258 : f32 to vector<16xf32>
      %select_n3A_260 = arith.select %lt3A_242, %broadcast_in_dim3A_259, %get3A_257 : vector<16xi1>, vector<16xf32>
      %swap3A_261 = arith.index_cast %mul3A_244 : i32 to index
      %swap3A_262 = tpu.vector_load %arg16[%swap3A_261] {strides = array<i32>} : memref<8192xf32, #tpu.memory_space<vmem>>, vector<16xf32>,
      tpu.vector_store %arg16[%swap3A_261], %select_n3A_260 {strides = array<i32>} : memref<8192xf32, #tpu.memory_space<vmem>>, vector<16xf32>,
    }
    %scan3A_84 = arith.constant 512 : i32
    %run_scoped3A_85 = arith.constant 0 : i32
    %run_scoped3A_86 = arith.constant 3 : i32
    "tpu.region"() ({
      %run_scoped3A_235 = tpu.sem_alloc : memref<!tpu.dma_semaphore, #tpu.memory_space<semaphore_mem>>
      %dma_start3A_236 = arith.constant 0 : i32
      %dma_start3A_237 = tpu.memref_slice %arg7[%run_scoped3A_85, %add3A, %run_scoped3A_86, %dma_start3A_236] : memref<2x32x10x8192xf32, #tpu.memory_space<hbm>> -> memref<1x1x1x8192xf32, #tpu.memory_space<hbm>>
      %dma_start3A_238 = tpu.memref_squeeze %dma_start3A_237 : memref<1x1x1x8192xf32, #tpu.memory_space<hbm>> -> memref<8192xf32, #tpu.memory_space<hbm>>
      %dma_start3A_239 = arith.constant 0 : i32
      %dma_start3A_240 = tpu.memref_slice %arg7[%run_scoped3A_85, %add3A, %run_scoped3A_86, %dma_start3A_239] : memref<2x32x10x8192xf32, #tpu.memory_space<hbm>> -> memref<1x1x1x8192xf32, #tpu.memory_space<hbm>>
      %dma_start3A_241 = tpu.memref_squeeze %dma_start3A_240 : memref<1x1x1x8192xf32, #tpu.memory_space<hbm>> -> memref<8192xf32, #tpu.memory_space<hbm>>
      tpu.enqueue_dma source(%arg14 : memref<8192xf32, #tpu.memory_space<vmem>>) target(%dma_start3A_241 : memref<8192xf32, #tpu.memory_space<hbm>>) target_semaphore(%run_scoped3A_235 : memref<!tpu.dma_semaphore, #tpu.memory_space<semaphore_mem>>)
      %dma_wait3A_242 = arith.constant 0 : i32
      %dma_wait3A_243 = tpu.memref_slice %arg7[%run_scoped3A_85, %add3A, %run_scoped3A_86, %dma_wait3A_242] : memref<2x32x10x8192xf32, #tpu.memory_space<hbm>> -> memref<1x1x1x8192xf32, #tpu.memory_space<hbm>>
      %dma_wait3A_244 = tpu.memref_squeeze %dma_wait3A_243 : memref<1x1x1x8192xf32, #tpu.memory_space<hbm>> -> memref<8192xf32, #tpu.memory_space<hbm>>
      %dma_wait3A_245 = arith.constant 0 : i32
      %dma_wait3A_246 = tpu.memref_slice %arg7[%run_scoped3A_85, %add3A, %run_scoped3A_86, %dma_wait3A_245] : memref<2x32x10x8192xf32, #tpu.memory_space<hbm>> -> memref<1x1x1x8192xf32, #tpu.memory_space<hbm>>
      %dma_wait3A_247 = tpu.memref_squeeze %dma_wait3A_246 : memref<1x1x1x8192xf32, #tpu.memory_space<hbm>> -> memref<8192xf32, #tpu.memory_space<hbm>>
      tpu.wait_dma2 semaphore(%run_scoped3A_235 : memref<!tpu.dma_semaphore, #tpu.memory_space<semaphore_mem>>) src(%arg14 : memref<8192xf32, #tpu.memory_space<vmem>>) dst(%dma_wait3A_247 : memref<8192xf32, #tpu.memory_space<hbm>>)
      tpu.yield
    }) : () -> ()
    %run_scoped3A_87 = arith.constant 0 : i32
    %run_scoped3A_88 = arith.constant 4 : i32
    "tpu.region"() ({
      %run_scoped3A_235 = tpu.sem_alloc : memref<!tpu.dma_semaphore, #tpu.memory_space<semaphore_mem>>
      %dma_start3A_236 = arith.constant 0 : i32
      %dma_start3A_237 = tpu.memref_slice %arg7[%run_scoped3A_87, %add3A, %run_scoped3A_88, %dma_start3A_236] : memref<2x32x10x8192xf32, #tpu.memory_space<hbm>> -> memref<1x1x1x8192xf32, #tpu.memory_space<hbm>>
      %dma_start3A_238 = tpu.memref_squeeze %dma_start3A_237 : memref<1x1x1x8192xf32, #tpu.memory_space<hbm>> -> memref<8192xf32, #tpu.memory_space<hbm>>
      %dma_start3A_239 = arith.constant 0 : i32
      %dma_start3A_240 = tpu.memref_slice %arg7[%run_scoped3A_87, %add3A, %run_scoped3A_88, %dma_start3A_239] : memref<2x32x10x8192xf32, #tpu.memory_space<hbm>> -> memref<1x1x1x8192xf32, #tpu.memory_space<hbm>>
      %dma_start3A_241 = tpu.memref_squeeze %dma_start3A_240 : memref<1x1x1x8192xf32, #tpu.memory_space<hbm>> -> memref<8192xf32, #tpu.memory_space<hbm>>
      tpu.enqueue_dma source(%arg15 : memref<8192xf32, #tpu.memory_space<vmem>>) target(%dma_start3A_241 : memref<8192xf32, #tpu.memory_space<hbm>>) target_semaphore(%run_scoped3A_235 : memref<!tpu.dma_semaphore, #tpu.memory_space<semaphore_mem>>)
      %dma_wait3A_242 = arith.constant 0 : i32
      %dma_wait3A_243 = tpu.memref_slice %arg7[%run_scoped3A_87, %add3A, %run_scoped3A_88, %dma_wait3A_242] : memref<2x32x10x8192xf32, #tpu.memory_space<hbm>> -> memref<1x1x1x8192xf32, #tpu.memory_space<hbm>>
      %dma_wait3A_244 = tpu.memref_squeeze %dma_wait3A_243 : memref<1x1x1x8192xf32, #tpu.memory_space<hbm>> -> memref<8192xf32, #tpu.memory_space<hbm>>
      %dma_wait3A_245 = arith.constant 0 : i32
      %dma_wait3A_246 = tpu.memref_slice %arg7[%run_scoped3A_87, %add3A, %run_scoped3A_88, %dma_wait3A_245] : memref<2x32x10x8192xf32, #tpu.memory_space<hbm>> -> memref<1x1x1x8192xf32, #tpu.memory_space<hbm>>
      %dma_wait3A_247 = tpu.memref_squeeze %dma_wait3A_246 : memref<1x1x1x8192xf32, #tpu.memory_space<hbm>> -> memref<8192xf32, #tpu.memory_space<hbm>>
      tpu.wait_dma2 semaphore(%run_scoped3A_235 : memref<!tpu.dma_semaphore, #tpu.memory_space<semaphore_mem>>) src(%arg15 : memref<8192xf32, #tpu.memory_space<vmem>>) dst(%dma_wait3A_247 : memref<8192xf32, #tpu.memory_space<hbm>>)
      tpu.yield
    }) : () -> ()
    %run_scoped3A_89 = arith.constant 0 : i32
    %run_scoped3A_90 = arith.constant 5 : i32
    "tpu.region"() ({
      %run_scoped3A_235 = tpu.sem_alloc : memref<!tpu.dma_semaphore, #tpu.memory_space<semaphore_mem>>
      %dma_start3A_236 = arith.constant 0 : i32
      %dma_start3A_237 = tpu.memref_slice %arg7[%run_scoped3A_89, %add3A, %run_scoped3A_90, %dma_start3A_236] : memref<2x32x10x8192xf32, #tpu.memory_space<hbm>> -> memref<1x1x1x8192xf32, #tpu.memory_space<hbm>>
      %dma_start3A_238 = tpu.memref_squeeze %dma_start3A_237 : memref<1x1x1x8192xf32, #tpu.memory_space<hbm>> -> memref<8192xf32, #tpu.memory_space<hbm>>
      %dma_start3A_239 = arith.constant 0 : i32
      %dma_start3A_240 = tpu.memref_slice %arg7[%run_scoped3A_89, %add3A, %run_scoped3A_90, %dma_start3A_239] : memref<2x32x10x8192xf32, #tpu.memory_space<hbm>> -> memref<1x1x1x8192xf32, #tpu.memory_space<hbm>>
      %dma_start3A_241 = tpu.memref_squeeze %dma_start3A_240 : memref<1x1x1x8192xf32, #tpu.memory_space<hbm>> -> memref<8192xf32, #tpu.memory_space<hbm>>
      tpu.enqueue_dma source(%arg16 : memref<8192xf32, #tpu.memory_space<vmem>>) target(%dma_start3A_241 : memref<8192xf32, #tpu.memory_space<hbm>>) target_semaphore(%run_scoped3A_235 : memref<!tpu.dma_semaphore, #tpu.memory_space<semaphore_mem>>)
      %dma_wait3A_242 = arith.constant 0 : i32
      %dma_wait3A_243 = tpu.memref_slice %arg7[%run_scoped3A_89, %add3A, %run_scoped3A_90, %dma_wait3A_242] : memref<2x32x10x8192xf32, #tpu.memory_space<hbm>> -> memref<1x1x1x8192xf32, #tpu.memory_space<hbm>>
      %dma_wait3A_244 = tpu.memref_squeeze %dma_wait3A_243 : memref<1x1x1x8192xf32, #tpu.memory_space<hbm>> -> memref<8192xf32, #tpu.memory_space<hbm>>
      %dma_wait3A_245 = arith.constant 0 : i32
      %dma_wait3A_246 = tpu.memref_slice %arg7[%run_scoped3A_89, %add3A, %run_scoped3A_90, %dma_wait3A_245] : memref<2x32x10x8192xf32, #tpu.memory_space<hbm>> -> memref<1x1x1x8192xf32, #tpu.memory_space<hbm>>
      %dma_wait3A_247 = tpu.memref_squeeze %dma_wait3A_246 : memref<1x1x1x8192xf32, #tpu.memory_space<hbm>> -> memref<8192xf32, #tpu.memory_space<hbm>>
      tpu.wait_dma2 semaphore(%run_scoped3A_235 : memref<!tpu.dma_semaphore, #tpu.memory_space<semaphore_mem>>) src(%arg16 : memref<8192xf32, #tpu.memory_space<vmem>>) dst(%dma_wait3A_247 : memref<8192xf32, #tpu.memory_space<hbm>>)
      tpu.yield
    }) : () -> ()
    %scan3A_91 = arith.constant 0 : i32
    %scan3A_92 = arith.constant 0 : i32
    %scan3A_93 = arith.constant 512 : i32
    %scan3A_94 = arith.addi %scan3A_92, %scan3A_93 : i32
    %scan3A_95 = arith.constant 1 : i32
    scf.for %scan3A_235 = %scan3A_92 to %scan3A_94 step %scan3A_95  : i32 {
      %mul3A_236 = arith.constant 16 : i32
      %mul3A_237 = arith.muli %scan3A_235, %mul3A_236 : i32
      %add3A_238 = arith.constant 16384 : i32
      %add3A_239 = arith.addi %add3A_238, %mul3A_237 : i32
      %get3A = arith.index_cast %add3A_239 : i32 to index
      %get3A_240 = tpu.vector_load %arg8[%get3A] {strides = array<i32>} : memref<24576xi32, #tpu.memory_space<vmem>>, vector<16xi32>,
      %lt3A = arith.constant 0 : i32
      %lt3A_241 = vector.broadcast %lt3A : i32 to vector<16xi32>
      %lt3A_242 = arith.cmpi slt, %get3A_240, %lt3A_241 : vector<16xi32>
      %mul3A_243 = arith.constant 16 : i32
      %mul3A_244 = arith.muli %scan3A_235, %mul3A_243 : i32
      %add3A_245 = vector.broadcast %mul3A_244 : i32 to vector<16xi32>
      %add3A_246 = arith.addi %add3A_245, %iota3A : vector<16xi32>
      %select_n3A = arith.select %lt3A_242, %add3A_246, %get3A_240 : vector<16xi1>, vector<16xi32>
      %mul3A_247 = arith.constant 16 : i32
      %mul3A_248 = arith.muli %scan3A_235, %mul3A_247 : i32
      %swap3A = arith.index_cast %mul3A_248 : i32 to index
      %swap3A_249 = tpu.vector_load %arg13[%swap3A] {strides = array<i32>} : memref<8192xi32, #tpu.memory_space<vmem>>, vector<16xi32>,
      tpu.vector_store %arg13[%swap3A], %select_n3A {strides = array<i32>} : memref<8192xi32, #tpu.memory_space<vmem>>, vector<16xi32>,
    }
    %scan3A_96 = arith.constant 512 : i32
    %dma_start3A_97 = arith.constant 0 : i32
    %dma_start3A_98 = tpu.memref_slice %arg3[%dma_start3A_97] : memref<2097152xf32, #tpu.memory_space<hbm>> -> memref<2097152xf32, #tpu.memory_space<hbm>>
    tpu.enqueue_indirect_dma source(%dma_start3A_98 : memref<2097152xf32, #tpu.memory_space<hbm>>) target(%arg14 : memref<8192xf32, #tpu.memory_space<vmem>>) offsets(%arg13 : memref<8192xi32, #tpu.memory_space<vmem>>) semaphore(%arg20 : memref<!tpu.dma_semaphore, #tpu.memory_space<semaphore_mem>>)
    %dma_start3A_99 = arith.constant 0 : i32
    %dma_start3A_100 = tpu.memref_slice %arg4[%dma_start3A_99] : memref<2097152xf32, #tpu.memory_space<hbm>> -> memref<2097152xf32, #tpu.memory_space<hbm>>
    tpu.enqueue_indirect_dma source(%dma_start3A_100 : memref<2097152xf32, #tpu.memory_space<hbm>>) target(%arg15 : memref<8192xf32, #tpu.memory_space<vmem>>) offsets(%arg13 : memref<8192xi32, #tpu.memory_space<vmem>>) semaphore(%arg20 : memref<!tpu.dma_semaphore, #tpu.memory_space<semaphore_mem>>)
    %dma_start3A_101 = arith.constant 0 : i32
    %dma_start3A_102 = tpu.memref_slice %arg5[%dma_start3A_101] : memref<2097152xf32, #tpu.memory_space<hbm>> -> memref<2097152xf32, #tpu.memory_space<hbm>>
    tpu.enqueue_indirect_dma source(%dma_start3A_102 : memref<2097152xf32, #tpu.memory_space<hbm>>) target(%arg16 : memref<8192xf32, #tpu.memory_space<vmem>>) offsets(%arg13 : memref<8192xi32, #tpu.memory_space<vmem>>) semaphore(%arg20 : memref<!tpu.dma_semaphore, #tpu.memory_space<semaphore_mem>>)
    %dma_start3A_103 = arith.constant 0 : i32
    %dma_start3A_104 = tpu.memref_slice %arg6[%dma_start3A_103] : memref<2097152xi32, #tpu.memory_space<hbm>> -> memref<2097152xi32, #tpu.memory_space<hbm>>
    tpu.enqueue_indirect_dma source(%dma_start3A_104 : memref<2097152xi32, #tpu.memory_space<hbm>>) target(%arg17 : memref<8192xi32, #tpu.memory_space<vmem>>) offsets(%arg13 : memref<8192xi32, #tpu.memory_space<vmem>>) semaphore(%arg20 : memref<!tpu.dma_semaphore, #tpu.memory_space<semaphore_mem>>)
    %dma_wait3A_105 = arith.constant 0 : i32
    %dma_wait3A_106 = tpu.memref_slice %arg3[%dma_wait3A_105] : memref<2097152xf32, #tpu.memory_space<hbm>> -> memref<2097152xf32, #tpu.memory_space<hbm>>
    tpu.wait_indirect_dma semaphore(%arg20 : memref<!tpu.dma_semaphore, #tpu.memory_space<semaphore_mem>>) src(%dma_wait3A_106 : memref<2097152xf32, #tpu.memory_space<hbm>>) dst(%arg14 : memref<8192xf32, #tpu.memory_space<vmem>>)
    %dma_wait3A_107 = arith.constant 0 : i32
    %dma_wait3A_108 = tpu.memref_slice %arg4[%dma_wait3A_107] : memref<2097152xf32, #tpu.memory_space<hbm>> -> memref<2097152xf32, #tpu.memory_space<hbm>>
    tpu.wait_indirect_dma semaphore(%arg20 : memref<!tpu.dma_semaphore, #tpu.memory_space<semaphore_mem>>) src(%dma_wait3A_108 : memref<2097152xf32, #tpu.memory_space<hbm>>) dst(%arg15 : memref<8192xf32, #tpu.memory_space<vmem>>)
    %dma_wait3A_109 = arith.constant 0 : i32
    %dma_wait3A_110 = tpu.memref_slice %arg5[%dma_wait3A_109] : memref<2097152xf32, #tpu.memory_space<hbm>> -> memref<2097152xf32, #tpu.memory_space<hbm>>
    tpu.wait_indirect_dma semaphore(%arg20 : memref<!tpu.dma_semaphore, #tpu.memory_space<semaphore_mem>>) src(%dma_wait3A_110 : memref<2097152xf32, #tpu.memory_space<hbm>>) dst(%arg16 : memref<8192xf32, #tpu.memory_space<vmem>>)
    %dma_wait3A_111 = arith.constant 0 : i32
    %dma_wait3A_112 = tpu.memref_slice %arg6[%dma_wait3A_111] : memref<2097152xi32, #tpu.memory_space<hbm>> -> memref<2097152xi32, #tpu.memory_space<hbm>>
    tpu.wait_indirect_dma semaphore(%arg20 : memref<!tpu.dma_semaphore, #tpu.memory_space<semaphore_mem>>) src(%dma_wait3A_112 : memref<2097152xi32, #tpu.memory_space<hbm>>) dst(%arg17 : memref<8192xi32, #tpu.memory_space<vmem>>)
    %scan3A_113 = arith.constant 0 : i32
    %scan3A_114 = arith.constant 0 : i32
    %scan3A_115 = arith.constant 512 : i32
    %scan3A_116 = arith.addi %scan3A_114, %scan3A_115 : i32
    %scan3A_117 = arith.constant 1 : i32
    scf.for %scan3A_235 = %scan3A_114 to %scan3A_116 step %scan3A_117  : i32 {
      %mul3A_236 = arith.constant 16 : i32
      %mul3A_237 = arith.muli %scan3A_235, %mul3A_236 : i32
      %add3A_238 = arith.constant 16384 : i32
      %add3A_239 = arith.addi %add3A_238, %mul3A_237 : i32
      %get3A = arith.index_cast %add3A_239 : i32 to index
      %get3A_240 = tpu.vector_load %arg8[%get3A] {strides = array<i32>} : memref<24576xi32, #tpu.memory_space<vmem>>, vector<16xi32>,
      %lt3A = arith.constant 0 : i32
      %lt3A_241 = vector.broadcast %lt3A : i32 to vector<16xi32>
      %lt3A_242 = arith.cmpi slt, %get3A_240, %lt3A_241 : vector<16xi32>
      %mul3A_243 = arith.constant 16 : i32
      %mul3A_244 = arith.muli %scan3A_235, %mul3A_243 : i32
      %get3A_245 = arith.index_cast %mul3A_244 : i32 to index
      %get3A_246 = tpu.vector_load %arg14[%get3A_245] {strides = array<i32>} : memref<8192xf32, #tpu.memory_space<vmem>>, vector<16xf32>,
      %jit3A = arith.constant 9.990000e+02 : f32
      %broadcast_in_dim3A_247 = vector.broadcast %jit3A : f32 to vector<16xf32>
      %select_n3A = arith.select %lt3A_242, %broadcast_in_dim3A_247, %get3A_246 : vector<16xi1>, vector<16xf32>
      %swap3A = arith.index_cast %mul3A_244 : i32 to index
      %swap3A_248 = tpu.vector_load %arg14[%swap3A] {strides = array<i32>} : memref<8192xf32, #tpu.memory_space<vmem>>, vector<16xf32>,
      tpu.vector_store %arg14[%swap3A], %select_n3A {strides = array<i32>} : memref<8192xf32, #tpu.memory_space<vmem>>, vector<16xf32>,
      %get3A_249 = arith.index_cast %mul3A_244 : i32 to index
      %get3A_250 = tpu.vector_load %arg15[%get3A_249] {strides = array<i32>} : memref<8192xf32, #tpu.memory_space<vmem>>, vector<16xf32>,
      %jit3A_251 = arith.constant 9.990000e+02 : f32
      %broadcast_in_dim3A_252 = vector.broadcast %jit3A_251 : f32 to vector<16xf32>
      %select_n3A_253 = arith.select %lt3A_242, %broadcast_in_dim3A_252, %get3A_250 : vector<16xi1>, vector<16xf32>
      %swap3A_254 = arith.index_cast %mul3A_244 : i32 to index
      %swap3A_255 = tpu.vector_load %arg15[%swap3A_254] {strides = array<i32>} : memref<8192xf32, #tpu.memory_space<vmem>>, vector<16xf32>,
      tpu.vector_store %arg15[%swap3A_254], %select_n3A_253 {strides = array<i32>} : memref<8192xf32, #tpu.memory_space<vmem>>, vector<16xf32>,
      %get3A_256 = arith.index_cast %mul3A_244 : i32 to index
      %get3A_257 = tpu.vector_load %arg16[%get3A_256] {strides = array<i32>} : memref<8192xf32, #tpu.memory_space<vmem>>, vector<16xf32>,
      %jit3A_258 = arith.constant 9.990000e+02 : f32
      %broadcast_in_dim3A_259 = vector.broadcast %jit3A_258 : f32 to vector<16xf32>
      %select_n3A_260 = arith.select %lt3A_242, %broadcast_in_dim3A_259, %get3A_257 : vector<16xi1>, vector<16xf32>
      %swap3A_261 = arith.index_cast %mul3A_244 : i32 to index
      %swap3A_262 = tpu.vector_load %arg16[%swap3A_261] {strides = array<i32>} : memref<8192xf32, #tpu.memory_space<vmem>>, vector<16xf32>,
      tpu.vector_store %arg16[%swap3A_261], %select_n3A_260 {strides = array<i32>} : memref<8192xf32, #tpu.memory_space<vmem>>, vector<16xf32>,
    }
    %scan3A_118 = arith.constant 512 : i32
    %run_scoped3A_119 = arith.constant 0 : i32
    %run_scoped3A_120 = arith.constant 6 : i32
    "tpu.region"() ({
      %run_scoped3A_235 = tpu.sem_alloc : memref<!tpu.dma_semaphore, #tpu.memory_space<semaphore_mem>>
      %dma_start3A_236 = arith.constant 0 : i32
      %dma_start3A_237 = tpu.memref_slice %arg7[%run_scoped3A_119, %add3A, %run_scoped3A_120, %dma_start3A_236] : memref<2x32x10x8192xf32, #tpu.memory_space<hbm>> -> memref<1x1x1x8192xf32, #tpu.memory_space<hbm>>
      %dma_start3A_238 = tpu.memref_squeeze %dma_start3A_237 : memref<1x1x1x8192xf32, #tpu.memory_space<hbm>> -> memref<8192xf32, #tpu.memory_space<hbm>>
      %dma_start3A_239 = arith.constant 0 : i32
      %dma_start3A_240 = tpu.memref_slice %arg7[%run_scoped3A_119, %add3A, %run_scoped3A_120, %dma_start3A_239] : memref<2x32x10x8192xf32, #tpu.memory_space<hbm>> -> memref<1x1x1x8192xf32, #tpu.memory_space<hbm>>
      %dma_start3A_241 = tpu.memref_squeeze %dma_start3A_240 : memref<1x1x1x8192xf32, #tpu.memory_space<hbm>> -> memref<8192xf32, #tpu.memory_space<hbm>>
      tpu.enqueue_dma source(%arg14 : memref<8192xf32, #tpu.memory_space<vmem>>) target(%dma_start3A_241 : memref<8192xf32, #tpu.memory_space<hbm>>) target_semaphore(%run_scoped3A_235 : memref<!tpu.dma_semaphore, #tpu.memory_space<semaphore_mem>>)
      %dma_wait3A_242 = arith.constant 0 : i32
      %dma_wait3A_243 = tpu.memref_slice %arg7[%run_scoped3A_119, %add3A, %run_scoped3A_120, %dma_wait3A_242] : memref<2x32x10x8192xf32, #tpu.memory_space<hbm>> -> memref<1x1x1x8192xf32, #tpu.memory_space<hbm>>
      %dma_wait3A_244 = tpu.memref_squeeze %dma_wait3A_243 : memref<1x1x1x8192xf32, #tpu.memory_space<hbm>> -> memref<8192xf32, #tpu.memory_space<hbm>>
      %dma_wait3A_245 = arith.constant 0 : i32
      %dma_wait3A_246 = tpu.memref_slice %arg7[%run_scoped3A_119, %add3A, %run_scoped3A_120, %dma_wait3A_245] : memref<2x32x10x8192xf32, #tpu.memory_space<hbm>> -> memref<1x1x1x8192xf32, #tpu.memory_space<hbm>>
      %dma_wait3A_247 = tpu.memref_squeeze %dma_wait3A_246 : memref<1x1x1x8192xf32, #tpu.memory_space<hbm>> -> memref<8192xf32, #tpu.memory_space<hbm>>
      tpu.wait_dma2 semaphore(%run_scoped3A_235 : memref<!tpu.dma_semaphore, #tpu.memory_space<semaphore_mem>>) src(%arg14 : memref<8192xf32, #tpu.memory_space<vmem>>) dst(%dma_wait3A_247 : memref<8192xf32, #tpu.memory_space<hbm>>)
      tpu.yield
    }) : () -> ()
    %run_scoped3A_121 = arith.constant 0 : i32
    %run_scoped3A_122 = arith.constant 7 : i32
    "tpu.region"() ({
      %run_scoped3A_235 = tpu.sem_alloc : memref<!tpu.dma_semaphore, #tpu.memory_space<semaphore_mem>>
      %dma_start3A_236 = arith.constant 0 : i32
      %dma_start3A_237 = tpu.memref_slice %arg7[%run_scoped3A_121, %add3A, %run_scoped3A_122, %dma_start3A_236] : memref<2x32x10x8192xf32, #tpu.memory_space<hbm>> -> memref<1x1x1x8192xf32, #tpu.memory_space<hbm>>
      %dma_start3A_238 = tpu.memref_squeeze %dma_start3A_237 : memref<1x1x1x8192xf32, #tpu.memory_space<hbm>> -> memref<8192xf32, #tpu.memory_space<hbm>>
      %dma_start3A_239 = arith.constant 0 : i32
      %dma_start3A_240 = tpu.memref_slice %arg7[%run_scoped3A_121, %add3A, %run_scoped3A_122, %dma_start3A_239] : memref<2x32x10x8192xf32, #tpu.memory_space<hbm>> -> memref<1x1x1x8192xf32, #tpu.memory_space<hbm>>
      %dma_start3A_241 = tpu.memref_squeeze %dma_start3A_240 : memref<1x1x1x8192xf32, #tpu.memory_space<hbm>> -> memref<8192xf32, #tpu.memory_space<hbm>>
      tpu.enqueue_dma source(%arg15 : memref<8192xf32, #tpu.memory_space<vmem>>) target(%dma_start3A_241 : memref<8192xf32, #tpu.memory_space<hbm>>) target_semaphore(%run_scoped3A_235 : memref<!tpu.dma_semaphore, #tpu.memory_space<semaphore_mem>>)
      %dma_wait3A_242 = arith.constant 0 : i32
      %dma_wait3A_243 = tpu.memref_slice %arg7[%run_scoped3A_121, %add3A, %run_scoped3A_122, %dma_wait3A_242] : memref<2x32x10x8192xf32, #tpu.memory_space<hbm>> -> memref<1x1x1x8192xf32, #tpu.memory_space<hbm>>
      %dma_wait3A_244 = tpu.memref_squeeze %dma_wait3A_243 : memref<1x1x1x8192xf32, #tpu.memory_space<hbm>> -> memref<8192xf32, #tpu.memory_space<hbm>>
      %dma_wait3A_245 = arith.constant 0 : i32
      %dma_wait3A_246 = tpu.memref_slice %arg7[%run_scoped3A_121, %add3A, %run_scoped3A_122, %dma_wait3A_245] : memref<2x32x10x8192xf32, #tpu.memory_space<hbm>> -> memref<1x1x1x8192xf32, #tpu.memory_space<hbm>>
      %dma_wait3A_247 = tpu.memref_squeeze %dma_wait3A_246 : memref<1x1x1x8192xf32, #tpu.memory_space<hbm>> -> memref<8192xf32, #tpu.memory_space<hbm>>
      tpu.wait_dma2 semaphore(%run_scoped3A_235 : memref<!tpu.dma_semaphore, #tpu.memory_space<semaphore_mem>>) src(%arg15 : memref<8192xf32, #tpu.memory_space<vmem>>) dst(%dma_wait3A_247 : memref<8192xf32, #tpu.memory_space<hbm>>)
      tpu.yield
    }) : () -> ()
    %run_scoped3A_123 = arith.constant 0 : i32
    %run_scoped3A_124 = arith.constant 8 : i32
    "tpu.region"() ({
      %run_scoped3A_235 = tpu.sem_alloc : memref<!tpu.dma_semaphore, #tpu.memory_space<semaphore_mem>>
      %dma_start3A_236 = arith.constant 0 : i32
      %dma_start3A_237 = tpu.memref_slice %arg7[%run_scoped3A_123, %add3A, %run_scoped3A_124, %dma_start3A_236] : memref<2x32x10x8192xf32, #tpu.memory_space<hbm>> -> memref<1x1x1x8192xf32, #tpu.memory_space<hbm>>
      %dma_start3A_238 = tpu.memref_squeeze %dma_start3A_237 : memref<1x1x1x8192xf32, #tpu.memory_space<hbm>> -> memref<8192xf32, #tpu.memory_space<hbm>>
      %dma_start3A_239 = arith.constant 0 : i32
      %dma_start3A_240 = tpu.memref_slice %arg7[%run_scoped3A_123, %add3A, %run_scoped3A_124, %dma_start3A_239] : memref<2x32x10x8192xf32, #tpu.memory_space<hbm>> -> memref<1x1x1x8192xf32, #tpu.memory_space<hbm>>
      %dma_start3A_241 = tpu.memref_squeeze %dma_start3A_240 : memref<1x1x1x8192xf32, #tpu.memory_space<hbm>> -> memref<8192xf32, #tpu.memory_space<hbm>>
      tpu.enqueue_dma source(%arg16 : memref<8192xf32, #tpu.memory_space<vmem>>) target(%dma_start3A_241 : memref<8192xf32, #tpu.memory_space<hbm>>) target_semaphore(%run_scoped3A_235 : memref<!tpu.dma_semaphore, #tpu.memory_space<semaphore_mem>>)
      %dma_wait3A_242 = arith.constant 0 : i32
      %dma_wait3A_243 = tpu.memref_slice %arg7[%run_scoped3A_123, %add3A, %run_scoped3A_124, %dma_wait3A_242] : memref<2x32x10x8192xf32, #tpu.memory_space<hbm>> -> memref<1x1x1x8192xf32, #tpu.memory_space<hbm>>
      %dma_wait3A_244 = tpu.memref_squeeze %dma_wait3A_243 : memref<1x1x1x8192xf32, #tpu.memory_space<hbm>> -> memref<8192xf32, #tpu.memory_space<hbm>>
      %dma_wait3A_245 = arith.constant 0 : i32
      %dma_wait3A_246 = tpu.memref_slice %arg7[%run_scoped3A_123, %add3A, %run_scoped3A_124, %dma_wait3A_245] : memref<2x32x10x8192xf32, #tpu.memory_space<hbm>> -> memref<1x1x1x8192xf32, #tpu.memory_space<hbm>>
      %dma_wait3A_247 = tpu.memref_squeeze %dma_wait3A_246 : memref<1x1x1x8192xf32, #tpu.memory_space<hbm>> -> memref<8192xf32, #tpu.memory_space<hbm>>
      tpu.wait_dma2 semaphore(%run_scoped3A_235 : memref<!tpu.dma_semaphore, #tpu.memory_space<semaphore_mem>>) src(%arg16 : memref<8192xf32, #tpu.memory_space<vmem>>) dst(%dma_wait3A_247 : memref<8192xf32, #tpu.memory_space<hbm>>)
      tpu.yield
    }) : () -> ()
    %scan3A_125 = arith.constant 0 : i32
    %scan3A_126 = arith.constant 0 : i32
    %scan3A_127 = arith.constant 512 : i32
    %scan3A_128 = arith.addi %scan3A_126, %scan3A_127 : i32
    %scan3A_129 = arith.constant 1 : i32
    scf.for %scan3A_235 = %scan3A_126 to %scan3A_128 step %scan3A_129  : i32 {
      %mul3A_236 = arith.constant 16 : i32
      %mul3A_237 = arith.muli %scan3A_235, %mul3A_236 : i32
      %add3A_238 = arith.constant 16384 : i32
      %add3A_239 = arith.addi %add3A_238, %mul3A_237 : i32
      %get3A = arith.index_cast %add3A_239 : i32 to index
      %get3A_240 = tpu.vector_load %arg8[%get3A] {strides = array<i32>} : memref<24576xi32, #tpu.memory_space<vmem>>, vector<16xi32>,
      %lt3A = arith.constant 0 : i32
      %lt3A_241 = vector.broadcast %lt3A : i32 to vector<16xi32>
      %lt3A_242 = arith.cmpi slt, %get3A_240, %lt3A_241 : vector<16xi32>
      %mul3A_243 = arith.constant 16 : i32
      %mul3A_244 = arith.muli %scan3A_235, %mul3A_243 : i32
      %get3A_245 = arith.index_cast %mul3A_244 : i32 to index
      %get3A_246 = tpu.vector_load %arg17[%get3A_245] {strides = array<i32>} : memref<8192xi32, #tpu.memory_space<vmem>>, vector<16xi32>,
      %convert_element_type3A = arith.sitofp %get3A_246 : vector<16xi32> to vector<16xf32>
      %jit3A = arith.constant 9.990000e+02 : f32
      %broadcast_in_dim3A_247 = vector.broadcast %jit3A : f32 to vector<16xf32>
      %select_n3A = arith.select %lt3A_242, %broadcast_in_dim3A_247, %convert_element_type3A : vector<16xi1>, vector<16xf32>
      %swap3A = arith.index_cast %mul3A_244 : i32 to index
      %swap3A_248 = tpu.vector_load %arg14[%swap3A] {strides = array<i32>} : memref<8192xf32, #tpu.memory_space<vmem>>, vector<16xf32>,
      tpu.vector_store %arg14[%swap3A], %select_n3A {strides = array<i32>} : memref<8192xf32, #tpu.memory_space<vmem>>, vector<16xf32>,
    }
    %scan3A_130 = arith.constant 512 : i32
    %run_scoped3A_131 = arith.constant 0 : i32
    %run_scoped3A_132 = arith.constant 9 : i32
    "tpu.region"() ({
      %run_scoped3A_235 = tpu.sem_alloc : memref<!tpu.dma_semaphore, #tpu.memory_space<semaphore_mem>>
      %dma_start3A_236 = arith.constant 0 : i32
      %dma_start3A_237 = tpu.memref_slice %arg7[%run_scoped3A_131, %add3A, %run_scoped3A_132, %dma_start3A_236] : memref<2x32x10x8192xf32, #tpu.memory_space<hbm>> -> memref<1x1x1x8192xf32, #tpu.memory_space<hbm>>
      %dma_start3A_238 = tpu.memref_squeeze %dma_start3A_237 : memref<1x1x1x8192xf32, #tpu.memory_space<hbm>> -> memref<8192xf32, #tpu.memory_space<hbm>>
      %dma_start3A_239 = arith.constant 0 : i32
      %dma_start3A_240 = tpu.memref_slice %arg7[%run_scoped3A_131, %add3A, %run_scoped3A_132, %dma_start3A_239] : memref<2x32x10x8192xf32, #tpu.memory_space<hbm>> -> memref<1x1x1x8192xf32, #tpu.memory_space<hbm>>
      %dma_start3A_241 = tpu.memref_squeeze %dma_start3A_240 : memref<1x1x1x8192xf32, #tpu.memory_space<hbm>> -> memref<8192xf32, #tpu.memory_space<hbm>>
      tpu.enqueue_dma source(%arg14 : memref<8192xf32, #tpu.memory_space<vmem>>) target(%dma_start3A_241 : memref<8192xf32, #tpu.memory_space<hbm>>) target_semaphore(%run_scoped3A_235 : memref<!tpu.dma_semaphore, #tpu.memory_space<semaphore_mem>>)
      %dma_wait3A_242 = arith.constant 0 : i32
      %dma_wait3A_243 = tpu.memref_slice %arg7[%run_scoped3A_131, %add3A, %run_scoped3A_132, %dma_wait3A_242] : memref<2x32x10x8192xf32, #tpu.memory_space<hbm>> -> memref<1x1x1x8192xf32, #tpu.memory_space<hbm>>
      %dma_wait3A_244 = tpu.memref_squeeze %dma_wait3A_243 : memref<1x1x1x8192xf32, #tpu.memory_space<hbm>> -> memref<8192xf32, #tpu.memory_space<hbm>>
      %dma_wait3A_245 = arith.constant 0 : i32
      %dma_wait3A_246 = tpu.memref_slice %arg7[%run_scoped3A_131, %add3A, %run_scoped3A_132, %dma_wait3A_245] : memref<2x32x10x8192xf32, #tpu.memory_space<hbm>> -> memref<1x1x1x8192xf32, #tpu.memory_space<hbm>>
      %dma_wait3A_247 = tpu.memref_squeeze %dma_wait3A_246 : memref<1x1x1x8192xf32, #tpu.memory_space<hbm>> -> memref<8192xf32, #tpu.memory_space<hbm>>
      tpu.wait_dma2 semaphore(%run_scoped3A_235 : memref<!tpu.dma_semaphore, #tpu.memory_space<semaphore_mem>>) src(%arg14 : memref<8192xf32, #tpu.memory_space<vmem>>) dst(%dma_wait3A_247 : memref<8192xf32, #tpu.memory_space<hbm>>)
      tpu.yield
    }) : () -> ()
    %scan3A_133 = arith.constant 0 : i32
    %scan3A_134 = arith.constant 0 : i32
    %scan3A_135 = arith.constant 512 : i32
    %scan3A_136 = arith.addi %scan3A_134, %scan3A_135 : i32
    %scan3A_137 = arith.constant 1 : i32
    scf.for %scan3A_235 = %scan3A_134 to %scan3A_136 step %scan3A_137  : i32 {
      %mul3A_236 = arith.constant 16 : i32
      %mul3A_237 = arith.muli %scan3A_235, %mul3A_236 : i32
      %add3A_238 = arith.constant 0 : i32
      %add3A_239 = arith.addi %add3A_238, %mul3A_237 : i32
      %get3A = arith.index_cast %add3A_239 : i32 to index
      %get3A_240 = tpu.vector_load %arg9[%get3A] {strides = array<i32>} : memref<24576xi32, #tpu.memory_space<vmem>>, vector<16xi32>,
      %lt3A = arith.constant 0 : i32
      %lt3A_241 = vector.broadcast %lt3A : i32 to vector<16xi32>
      %lt3A_242 = arith.cmpi slt, %get3A_240, %lt3A_241 : vector<16xi32>
      %mul3A_243 = arith.constant 16 : i32
      %mul3A_244 = arith.muli %scan3A_235, %mul3A_243 : i32
      %add3A_245 = vector.broadcast %mul3A_244 : i32 to vector<16xi32>
      %add3A_246 = arith.addi %add3A_245, %iota3A : vector<16xi32>
      %select_n3A = arith.select %lt3A_242, %add3A_246, %get3A_240 : vector<16xi1>, vector<16xi32>
      %mul3A_247 = arith.constant 16 : i32
      %mul3A_248 = arith.muli %scan3A_235, %mul3A_247 : i32
      %swap3A = arith.index_cast %mul3A_248 : i32 to index
      %swap3A_249 = tpu.vector_load %arg13[%swap3A] {strides = array<i32>} : memref<8192xi32, #tpu.memory_space<vmem>>, vector<16xi32>,
      tpu.vector_store %arg13[%swap3A], %select_n3A {strides = array<i32>} : memref<8192xi32, #tpu.memory_space<vmem>>, vector<16xi32>,
    }
    %scan3A_138 = arith.constant 512 : i32
    %dma_start3A_139 = arith.constant 0 : i32
    %dma_start3A_140 = tpu.memref_slice %arg3[%dma_start3A_139] : memref<2097152xf32, #tpu.memory_space<hbm>> -> memref<2097152xf32, #tpu.memory_space<hbm>>
    tpu.enqueue_indirect_dma source(%dma_start3A_140 : memref<2097152xf32, #tpu.memory_space<hbm>>) target(%arg14 : memref<8192xf32, #tpu.memory_space<vmem>>) offsets(%arg13 : memref<8192xi32, #tpu.memory_space<vmem>>) semaphore(%arg20 : memref<!tpu.dma_semaphore, #tpu.memory_space<semaphore_mem>>)
    %dma_start3A_141 = arith.constant 0 : i32
    %dma_start3A_142 = tpu.memref_slice %arg4[%dma_start3A_141] : memref<2097152xf32, #tpu.memory_space<hbm>> -> memref<2097152xf32, #tpu.memory_space<hbm>>
    tpu.enqueue_indirect_dma source(%dma_start3A_142 : memref<2097152xf32, #tpu.memory_space<hbm>>) target(%arg15 : memref<8192xf32, #tpu.memory_space<vmem>>) offsets(%arg13 : memref<8192xi32, #tpu.memory_space<vmem>>) semaphore(%arg20 : memref<!tpu.dma_semaphore, #tpu.memory_space<semaphore_mem>>)
    %dma_start3A_143 = arith.constant 0 : i32
    %dma_start3A_144 = tpu.memref_slice %arg5[%dma_start3A_143] : memref<2097152xf32, #tpu.memory_space<hbm>> -> memref<2097152xf32, #tpu.memory_space<hbm>>
    tpu.enqueue_indirect_dma source(%dma_start3A_144 : memref<2097152xf32, #tpu.memory_space<hbm>>) target(%arg16 : memref<8192xf32, #tpu.memory_space<vmem>>) offsets(%arg13 : memref<8192xi32, #tpu.memory_space<vmem>>) semaphore(%arg20 : memref<!tpu.dma_semaphore, #tpu.memory_space<semaphore_mem>>)
    %dma_wait3A_145 = arith.constant 0 : i32
    %dma_wait3A_146 = tpu.memref_slice %arg3[%dma_wait3A_145] : memref<2097152xf32, #tpu.memory_space<hbm>> -> memref<2097152xf32, #tpu.memory_space<hbm>>
    tpu.wait_indirect_dma semaphore(%arg20 : memref<!tpu.dma_semaphore, #tpu.memory_space<semaphore_mem>>) src(%dma_wait3A_146 : memref<2097152xf32, #tpu.memory_space<hbm>>) dst(%arg14 : memref<8192xf32, #tpu.memory_space<vmem>>)
    %dma_wait3A_147 = arith.constant 0 : i32
    %dma_wait3A_148 = tpu.memref_slice %arg4[%dma_wait3A_147] : memref<2097152xf32, #tpu.memory_space<hbm>> -> memref<2097152xf32, #tpu.memory_space<hbm>>
    tpu.wait_indirect_dma semaphore(%arg20 : memref<!tpu.dma_semaphore, #tpu.memory_space<semaphore_mem>>) src(%dma_wait3A_148 : memref<2097152xf32, #tpu.memory_space<hbm>>) dst(%arg15 : memref<8192xf32, #tpu.memory_space<vmem>>)
    %dma_wait3A_149 = arith.constant 0 : i32
    %dma_wait3A_150 = tpu.memref_slice %arg5[%dma_wait3A_149] : memref<2097152xf32, #tpu.memory_space<hbm>> -> memref<2097152xf32, #tpu.memory_space<hbm>>
    tpu.wait_indirect_dma semaphore(%arg20 : memref<!tpu.dma_semaphore, #tpu.memory_space<semaphore_mem>>) src(%dma_wait3A_150 : memref<2097152xf32, #tpu.memory_space<hbm>>) dst(%arg16 : memref<8192xf32, #tpu.memory_space<vmem>>)
    %scan3A_151 = arith.constant 0 : i32
    %scan3A_152 = arith.constant 0 : i32
    %scan3A_153 = arith.constant 512 : i32
    %scan3A_154 = arith.addi %scan3A_152, %scan3A_153 : i32
    %scan3A_155 = arith.constant 1 : i32
    scf.for %scan3A_235 = %scan3A_152 to %scan3A_154 step %scan3A_155  : i32 {
      %mul3A_236 = arith.constant 16 : i32
      %mul3A_237 = arith.muli %scan3A_235, %mul3A_236 : i32
      %add3A_238 = arith.constant 0 : i32
      %add3A_239 = arith.addi %add3A_238, %mul3A_237 : i32
      %get3A = arith.index_cast %add3A_239 : i32 to index
      %get3A_240 = tpu.vector_load %arg9[%get3A] {strides = array<i32>} : memref<24576xi32, #tpu.memory_space<vmem>>, vector<16xi32>,
      %lt3A = arith.constant 0 : i32
      %lt3A_241 = vector.broadcast %lt3A : i32 to vector<16xi32>
      %lt3A_242 = arith.cmpi slt, %get3A_240, %lt3A_241 : vector<16xi32>
      %mul3A_243 = arith.constant 16 : i32
      %mul3A_244 = arith.muli %scan3A_235, %mul3A_243 : i32
      %get3A_245 = arith.index_cast %mul3A_244 : i32 to index
      %get3A_246 = tpu.vector_load %arg14[%get3A_245] {strides = array<i32>} : memref<8192xf32, #tpu.memory_space<vmem>>, vector<16xf32>,
      %jit3A = arith.constant 9.990000e+02 : f32
      %broadcast_in_dim3A_247 = vector.broadcast %jit3A : f32 to vector<16xf32>
      %select_n3A = arith.select %lt3A_242, %broadcast_in_dim3A_247, %get3A_246 : vector<16xi1>, vector<16xf32>
      %swap3A = arith.index_cast %mul3A_244 : i32 to index
      %swap3A_248 = tpu.vector_load %arg14[%swap3A] {strides = array<i32>} : memref<8192xf32, #tpu.memory_space<vmem>>, vector<16xf32>,
      tpu.vector_store %arg14[%swap3A], %select_n3A {strides = array<i32>} : memref<8192xf32, #tpu.memory_space<vmem>>, vector<16xf32>,
      %get3A_249 = arith.index_cast %mul3A_244 : i32 to index
      %get3A_250 = tpu.vector_load %arg15[%get3A_249] {strides = array<i32>} : memref<8192xf32, #tpu.memory_space<vmem>>, vector<16xf32>,
      %jit3A_251 = arith.constant 9.990000e+02 : f32
      %broadcast_in_dim3A_252 = vector.broadcast %jit3A_251 : f32 to vector<16xf32>
      %select_n3A_253 = arith.select %lt3A_242, %broadcast_in_dim3A_252, %get3A_250 : vector<16xi1>, vector<16xf32>
      %swap3A_254 = arith.index_cast %mul3A_244 : i32 to index
      %swap3A_255 = tpu.vector_load %arg15[%swap3A_254] {strides = array<i32>} : memref<8192xf32, #tpu.memory_space<vmem>>, vector<16xf32>,
      tpu.vector_store %arg15[%swap3A_254], %select_n3A_253 {strides = array<i32>} : memref<8192xf32, #tpu.memory_space<vmem>>, vector<16xf32>,
      %get3A_256 = arith.index_cast %mul3A_244 : i32 to index
      %get3A_257 = tpu.vector_load %arg16[%get3A_256] {strides = array<i32>} : memref<8192xf32, #tpu.memory_space<vmem>>, vector<16xf32>,
      %jit3A_258 = arith.constant 9.990000e+02 : f32
      %broadcast_in_dim3A_259 = vector.broadcast %jit3A_258 : f32 to vector<16xf32>
      %select_n3A_260 = arith.select %lt3A_242, %broadcast_in_dim3A_259, %get3A_257 : vector<16xi1>, vector<16xf32>
      %swap3A_261 = arith.index_cast %mul3A_244 : i32 to index
      %swap3A_262 = tpu.vector_load %arg16[%swap3A_261] {strides = array<i32>} : memref<8192xf32, #tpu.memory_space<vmem>>, vector<16xf32>,
      tpu.vector_store %arg16[%swap3A_261], %select_n3A_260 {strides = array<i32>} : memref<8192xf32, #tpu.memory_space<vmem>>, vector<16xf32>,
    }
    %scan3A_156 = arith.constant 512 : i32
    %run_scoped3A_157 = arith.constant 1 : i32
    %run_scoped3A_158 = arith.constant 0 : i32
    "tpu.region"() ({
      %run_scoped3A_235 = tpu.sem_alloc : memref<!tpu.dma_semaphore, #tpu.memory_space<semaphore_mem>>
      %dma_start3A_236 = arith.constant 0 : i32
      %dma_start3A_237 = tpu.memref_slice %arg7[%run_scoped3A_157, %add3A, %run_scoped3A_158, %dma_start3A_236] : memref<2x32x10x8192xf32, #tpu.memory_space<hbm>> -> memref<1x1x1x8192xf32, #tpu.memory_space<hbm>>
      %dma_start3A_238 = tpu.memref_squeeze %dma_start3A_237 : memref<1x1x1x8192xf32, #tpu.memory_space<hbm>> -> memref<8192xf32, #tpu.memory_space<hbm>>
      %dma_start3A_239 = arith.constant 0 : i32
      %dma_start3A_240 = tpu.memref_slice %arg7[%run_scoped3A_157, %add3A, %run_scoped3A_158, %dma_start3A_239] : memref<2x32x10x8192xf32, #tpu.memory_space<hbm>> -> memref<1x1x1x8192xf32, #tpu.memory_space<hbm>>
      %dma_start3A_241 = tpu.memref_squeeze %dma_start3A_240 : memref<1x1x1x8192xf32, #tpu.memory_space<hbm>> -> memref<8192xf32, #tpu.memory_space<hbm>>
      tpu.enqueue_dma source(%arg14 : memref<8192xf32, #tpu.memory_space<vmem>>) target(%dma_start3A_241 : memref<8192xf32, #tpu.memory_space<hbm>>) target_semaphore(%run_scoped3A_235 : memref<!tpu.dma_semaphore, #tpu.memory_space<semaphore_mem>>)
      %dma_wait3A_242 = arith.constant 0 : i32
      %dma_wait3A_243 = tpu.memref_slice %arg7[%run_scoped3A_157, %add3A, %run_scoped3A_158, %dma_wait3A_242] : memref<2x32x10x8192xf32, #tpu.memory_space<hbm>> -> memref<1x1x1x8192xf32, #tpu.memory_space<hbm>>
      %dma_wait3A_244 = tpu.memref_squeeze %dma_wait3A_243 : memref<1x1x1x8192xf32, #tpu.memory_space<hbm>> -> memref<8192xf32, #tpu.memory_space<hbm>>
      %dma_wait3A_245 = arith.constant 0 : i32
      %dma_wait3A_246 = tpu.memref_slice %arg7[%run_scoped3A_157, %add3A, %run_scoped3A_158, %dma_wait3A_245] : memref<2x32x10x8192xf32, #tpu.memory_space<hbm>> -> memref<1x1x1x8192xf32, #tpu.memory_space<hbm>>
      %dma_wait3A_247 = tpu.memref_squeeze %dma_wait3A_246 : memref<1x1x1x8192xf32, #tpu.memory_space<hbm>> -> memref<8192xf32, #tpu.memory_space<hbm>>
      tpu.wait_dma2 semaphore(%run_scoped3A_235 : memref<!tpu.dma_semaphore, #tpu.memory_space<semaphore_mem>>) src(%arg14 : memref<8192xf32, #tpu.memory_space<vmem>>) dst(%dma_wait3A_247 : memref<8192xf32, #tpu.memory_space<hbm>>)
      tpu.yield
    }) : () -> ()
    %run_scoped3A_159 = arith.constant 1 : i32
    %run_scoped3A_160 = arith.constant 1 : i32
    "tpu.region"() ({
      %run_scoped3A_235 = tpu.sem_alloc : memref<!tpu.dma_semaphore, #tpu.memory_space<semaphore_mem>>
      %dma_start3A_236 = arith.constant 0 : i32
      %dma_start3A_237 = tpu.memref_slice %arg7[%run_scoped3A_159, %add3A, %run_scoped3A_160, %dma_start3A_236] : memref<2x32x10x8192xf32, #tpu.memory_space<hbm>> -> memref<1x1x1x8192xf32, #tpu.memory_space<hbm>>
      %dma_start3A_238 = tpu.memref_squeeze %dma_start3A_237 : memref<1x1x1x8192xf32, #tpu.memory_space<hbm>> -> memref<8192xf32, #tpu.memory_space<hbm>>
      %dma_start3A_239 = arith.constant 0 : i32
      %dma_start3A_240 = tpu.memref_slice %arg7[%run_scoped3A_159, %add3A, %run_scoped3A_160, %dma_start3A_239] : memref<2x32x10x8192xf32, #tpu.memory_space<hbm>> -> memref<1x1x1x8192xf32, #tpu.memory_space<hbm>>
      %dma_start3A_241 = tpu.memref_squeeze %dma_start3A_240 : memref<1x1x1x8192xf32, #tpu.memory_space<hbm>> -> memref<8192xf32, #tpu.memory_space<hbm>>
      tpu.enqueue_dma source(%arg15 : memref<8192xf32, #tpu.memory_space<vmem>>) target(%dma_start3A_241 : memref<8192xf32, #tpu.memory_space<hbm>>) target_semaphore(%run_scoped3A_235 : memref<!tpu.dma_semaphore, #tpu.memory_space<semaphore_mem>>)
      %dma_wait3A_242 = arith.constant 0 : i32
      %dma_wait3A_243 = tpu.memref_slice %arg7[%run_scoped3A_159, %add3A, %run_scoped3A_160, %dma_wait3A_242] : memref<2x32x10x8192xf32, #tpu.memory_space<hbm>> -> memref<1x1x1x8192xf32, #tpu.memory_space<hbm>>
      %dma_wait3A_244 = tpu.memref_squeeze %dma_wait3A_243 : memref<1x1x1x8192xf32, #tpu.memory_space<hbm>> -> memref<8192xf32, #tpu.memory_space<hbm>>
      %dma_wait3A_245 = arith.constant 0 : i32
      %dma_wait3A_246 = tpu.memref_slice %arg7[%run_scoped3A_159, %add3A, %run_scoped3A_160, %dma_wait3A_245] : memref<2x32x10x8192xf32, #tpu.memory_space<hbm>> -> memref<1x1x1x8192xf32, #tpu.memory_space<hbm>>
      %dma_wait3A_247 = tpu.memref_squeeze %dma_wait3A_246 : memref<1x1x1x8192xf32, #tpu.memory_space<hbm>> -> memref<8192xf32, #tpu.memory_space<hbm>>
      tpu.wait_dma2 semaphore(%run_scoped3A_235 : memref<!tpu.dma_semaphore, #tpu.memory_space<semaphore_mem>>) src(%arg15 : memref<8192xf32, #tpu.memory_space<vmem>>) dst(%dma_wait3A_247 : memref<8192xf32, #tpu.memory_space<hbm>>)
      tpu.yield
    }) : () -> ()
    %run_scoped3A_161 = arith.constant 1 : i32
    %run_scoped3A_162 = arith.constant 2 : i32
    "tpu.region"() ({
      %run_scoped3A_235 = tpu.sem_alloc : memref<!tpu.dma_semaphore, #tpu.memory_space<semaphore_mem>>
      %dma_start3A_236 = arith.constant 0 : i32
      %dma_start3A_237 = tpu.memref_slice %arg7[%run_scoped3A_161, %add3A, %run_scoped3A_162, %dma_start3A_236] : memref<2x32x10x8192xf32, #tpu.memory_space<hbm>> -> memref<1x1x1x8192xf32, #tpu.memory_space<hbm>>
      %dma_start3A_238 = tpu.memref_squeeze %dma_start3A_237 : memref<1x1x1x8192xf32, #tpu.memory_space<hbm>> -> memref<8192xf32, #tpu.memory_space<hbm>>
      %dma_start3A_239 = arith.constant 0 : i32
      %dma_start3A_240 = tpu.memref_slice %arg7[%run_scoped3A_161, %add3A, %run_scoped3A_162, %dma_start3A_239] : memref<2x32x10x8192xf32, #tpu.memory_space<hbm>> -> memref<1x1x1x8192xf32, #tpu.memory_space<hbm>>
      %dma_start3A_241 = tpu.memref_squeeze %dma_start3A_240 : memref<1x1x1x8192xf32, #tpu.memory_space<hbm>> -> memref<8192xf32, #tpu.memory_space<hbm>>
      tpu.enqueue_dma source(%arg16 : memref<8192xf32, #tpu.memory_space<vmem>>) target(%dma_start3A_241 : memref<8192xf32, #tpu.memory_space<hbm>>) target_semaphore(%run_scoped3A_235 : memref<!tpu.dma_semaphore, #tpu.memory_space<semaphore_mem>>)
      %dma_wait3A_242 = arith.constant 0 : i32
      %dma_wait3A_243 = tpu.memref_slice %arg7[%run_scoped3A_161, %add3A, %run_scoped3A_162, %dma_wait3A_242] : memref<2x32x10x8192xf32, #tpu.memory_space<hbm>> -> memref<1x1x1x8192xf32, #tpu.memory_space<hbm>>
      %dma_wait3A_244 = tpu.memref_squeeze %dma_wait3A_243 : memref<1x1x1x8192xf32, #tpu.memory_space<hbm>> -> memref<8192xf32, #tpu.memory_space<hbm>>
      %dma_wait3A_245 = arith.constant 0 : i32
      %dma_wait3A_246 = tpu.memref_slice %arg7[%run_scoped3A_161, %add3A, %run_scoped3A_162, %dma_wait3A_245] : memref<2x32x10x8192xf32, #tpu.memory_space<hbm>> -> memref<1x1x1x8192xf32, #tpu.memory_space<hbm>>
      %dma_wait3A_247 = tpu.memref_squeeze %dma_wait3A_246 : memref<1x1x1x8192xf32, #tpu.memory_space<hbm>> -> memref<8192xf32, #tpu.memory_space<hbm>>
      tpu.wait_dma2 semaphore(%run_scoped3A_235 : memref<!tpu.dma_semaphore, #tpu.memory_space<semaphore_mem>>) src(%arg16 : memref<8192xf32, #tpu.memory_space<vmem>>) dst(%dma_wait3A_247 : memref<8192xf32, #tpu.memory_space<hbm>>)
      tpu.yield
    }) : () -> ()
    %scan3A_163 = arith.constant 0 : i32
    %scan3A_164 = arith.constant 0 : i32
    %scan3A_165 = arith.constant 512 : i32
    %scan3A_166 = arith.addi %scan3A_164, %scan3A_165 : i32
    %scan3A_167 = arith.constant 1 : i32
    scf.for %scan3A_235 = %scan3A_164 to %scan3A_166 step %scan3A_167  : i32 {
      %mul3A_236 = arith.constant 16 : i32
      %mul3A_237 = arith.muli %scan3A_235, %mul3A_236 : i32
      %add3A_238 = arith.constant 8192 : i32
      %add3A_239 = arith.addi %add3A_238, %mul3A_237 : i32
      %get3A = arith.index_cast %add3A_239 : i32 to index
      %get3A_240 = tpu.vector_load %arg9[%get3A] {strides = array<i32>} : memref<24576xi32, #tpu.memory_space<vmem>>, vector<16xi32>,
      %lt3A = arith.constant 0 : i32
      %lt3A_241 = vector.broadcast %lt3A : i32 to vector<16xi32>
      %lt3A_242 = arith.cmpi slt, %get3A_240, %lt3A_241 : vector<16xi32>
      %mul3A_243 = arith.constant 16 : i32
      %mul3A_244 = arith.muli %scan3A_235, %mul3A_243 : i32
      %add3A_245 = vector.broadcast %mul3A_244 : i32 to vector<16xi32>
      %add3A_246 = arith.addi %add3A_245, %iota3A : vector<16xi32>
      %select_n3A = arith.select %lt3A_242, %add3A_246, %get3A_240 : vector<16xi1>, vector<16xi32>
      %mul3A_247 = arith.constant 16 : i32
      %mul3A_248 = arith.muli %scan3A_235, %mul3A_247 : i32
      %swap3A = arith.index_cast %mul3A_248 : i32 to index
      %swap3A_249 = tpu.vector_load %arg13[%swap3A] {strides = array<i32>} : memref<8192xi32, #tpu.memory_space<vmem>>, vector<16xi32>,
      tpu.vector_store %arg13[%swap3A], %select_n3A {strides = array<i32>} : memref<8192xi32, #tpu.memory_space<vmem>>, vector<16xi32>,
    }
    %scan3A_168 = arith.constant 512 : i32
    %dma_start3A_169 = arith.constant 0 : i32
    %dma_start3A_170 = tpu.memref_slice %arg3[%dma_start3A_169] : memref<2097152xf32, #tpu.memory_space<hbm>> -> memref<2097152xf32, #tpu.memory_space<hbm>>
    tpu.enqueue_indirect_dma source(%dma_start3A_170 : memref<2097152xf32, #tpu.memory_space<hbm>>) target(%arg14 : memref<8192xf32, #tpu.memory_space<vmem>>) offsets(%arg13 : memref<8192xi32, #tpu.memory_space<vmem>>) semaphore(%arg20 : memref<!tpu.dma_semaphore, #tpu.memory_space<semaphore_mem>>)
    %dma_start3A_171 = arith.constant 0 : i32
    %dma_start3A_172 = tpu.memref_slice %arg4[%dma_start3A_171] : memref<2097152xf32, #tpu.memory_space<hbm>> -> memref<2097152xf32, #tpu.memory_space<hbm>>
    tpu.enqueue_indirect_dma source(%dma_start3A_172 : memref<2097152xf32, #tpu.memory_space<hbm>>) target(%arg15 : memref<8192xf32, #tpu.memory_space<vmem>>) offsets(%arg13 : memref<8192xi32, #tpu.memory_space<vmem>>) semaphore(%arg20 : memref<!tpu.dma_semaphore, #tpu.memory_space<semaphore_mem>>)
    %dma_start3A_173 = arith.constant 0 : i32
    %dma_start3A_174 = tpu.memref_slice %arg5[%dma_start3A_173] : memref<2097152xf32, #tpu.memory_space<hbm>> -> memref<2097152xf32, #tpu.memory_space<hbm>>
    tpu.enqueue_indirect_dma source(%dma_start3A_174 : memref<2097152xf32, #tpu.memory_space<hbm>>) target(%arg16 : memref<8192xf32, #tpu.memory_space<vmem>>) offsets(%arg13 : memref<8192xi32, #tpu.memory_space<vmem>>) semaphore(%arg20 : memref<!tpu.dma_semaphore, #tpu.memory_space<semaphore_mem>>)
    %dma_wait3A_175 = arith.constant 0 : i32
    %dma_wait3A_176 = tpu.memref_slice %arg3[%dma_wait3A_175] : memref<2097152xf32, #tpu.memory_space<hbm>> -> memref<2097152xf32, #tpu.memory_space<hbm>>
    tpu.wait_indirect_dma semaphore(%arg20 : memref<!tpu.dma_semaphore, #tpu.memory_space<semaphore_mem>>) src(%dma_wait3A_176 : memref<2097152xf32, #tpu.memory_space<hbm>>) dst(%arg14 : memref<8192xf32, #tpu.memory_space<vmem>>)
    %dma_wait3A_177 = arith.constant 0 : i32
    %dma_wait3A_178 = tpu.memref_slice %arg4[%dma_wait3A_177] : memref<2097152xf32, #tpu.memory_space<hbm>> -> memref<2097152xf32, #tpu.memory_space<hbm>>
    tpu.wait_indirect_dma semaphore(%arg20 : memref<!tpu.dma_semaphore, #tpu.memory_space<semaphore_mem>>) src(%dma_wait3A_178 : memref<2097152xf32, #tpu.memory_space<hbm>>) dst(%arg15 : memref<8192xf32, #tpu.memory_space<vmem>>)
    %dma_wait3A_179 = arith.constant 0 : i32
    %dma_wait3A_180 = tpu.memref_slice %arg5[%dma_wait3A_179] : memref<2097152xf32, #tpu.memory_space<hbm>> -> memref<2097152xf32, #tpu.memory_space<hbm>>
    tpu.wait_indirect_dma semaphore(%arg20 : memref<!tpu.dma_semaphore, #tpu.memory_space<semaphore_mem>>) src(%dma_wait3A_180 : memref<2097152xf32, #tpu.memory_space<hbm>>) dst(%arg16 : memref<8192xf32, #tpu.memory_space<vmem>>)
    %scan3A_181 = arith.constant 0 : i32
    %scan3A_182 = arith.constant 0 : i32
    %scan3A_183 = arith.constant 512 : i32
    %scan3A_184 = arith.addi %scan3A_182, %scan3A_183 : i32
    %scan3A_185 = arith.constant 1 : i32
    scf.for %scan3A_235 = %scan3A_182 to %scan3A_184 step %scan3A_185  : i32 {
      %mul3A_236 = arith.constant 16 : i32
      %mul3A_237 = arith.muli %scan3A_235, %mul3A_236 : i32
      %add3A_238 = arith.constant 8192 : i32
      %add3A_239 = arith.addi %add3A_238, %mul3A_237 : i32
      %get3A = arith.index_cast %add3A_239 : i32 to index
      %get3A_240 = tpu.vector_load %arg9[%get3A] {strides = array<i32>} : memref<24576xi32, #tpu.memory_space<vmem>>, vector<16xi32>,
      %lt3A = arith.constant 0 : i32
      %lt3A_241 = vector.broadcast %lt3A : i32 to vector<16xi32>
      %lt3A_242 = arith.cmpi slt, %get3A_240, %lt3A_241 : vector<16xi32>
      %mul3A_243 = arith.constant 16 : i32
      %mul3A_244 = arith.muli %scan3A_235, %mul3A_243 : i32
      %get3A_245 = arith.index_cast %mul3A_244 : i32 to index
      %get3A_246 = tpu.vector_load %arg14[%get3A_245] {strides = array<i32>} : memref<8192xf32, #tpu.memory_space<vmem>>, vector<16xf32>,
      %jit3A = arith.constant 9.990000e+02 : f32
      %broadcast_in_dim3A_247 = vector.broadcast %jit3A : f32 to vector<16xf32>
      %select_n3A = arith.select %lt3A_242, %broadcast_in_dim3A_247, %get3A_246 : vector<16xi1>, vector<16xf32>
      %swap3A = arith.index_cast %mul3A_244 : i32 to index
      %swap3A_248 = tpu.vector_load %arg14[%swap3A] {strides = array<i32>} : memref<8192xf32, #tpu.memory_space<vmem>>, vector<16xf32>,
      tpu.vector_store %arg14[%swap3A], %select_n3A {strides = array<i32>} : memref<8192xf32, #tpu.memory_space<vmem>>, vector<16xf32>,
      %get3A_249 = arith.index_cast %mul3A_244 : i32 to index
      %get3A_250 = tpu.vector_load %arg15[%get3A_249] {strides = array<i32>} : memref<8192xf32, #tpu.memory_space<vmem>>, vector<16xf32>,
      %jit3A_251 = arith.constant 9.990000e+02 : f32
      %broadcast_in_dim3A_252 = vector.broadcast %jit3A_251 : f32 to vector<16xf32>
      %select_n3A_253 = arith.select %lt3A_242, %broadcast_in_dim3A_252, %get3A_250 : vector<16xi1>, vector<16xf32>
      %swap3A_254 = arith.index_cast %mul3A_244 : i32 to index
      %swap3A_255 = tpu.vector_load %arg15[%swap3A_254] {strides = array<i32>} : memref<8192xf32, #tpu.memory_space<vmem>>, vector<16xf32>,
      tpu.vector_store %arg15[%swap3A_254], %select_n3A_253 {strides = array<i32>} : memref<8192xf32, #tpu.memory_space<vmem>>, vector<16xf32>,
      %get3A_256 = arith.index_cast %mul3A_244 : i32 to index
      %get3A_257 = tpu.vector_load %arg16[%get3A_256] {strides = array<i32>} : memref<8192xf32, #tpu.memory_space<vmem>>, vector<16xf32>,
      %jit3A_258 = arith.constant 9.990000e+02 : f32
      %broadcast_in_dim3A_259 = vector.broadcast %jit3A_258 : f32 to vector<16xf32>
      %select_n3A_260 = arith.select %lt3A_242, %broadcast_in_dim3A_259, %get3A_257 : vector<16xi1>, vector<16xf32>
      %swap3A_261 = arith.index_cast %mul3A_244 : i32 to index
      %swap3A_262 = tpu.vector_load %arg16[%swap3A_261] {strides = array<i32>} : memref<8192xf32, #tpu.memory_space<vmem>>, vector<16xf32>,
      tpu.vector_store %arg16[%swap3A_261], %select_n3A_260 {strides = array<i32>} : memref<8192xf32, #tpu.memory_space<vmem>>, vector<16xf32>,
    }
    %scan3A_186 = arith.constant 512 : i32
    %run_scoped3A_187 = arith.constant 1 : i32
    %run_scoped3A_188 = arith.constant 3 : i32
    "tpu.region"() ({
      %run_scoped3A_235 = tpu.sem_alloc : memref<!tpu.dma_semaphore, #tpu.memory_space<semaphore_mem>>
      %dma_start3A_236 = arith.constant 0 : i32
      %dma_start3A_237 = tpu.memref_slice %arg7[%run_scoped3A_187, %add3A, %run_scoped3A_188, %dma_start3A_236] : memref<2x32x10x8192xf32, #tpu.memory_space<hbm>> -> memref<1x1x1x8192xf32, #tpu.memory_space<hbm>>
      %dma_start3A_238 = tpu.memref_squeeze %dma_start3A_237 : memref<1x1x1x8192xf32, #tpu.memory_space<hbm>> -> memref<8192xf32, #tpu.memory_space<hbm>>
      %dma_start3A_239 = arith.constant 0 : i32
      %dma_start3A_240 = tpu.memref_slice %arg7[%run_scoped3A_187, %add3A, %run_scoped3A_188, %dma_start3A_239] : memref<2x32x10x8192xf32, #tpu.memory_space<hbm>> -> memref<1x1x1x8192xf32, #tpu.memory_space<hbm>>
      %dma_start3A_241 = tpu.memref_squeeze %dma_start3A_240 : memref<1x1x1x8192xf32, #tpu.memory_space<hbm>> -> memref<8192xf32, #tpu.memory_space<hbm>>
      tpu.enqueue_dma source(%arg14 : memref<8192xf32, #tpu.memory_space<vmem>>) target(%dma_start3A_241 : memref<8192xf32, #tpu.memory_space<hbm>>) target_semaphore(%run_scoped3A_235 : memref<!tpu.dma_semaphore, #tpu.memory_space<semaphore_mem>>)
      %dma_wait3A_242 = arith.constant 0 : i32
      %dma_wait3A_243 = tpu.memref_slice %arg7[%run_scoped3A_187, %add3A, %run_scoped3A_188, %dma_wait3A_242] : memref<2x32x10x8192xf32, #tpu.memory_space<hbm>> -> memref<1x1x1x8192xf32, #tpu.memory_space<hbm>>
      %dma_wait3A_244 = tpu.memref_squeeze %dma_wait3A_243 : memref<1x1x1x8192xf32, #tpu.memory_space<hbm>> -> memref<8192xf32, #tpu.memory_space<hbm>>
      %dma_wait3A_245 = arith.constant 0 : i32
      %dma_wait3A_246 = tpu.memref_slice %arg7[%run_scoped3A_187, %add3A, %run_scoped3A_188, %dma_wait3A_245] : memref<2x32x10x8192xf32, #tpu.memory_space<hbm>> -> memref<1x1x1x8192xf32, #tpu.memory_space<hbm>>
      %dma_wait3A_247 = tpu.memref_squeeze %dma_wait3A_246 : memref<1x1x1x8192xf32, #tpu.memory_space<hbm>> -> memref<8192xf32, #tpu.memory_space<hbm>>
      tpu.wait_dma2 semaphore(%run_scoped3A_235 : memref<!tpu.dma_semaphore, #tpu.memory_space<semaphore_mem>>) src(%arg14 : memref<8192xf32, #tpu.memory_space<vmem>>) dst(%dma_wait3A_247 : memref<8192xf32, #tpu.memory_space<hbm>>)
      tpu.yield
    }) : () -> ()
    %run_scoped3A_189 = arith.constant 1 : i32
    %run_scoped3A_190 = arith.constant 4 : i32
    "tpu.region"() ({
      %run_scoped3A_235 = tpu.sem_alloc : memref<!tpu.dma_semaphore, #tpu.memory_space<semaphore_mem>>
      %dma_start3A_236 = arith.constant 0 : i32
      %dma_start3A_237 = tpu.memref_slice %arg7[%run_scoped3A_189, %add3A, %run_scoped3A_190, %dma_start3A_236] : memref<2x32x10x8192xf32, #tpu.memory_space<hbm>> -> memref<1x1x1x8192xf32, #tpu.memory_space<hbm>>
      %dma_start3A_238 = tpu.memref_squeeze %dma_start3A_237 : memref<1x1x1x8192xf32, #tpu.memory_space<hbm>> -> memref<8192xf32, #tpu.memory_space<hbm>>
      %dma_start3A_239 = arith.constant 0 : i32
      %dma_start3A_240 = tpu.memref_slice %arg7[%run_scoped3A_189, %add3A, %run_scoped3A_190, %dma_start3A_239] : memref<2x32x10x8192xf32, #tpu.memory_space<hbm>> -> memref<1x1x1x8192xf32, #tpu.memory_space<hbm>>
      %dma_start3A_241 = tpu.memref_squeeze %dma_start3A_240 : memref<1x1x1x8192xf32, #tpu.memory_space<hbm>> -> memref<8192xf32, #tpu.memory_space<hbm>>
      tpu.enqueue_dma source(%arg15 : memref<8192xf32, #tpu.memory_space<vmem>>) target(%dma_start3A_241 : memref<8192xf32, #tpu.memory_space<hbm>>) target_semaphore(%run_scoped3A_235 : memref<!tpu.dma_semaphore, #tpu.memory_space<semaphore_mem>>)
      %dma_wait3A_242 = arith.constant 0 : i32
      %dma_wait3A_243 = tpu.memref_slice %arg7[%run_scoped3A_189, %add3A, %run_scoped3A_190, %dma_wait3A_242] : memref<2x32x10x8192xf32, #tpu.memory_space<hbm>> -> memref<1x1x1x8192xf32, #tpu.memory_space<hbm>>
      %dma_wait3A_244 = tpu.memref_squeeze %dma_wait3A_243 : memref<1x1x1x8192xf32, #tpu.memory_space<hbm>> -> memref<8192xf32, #tpu.memory_space<hbm>>
      %dma_wait3A_245 = arith.constant 0 : i32
      %dma_wait3A_246 = tpu.memref_slice %arg7[%run_scoped3A_189, %add3A, %run_scoped3A_190, %dma_wait3A_245] : memref<2x32x10x8192xf32, #tpu.memory_space<hbm>> -> memref<1x1x1x8192xf32, #tpu.memory_space<hbm>>
      %dma_wait3A_247 = tpu.memref_squeeze %dma_wait3A_246 : memref<1x1x1x8192xf32, #tpu.memory_space<hbm>> -> memref<8192xf32, #tpu.memory_space<hbm>>
      tpu.wait_dma2 semaphore(%run_scoped3A_235 : memref<!tpu.dma_semaphore, #tpu.memory_space<semaphore_mem>>) src(%arg15 : memref<8192xf32, #tpu.memory_space<vmem>>) dst(%dma_wait3A_247 : memref<8192xf32, #tpu.memory_space<hbm>>)
      tpu.yield
    }) : () -> ()
    %run_scoped3A_191 = arith.constant 1 : i32
    %run_scoped3A_192 = arith.constant 5 : i32
    "tpu.region"() ({
      %run_scoped3A_235 = tpu.sem_alloc : memref<!tpu.dma_semaphore, #tpu.memory_space<semaphore_mem>>
      %dma_start3A_236 = arith.constant 0 : i32
      %dma_start3A_237 = tpu.memref_slice %arg7[%run_scoped3A_191, %add3A, %run_scoped3A_192, %dma_start3A_236] : memref<2x32x10x8192xf32, #tpu.memory_space<hbm>> -> memref<1x1x1x8192xf32, #tpu.memory_space<hbm>>
      %dma_start3A_238 = tpu.memref_squeeze %dma_start3A_237 : memref<1x1x1x8192xf32, #tpu.memory_space<hbm>> -> memref<8192xf32, #tpu.memory_space<hbm>>
      %dma_start3A_239 = arith.constant 0 : i32
      %dma_start3A_240 = tpu.memref_slice %arg7[%run_scoped3A_191, %add3A, %run_scoped3A_192, %dma_start3A_239] : memref<2x32x10x8192xf32, #tpu.memory_space<hbm>> -> memref<1x1x1x8192xf32, #tpu.memory_space<hbm>>
      %dma_start3A_241 = tpu.memref_squeeze %dma_start3A_240 : memref<1x1x1x8192xf32, #tpu.memory_space<hbm>> -> memref<8192xf32, #tpu.memory_space<hbm>>
      tpu.enqueue_dma source(%arg16 : memref<8192xf32, #tpu.memory_space<vmem>>) target(%dma_start3A_241 : memref<8192xf32, #tpu.memory_space<hbm>>) target_semaphore(%run_scoped3A_235 : memref<!tpu.dma_semaphore, #tpu.memory_space<semaphore_mem>>)
      %dma_wait3A_242 = arith.constant 0 : i32
      %dma_wait3A_243 = tpu.memref_slice %arg7[%run_scoped3A_191, %add3A, %run_scoped3A_192, %dma_wait3A_242] : memref<2x32x10x8192xf32, #tpu.memory_space<hbm>> -> memref<1x1x1x8192xf32, #tpu.memory_space<hbm>>
      %dma_wait3A_244 = tpu.memref_squeeze %dma_wait3A_243 : memref<1x1x1x8192xf32, #tpu.memory_space<hbm>> -> memref<8192xf32, #tpu.memory_space<hbm>>
      %dma_wait3A_245 = arith.constant 0 : i32
      %dma_wait3A_246 = tpu.memref_slice %arg7[%run_scoped3A_191, %add3A, %run_scoped3A_192, %dma_wait3A_245] : memref<2x32x10x8192xf32, #tpu.memory_space<hbm>> -> memref<1x1x1x8192xf32, #tpu.memory_space<hbm>>
      %dma_wait3A_247 = tpu.memref_squeeze %dma_wait3A_246 : memref<1x1x1x8192xf32, #tpu.memory_space<hbm>> -> memref<8192xf32, #tpu.memory_space<hbm>>
      tpu.wait_dma2 semaphore(%run_scoped3A_235 : memref<!tpu.dma_semaphore, #tpu.memory_space<semaphore_mem>>) src(%arg16 : memref<8192xf32, #tpu.memory_space<vmem>>) dst(%dma_wait3A_247 : memref<8192xf32, #tpu.memory_space<hbm>>)
      tpu.yield
    }) : () -> ()
    %scan3A_193 = arith.constant 0 : i32
    %scan3A_194 = arith.constant 0 : i32
    %scan3A_195 = arith.constant 512 : i32
    %scan3A_196 = arith.addi %scan3A_194, %scan3A_195 : i32
    %scan3A_197 = arith.constant 1 : i32
    scf.for %scan3A_235 = %scan3A_194 to %scan3A_196 step %scan3A_197  : i32 {
      %mul3A_236 = arith.constant 16 : i32
      %mul3A_237 = arith.muli %scan3A_235, %mul3A_236 : i32
      %add3A_238 = arith.constant 16384 : i32
      %add3A_239 = arith.addi %add3A_238, %mul3A_237 : i32
      %get3A = arith.index_cast %add3A_239 : i32 to index
      %get3A_240 = tpu.vector_load %arg9[%get3A] {strides = array<i32>} : memref<24576xi32, #tpu.memory_space<vmem>>, vector<16xi32>,
      %lt3A = arith.constant 0 : i32
      %lt3A_241 = vector.broadcast %lt3A : i32 to vector<16xi32>
      %lt3A_242 = arith.cmpi slt, %get3A_240, %lt3A_241 : vector<16xi32>
      %mul3A_243 = arith.constant 16 : i32
      %mul3A_244 = arith.muli %scan3A_235, %mul3A_243 : i32
      %add3A_245 = vector.broadcast %mul3A_244 : i32 to vector<16xi32>
      %add3A_246 = arith.addi %add3A_245, %iota3A : vector<16xi32>
      %select_n3A = arith.select %lt3A_242, %add3A_246, %get3A_240 : vector<16xi1>, vector<16xi32>
      %mul3A_247 = arith.constant 16 : i32
      %mul3A_248 = arith.muli %scan3A_235, %mul3A_247 : i32
      %swap3A = arith.index_cast %mul3A_248 : i32 to index
      %swap3A_249 = tpu.vector_load %arg13[%swap3A] {strides = array<i32>} : memref<8192xi32, #tpu.memory_space<vmem>>, vector<16xi32>,
      tpu.vector_store %arg13[%swap3A], %select_n3A {strides = array<i32>} : memref<8192xi32, #tpu.memory_space<vmem>>, vector<16xi32>,
    }
    %scan3A_198 = arith.constant 512 : i32
    %dma_start3A_199 = arith.constant 0 : i32
    %dma_start3A_200 = tpu.memref_slice %arg3[%dma_start3A_199] : memref<2097152xf32, #tpu.memory_space<hbm>> -> memref<2097152xf32, #tpu.memory_space<hbm>>
    tpu.enqueue_indirect_dma source(%dma_start3A_200 : memref<2097152xf32, #tpu.memory_space<hbm>>) target(%arg14 : memref<8192xf32, #tpu.memory_space<vmem>>) offsets(%arg13 : memref<8192xi32, #tpu.memory_space<vmem>>) semaphore(%arg20 : memref<!tpu.dma_semaphore, #tpu.memory_space<semaphore_mem>>)
    %dma_start3A_201 = arith.constant 0 : i32
    %dma_start3A_202 = tpu.memref_slice %arg4[%dma_start3A_201] : memref<2097152xf32, #tpu.memory_space<hbm>> -> memref<2097152xf32, #tpu.memory_space<hbm>>
    tpu.enqueue_indirect_dma source(%dma_start3A_202 : memref<2097152xf32, #tpu.memory_space<hbm>>) target(%arg15 : memref<8192xf32, #tpu.memory_space<vmem>>) offsets(%arg13 : memref<8192xi32, #tpu.memory_space<vmem>>) semaphore(%arg20 : memref<!tpu.dma_semaphore, #tpu.memory_space<semaphore_mem>>)
    %dma_start3A_203 = arith.constant 0 : i32
    %dma_start3A_204 = tpu.memref_slice %arg5[%dma_start3A_203] : memref<2097152xf32, #tpu.memory_space<hbm>> -> memref<2097152xf32, #tpu.memory_space<hbm>>
    tpu.enqueue_indirect_dma source(%dma_start3A_204 : memref<2097152xf32, #tpu.memory_space<hbm>>) target(%arg16 : memref<8192xf32, #tpu.memory_space<vmem>>) offsets(%arg13 : memref<8192xi32, #tpu.memory_space<vmem>>) semaphore(%arg20 : memref<!tpu.dma_semaphore, #tpu.memory_space<semaphore_mem>>)
    %dma_start3A_205 = arith.constant 0 : i32
    %dma_start3A_206 = tpu.memref_slice %arg6[%dma_start3A_205] : memref<2097152xi32, #tpu.memory_space<hbm>> -> memref<2097152xi32, #tpu.memory_space<hbm>>
    tpu.enqueue_indirect_dma source(%dma_start3A_206 : memref<2097152xi32, #tpu.memory_space<hbm>>) target(%arg17 : memref<8192xi32, #tpu.memory_space<vmem>>) offsets(%arg13 : memref<8192xi32, #tpu.memory_space<vmem>>) semaphore(%arg20 : memref<!tpu.dma_semaphore, #tpu.memory_space<semaphore_mem>>)
    %dma_wait3A_207 = arith.constant 0 : i32
    %dma_wait3A_208 = tpu.memref_slice %arg3[%dma_wait3A_207] : memref<2097152xf32, #tpu.memory_space<hbm>> -> memref<2097152xf32, #tpu.memory_space<hbm>>
    tpu.wait_indirect_dma semaphore(%arg20 : memref<!tpu.dma_semaphore, #tpu.memory_space<semaphore_mem>>) src(%dma_wait3A_208 : memref<2097152xf32, #tpu.memory_space<hbm>>) dst(%arg14 : memref<8192xf32, #tpu.memory_space<vmem>>)
    %dma_wait3A_209 = arith.constant 0 : i32
    %dma_wait3A_210 = tpu.memref_slice %arg4[%dma_wait3A_209] : memref<2097152xf32, #tpu.memory_space<hbm>> -> memref<2097152xf32, #tpu.memory_space<hbm>>
    tpu.wait_indirect_dma semaphore(%arg20 : memref<!tpu.dma_semaphore, #tpu.memory_space<semaphore_mem>>) src(%dma_wait3A_210 : memref<2097152xf32, #tpu.memory_space<hbm>>) dst(%arg15 : memref<8192xf32, #tpu.memory_space<vmem>>)
    %dma_wait3A_211 = arith.constant 0 : i32
    %dma_wait3A_212 = tpu.memref_slice %arg5[%dma_wait3A_211] : memref<2097152xf32, #tpu.memory_space<hbm>> -> memref<2097152xf32, #tpu.memory_space<hbm>>
    tpu.wait_indirect_dma semaphore(%arg20 : memref<!tpu.dma_semaphore, #tpu.memory_space<semaphore_mem>>) src(%dma_wait3A_212 : memref<2097152xf32, #tpu.memory_space<hbm>>) dst(%arg16 : memref<8192xf32, #tpu.memory_space<vmem>>)
    %dma_wait3A_213 = arith.constant 0 : i32
    %dma_wait3A_214 = tpu.memref_slice %arg6[%dma_wait3A_213] : memref<2097152xi32, #tpu.memory_space<hbm>> -> memref<2097152xi32, #tpu.memory_space<hbm>>
    tpu.wait_indirect_dma semaphore(%arg20 : memref<!tpu.dma_semaphore, #tpu.memory_space<semaphore_mem>>) src(%dma_wait3A_214 : memref<2097152xi32, #tpu.memory_space<hbm>>) dst(%arg17 : memref<8192xi32, #tpu.memory_space<vmem>>)
    %scan3A_215 = arith.constant 0 : i32
    %scan3A_216 = arith.constant 0 : i32
    %scan3A_217 = arith.constant 512 : i32
    %scan3A_218 = arith.addi %scan3A_216, %scan3A_217 : i32
    %scan3A_219 = arith.constant 1 : i32
    scf.for %scan3A_235 = %scan3A_216 to %scan3A_218 step %scan3A_219  : i32 {
      %mul3A_236 = arith.constant 16 : i32
      %mul3A_237 = arith.muli %scan3A_235, %mul3A_236 : i32
      %add3A_238 = arith.constant 16384 : i32
      %add3A_239 = arith.addi %add3A_238, %mul3A_237 : i32
      %get3A = arith.index_cast %add3A_239 : i32 to index
      %get3A_240 = tpu.vector_load %arg9[%get3A] {strides = array<i32>} : memref<24576xi32, #tpu.memory_space<vmem>>, vector<16xi32>,
      %lt3A = arith.constant 0 : i32
      %lt3A_241 = vector.broadcast %lt3A : i32 to vector<16xi32>
      %lt3A_242 = arith.cmpi slt, %get3A_240, %lt3A_241 : vector<16xi32>
      %mul3A_243 = arith.constant 16 : i32
      %mul3A_244 = arith.muli %scan3A_235, %mul3A_243 : i32
      %get3A_245 = arith.index_cast %mul3A_244 : i32 to index
      %get3A_246 = tpu.vector_load %arg14[%get3A_245] {strides = array<i32>} : memref<8192xf32, #tpu.memory_space<vmem>>, vector<16xf32>,
      %jit3A = arith.constant 9.990000e+02 : f32
      %broadcast_in_dim3A_247 = vector.broadcast %jit3A : f32 to vector<16xf32>
      %select_n3A = arith.select %lt3A_242, %broadcast_in_dim3A_247, %get3A_246 : vector<16xi1>, vector<16xf32>
      %swap3A = arith.index_cast %mul3A_244 : i32 to index
      %swap3A_248 = tpu.vector_load %arg14[%swap3A] {strides = array<i32>} : memref<8192xf32, #tpu.memory_space<vmem>>, vector<16xf32>,
      tpu.vector_store %arg14[%swap3A], %select_n3A {strides = array<i32>} : memref<8192xf32, #tpu.memory_space<vmem>>, vector<16xf32>,
      %get3A_249 = arith.index_cast %mul3A_244 : i32 to index
      %get3A_250 = tpu.vector_load %arg15[%get3A_249] {strides = array<i32>} : memref<8192xf32, #tpu.memory_space<vmem>>, vector<16xf32>,
      %jit3A_251 = arith.constant 9.990000e+02 : f32
      %broadcast_in_dim3A_252 = vector.broadcast %jit3A_251 : f32 to vector<16xf32>
      %select_n3A_253 = arith.select %lt3A_242, %broadcast_in_dim3A_252, %get3A_250 : vector<16xi1>, vector<16xf32>
      %swap3A_254 = arith.index_cast %mul3A_244 : i32 to index
      %swap3A_255 = tpu.vector_load %arg15[%swap3A_254] {strides = array<i32>} : memref<8192xf32, #tpu.memory_space<vmem>>, vector<16xf32>,
      tpu.vector_store %arg15[%swap3A_254], %select_n3A_253 {strides = array<i32>} : memref<8192xf32, #tpu.memory_space<vmem>>, vector<16xf32>,
      %get3A_256 = arith.index_cast %mul3A_244 : i32 to index
      %get3A_257 = tpu.vector_load %arg16[%get3A_256] {strides = array<i32>} : memref<8192xf32, #tpu.memory_space<vmem>>, vector<16xf32>,
      %jit3A_258 = arith.constant 9.990000e+02 : f32
      %broadcast_in_dim3A_259 = vector.broadcast %jit3A_258 : f32 to vector<16xf32>
      %select_n3A_260 = arith.select %lt3A_242, %broadcast_in_dim3A_259, %get3A_257 : vector<16xi1>, vector<16xf32>
      %swap3A_261 = arith.index_cast %mul3A_244 : i32 to index
      %swap3A_262 = tpu.vector_load %arg16[%swap3A_261] {strides = array<i32>} : memref<8192xf32, #tpu.memory_space<vmem>>, vector<16xf32>,
      tpu.vector_store %arg16[%swap3A_261], %select_n3A_260 {strides = array<i32>} : memref<8192xf32, #tpu.memory_space<vmem>>, vector<16xf32>,
    }
    %scan3A_220 = arith.constant 512 : i32
    %run_scoped3A_221 = arith.constant 1 : i32
    %run_scoped3A_222 = arith.constant 6 : i32
    "tpu.region"() ({
      %run_scoped3A_235 = tpu.sem_alloc : memref<!tpu.dma_semaphore, #tpu.memory_space<semaphore_mem>>
      %dma_start3A_236 = arith.constant 0 : i32
      %dma_start3A_237 = tpu.memref_slice %arg7[%run_scoped3A_221, %add3A, %run_scoped3A_222, %dma_start3A_236] : memref<2x32x10x8192xf32, #tpu.memory_space<hbm>> -> memref<1x1x1x8192xf32, #tpu.memory_space<hbm>>
      %dma_start3A_238 = tpu.memref_squeeze %dma_start3A_237 : memref<1x1x1x8192xf32, #tpu.memory_space<hbm>> -> memref<8192xf32, #tpu.memory_space<hbm>>
      %dma_start3A_239 = arith.constant 0 : i32
      %dma_start3A_240 = tpu.memref_slice %arg7[%run_scoped3A_221, %add3A, %run_scoped3A_222, %dma_start3A_239] : memref<2x32x10x8192xf32, #tpu.memory_space<hbm>> -> memref<1x1x1x8192xf32, #tpu.memory_space<hbm>>
      %dma_start3A_241 = tpu.memref_squeeze %dma_start3A_240 : memref<1x1x1x8192xf32, #tpu.memory_space<hbm>> -> memref<8192xf32, #tpu.memory_space<hbm>>
      tpu.enqueue_dma source(%arg14 : memref<8192xf32, #tpu.memory_space<vmem>>) target(%dma_start3A_241 : memref<8192xf32, #tpu.memory_space<hbm>>) target_semaphore(%run_scoped3A_235 : memref<!tpu.dma_semaphore, #tpu.memory_space<semaphore_mem>>)
      %dma_wait3A_242 = arith.constant 0 : i32
      %dma_wait3A_243 = tpu.memref_slice %arg7[%run_scoped3A_221, %add3A, %run_scoped3A_222, %dma_wait3A_242] : memref<2x32x10x8192xf32, #tpu.memory_space<hbm>> -> memref<1x1x1x8192xf32, #tpu.memory_space<hbm>>
      %dma_wait3A_244 = tpu.memref_squeeze %dma_wait3A_243 : memref<1x1x1x8192xf32, #tpu.memory_space<hbm>> -> memref<8192xf32, #tpu.memory_space<hbm>>
      %dma_wait3A_245 = arith.constant 0 : i32
      %dma_wait3A_246 = tpu.memref_slice %arg7[%run_scoped3A_221, %add3A, %run_scoped3A_222, %dma_wait3A_245] : memref<2x32x10x8192xf32, #tpu.memory_space<hbm>> -> memref<1x1x1x8192xf32, #tpu.memory_space<hbm>>
      %dma_wait3A_247 = tpu.memref_squeeze %dma_wait3A_246 : memref<1x1x1x8192xf32, #tpu.memory_space<hbm>> -> memref<8192xf32, #tpu.memory_space<hbm>>
      tpu.wait_dma2 semaphore(%run_scoped3A_235 : memref<!tpu.dma_semaphore, #tpu.memory_space<semaphore_mem>>) src(%arg14 : memref<8192xf32, #tpu.memory_space<vmem>>) dst(%dma_wait3A_247 : memref<8192xf32, #tpu.memory_space<hbm>>)
      tpu.yield
    }) : () -> ()
    %run_scoped3A_223 = arith.constant 1 : i32
    %run_scoped3A_224 = arith.constant 7 : i32
    "tpu.region"() ({
      %run_scoped3A_235 = tpu.sem_alloc : memref<!tpu.dma_semaphore, #tpu.memory_space<semaphore_mem>>
      %dma_start3A_236 = arith.constant 0 : i32
      %dma_start3A_237 = tpu.memref_slice %arg7[%run_scoped3A_223, %add3A, %run_scoped3A_224, %dma_start3A_236] : memref<2x32x10x8192xf32, #tpu.memory_space<hbm>> -> memref<1x1x1x8192xf32, #tpu.memory_space<hbm>>
      %dma_start3A_238 = tpu.memref_squeeze %dma_start3A_237 : memref<1x1x1x8192xf32, #tpu.memory_space<hbm>> -> memref<8192xf32, #tpu.memory_space<hbm>>
      %dma_start3A_239 = arith.constant 0 : i32
      %dma_start3A_240 = tpu.memref_slice %arg7[%run_scoped3A_223, %add3A, %run_scoped3A_224, %dma_start3A_239] : memref<2x32x10x8192xf32, #tpu.memory_space<hbm>> -> memref<1x1x1x8192xf32, #tpu.memory_space<hbm>>
      %dma_start3A_241 = tpu.memref_squeeze %dma_start3A_240 : memref<1x1x1x8192xf32, #tpu.memory_space<hbm>> -> memref<8192xf32, #tpu.memory_space<hbm>>
      tpu.enqueue_dma source(%arg15 : memref<8192xf32, #tpu.memory_space<vmem>>) target(%dma_start3A_241 : memref<8192xf32, #tpu.memory_space<hbm>>) target_semaphore(%run_scoped3A_235 : memref<!tpu.dma_semaphore, #tpu.memory_space<semaphore_mem>>)
      %dma_wait3A_242 = arith.constant 0 : i32
      %dma_wait3A_243 = tpu.memref_slice %arg7[%run_scoped3A_223, %add3A, %run_scoped3A_224, %dma_wait3A_242] : memref<2x32x10x8192xf32, #tpu.memory_space<hbm>> -> memref<1x1x1x8192xf32, #tpu.memory_space<hbm>>
      %dma_wait3A_244 = tpu.memref_squeeze %dma_wait3A_243 : memref<1x1x1x8192xf32, #tpu.memory_space<hbm>> -> memref<8192xf32, #tpu.memory_space<hbm>>
      %dma_wait3A_245 = arith.constant 0 : i32
      %dma_wait3A_246 = tpu.memref_slice %arg7[%run_scoped3A_223, %add3A, %run_scoped3A_224, %dma_wait3A_245] : memref<2x32x10x8192xf32, #tpu.memory_space<hbm>> -> memref<1x1x1x8192xf32, #tpu.memory_space<hbm>>
      %dma_wait3A_247 = tpu.memref_squeeze %dma_wait3A_246 : memref<1x1x1x8192xf32, #tpu.memory_space<hbm>> -> memref<8192xf32, #tpu.memory_space<hbm>>
      tpu.wait_dma2 semaphore(%run_scoped3A_235 : memref<!tpu.dma_semaphore, #tpu.memory_space<semaphore_mem>>) src(%arg15 : memref<8192xf32, #tpu.memory_space<vmem>>) dst(%dma_wait3A_247 : memref<8192xf32, #tpu.memory_space<hbm>>)
      tpu.yield
    }) : () -> ()
    %run_scoped3A_225 = arith.constant 1 : i32
    %run_scoped3A_226 = arith.constant 8 : i32
    "tpu.region"() ({
      %run_scoped3A_235 = tpu.sem_alloc : memref<!tpu.dma_semaphore, #tpu.memory_space<semaphore_mem>>
      %dma_start3A_236 = arith.constant 0 : i32
      %dma_start3A_237 = tpu.memref_slice %arg7[%run_scoped3A_225, %add3A, %run_scoped3A_226, %dma_start3A_236] : memref<2x32x10x8192xf32, #tpu.memory_space<hbm>> -> memref<1x1x1x8192xf32, #tpu.memory_space<hbm>>
      %dma_start3A_238 = tpu.memref_squeeze %dma_start3A_237 : memref<1x1x1x8192xf32, #tpu.memory_space<hbm>> -> memref<8192xf32, #tpu.memory_space<hbm>>
      %dma_start3A_239 = arith.constant 0 : i32
      %dma_start3A_240 = tpu.memref_slice %arg7[%run_scoped3A_225, %add3A, %run_scoped3A_226, %dma_start3A_239] : memref<2x32x10x8192xf32, #tpu.memory_space<hbm>> -> memref<1x1x1x8192xf32, #tpu.memory_space<hbm>>
      %dma_start3A_241 = tpu.memref_squeeze %dma_start3A_240 : memref<1x1x1x8192xf32, #tpu.memory_space<hbm>> -> memref<8192xf32, #tpu.memory_space<hbm>>
      tpu.enqueue_dma source(%arg16 : memref<8192xf32, #tpu.memory_space<vmem>>) target(%dma_start3A_241 : memref<8192xf32, #tpu.memory_space<hbm>>) target_semaphore(%run_scoped3A_235 : memref<!tpu.dma_semaphore, #tpu.memory_space<semaphore_mem>>)
      %dma_wait3A_242 = arith.constant 0 : i32
      %dma_wait3A_243 = tpu.memref_slice %arg7[%run_scoped3A_225, %add3A, %run_scoped3A_226, %dma_wait3A_242] : memref<2x32x10x8192xf32, #tpu.memory_space<hbm>> -> memref<1x1x1x8192xf32, #tpu.memory_space<hbm>>
      %dma_wait3A_244 = tpu.memref_squeeze %dma_wait3A_243 : memref<1x1x1x8192xf32, #tpu.memory_space<hbm>> -> memref<8192xf32, #tpu.memory_space<hbm>>
      %dma_wait3A_245 = arith.constant 0 : i32
      %dma_wait3A_246 = tpu.memref_slice %arg7[%run_scoped3A_225, %add3A, %run_scoped3A_226, %dma_wait3A_245] : memref<2x32x10x8192xf32, #tpu.memory_space<hbm>> -> memref<1x1x1x8192xf32, #tpu.memory_space<hbm>>
      %dma_wait3A_247 = tpu.memref_squeeze %dma_wait3A_246 : memref<1x1x1x8192xf32, #tpu.memory_space<hbm>> -> memref<8192xf32, #tpu.memory_space<hbm>>
      tpu.wait_dma2 semaphore(%run_scoped3A_235 : memref<!tpu.dma_semaphore, #tpu.memory_space<semaphore_mem>>) src(%arg16 : memref<8192xf32, #tpu.memory_space<vmem>>) dst(%dma_wait3A_247 : memref<8192xf32, #tpu.memory_space<hbm>>)
      tpu.yield
    }) : () -> ()
    %scan3A_227 = arith.constant 0 : i32
    %scan3A_228 = arith.constant 0 : i32
    %scan3A_229 = arith.constant 512 : i32
    %scan3A_230 = arith.addi %scan3A_228, %scan3A_229 : i32
    %scan3A_231 = arith.constant 1 : i32
    scf.for %scan3A_235 = %scan3A_228 to %scan3A_230 step %scan3A_231  : i32 {
      %mul3A_236 = arith.constant 16 : i32
      %mul3A_237 = arith.muli %scan3A_235, %mul3A_236 : i32
      %add3A_238 = arith.constant 16384 : i32
      %add3A_239 = arith.addi %add3A_238, %mul3A_237 : i32
      %get3A = arith.index_cast %add3A_239 : i32 to index
      %get3A_240 = tpu.vector_load %arg9[%get3A] {strides = array<i32>} : memref<24576xi32, #tpu.memory_space<vmem>>, vector<16xi32>,
      %lt3A = arith.constant 0 : i32
      %lt3A_241 = vector.broadcast %lt3A : i32 to vector<16xi32>
      %lt3A_242 = arith.cmpi slt, %get3A_240, %lt3A_241 : vector<16xi32>
      %mul3A_243 = arith.constant 16 : i32
      %mul3A_244 = arith.muli %scan3A_235, %mul3A_243 : i32
      %get3A_245 = arith.index_cast %mul3A_244 : i32 to index
      %get3A_246 = tpu.vector_load %arg17[%get3A_245] {strides = array<i32>} : memref<8192xi32, #tpu.memory_space<vmem>>, vector<16xi32>,
      %convert_element_type3A = arith.sitofp %get3A_246 : vector<16xi32> to vector<16xf32>
      %jit3A = arith.constant 9.990000e+02 : f32
      %broadcast_in_dim3A_247 = vector.broadcast %jit3A : f32 to vector<16xf32>
      %select_n3A = arith.select %lt3A_242, %broadcast_in_dim3A_247, %convert_element_type3A : vector<16xi1>, vector<16xf32>
      %swap3A = arith.index_cast %mul3A_244 : i32 to index
      %swap3A_248 = tpu.vector_load %arg14[%swap3A] {strides = array<i32>} : memref<8192xf32, #tpu.memory_space<vmem>>, vector<16xf32>,
      tpu.vector_store %arg14[%swap3A], %select_n3A {strides = array<i32>} : memref<8192xf32, #tpu.memory_space<vmem>>, vector<16xf32>,
    }
    %scan3A_232 = arith.constant 512 : i32
    %run_scoped3A_233 = arith.constant 1 : i32
    %run_scoped3A_234 = arith.constant 9 : i32
    "tpu.region"() ({
      %run_scoped3A_235 = tpu.sem_alloc : memref<!tpu.dma_semaphore, #tpu.memory_space<semaphore_mem>>
      %dma_start3A_236 = arith.constant 0 : i32
      %dma_start3A_237 = tpu.memref_slice %arg7[%run_scoped3A_233, %add3A, %run_scoped3A_234, %dma_start3A_236] : memref<2x32x10x8192xf32, #tpu.memory_space<hbm>> -> memref<1x1x1x8192xf32, #tpu.memory_space<hbm>>
      %dma_start3A_238 = tpu.memref_squeeze %dma_start3A_237 : memref<1x1x1x8192xf32, #tpu.memory_space<hbm>> -> memref<8192xf32, #tpu.memory_space<hbm>>
      %dma_start3A_239 = arith.constant 0 : i32
      %dma_start3A_240 = tpu.memref_slice %arg7[%run_scoped3A_233, %add3A, %run_scoped3A_234, %dma_start3A_239] : memref<2x32x10x8192xf32, #tpu.memory_space<hbm>> -> memref<1x1x1x8192xf32, #tpu.memory_space<hbm>>
      %dma_start3A_241 = tpu.memref_squeeze %dma_start3A_240 : memref<1x1x1x8192xf32, #tpu.memory_space<hbm>> -> memref<8192xf32, #tpu.memory_space<hbm>>
      tpu.enqueue_dma source(%arg14 : memref<8192xf32, #tpu.memory_space<vmem>>) target(%dma_start3A_241 : memref<8192xf32, #tpu.memory_space<hbm>>) target_semaphore(%run_scoped3A_235 : memref<!tpu.dma_semaphore, #tpu.memory_space<semaphore_mem>>)
      %dma_wait3A_242 = arith.constant 0 : i32
      %dma_wait3A_243 = tpu.memref_slice %arg7[%run_scoped3A_233, %add3A, %run_scoped3A_234, %dma_wait3A_242] : memref<2x32x10x8192xf32, #tpu.memory_space<hbm>> -> memref<1x1x1x8192xf32, #tpu.memory_space<hbm>>
      %dma_wait3A_244 = tpu.memref_squeeze %dma_wait3A_243 : memref<1x1x1x8192xf32, #tpu.memory_space<hbm>> -> memref<8192xf32, #tpu.memory_space<hbm>>
      %dma_wait3A_245 = arith.constant 0 : i32
      %dma_wait3A_246 = tpu.memref_slice %arg7[%run_scoped3A_233, %add3A, %run_scoped3A_234, %dma_wait3A_245] : memref<2x32x10x8192xf32, #tpu.memory_space<hbm>> -> memref<1x1x1x8192xf32, #tpu.memory_space<hbm>>
      %dma_wait3A_247 = tpu.memref_squeeze %dma_wait3A_246 : memref<1x1x1x8192xf32, #tpu.memory_space<hbm>> -> memref<8192xf32, #tpu.memory_space<hbm>>
      tpu.wait_dma2 semaphore(%run_scoped3A_235 : memref<!tpu.dma_semaphore, #tpu.memory_space<semaphore_mem>>) src(%arg14 : memref<8192xf32, #tpu.memory_space<vmem>>) dst(%dma_wait3A_247 : memref<8192xf32, #tpu.memory_space<hbm>>)
      tpu.yield
    }) : () -> ()
    return
  }
}

module attributes {stable_mosaic.version = 14 : i64} {
  func.func @_pack_body(%arg0: i32, %arg1: memref<32x8192xi32, #tpu.memory_space<vmem>>, %arg2: memref<32x8192xi32, #tpu.memory_space<vmem>>, %arg3: memref<32x8192xi32, #tpu.memory_space<vmem>>, %arg4: memref<32x8192xi32, #tpu.memory_space<vmem>>, %arg5: memref<32x8192xi32, #tpu.memory_space<vmem>>, %arg6: memref<32x8192xi32, #tpu.memory_space<vmem>>, %arg7: memref<32x8192xi32, #tpu.memory_space<vmem>>) attributes {dimension_semantics = [#tpu.dimension_semantics<arbitrary>], iteration_bounds = array<i64: 8>, scalar_prefetch = 0 : i64, scratch_operands = 0 : i64, tpu.core_type = #tpu.core_type<tc>, window_params = [{transform_indices = @transform_0, window_bounds = array<i64: 32, 8192>}, {transform_indices = @transform_1, window_bounds = array<i64: 32, 8192>}, {transform_indices = @transform_2, window_bounds = array<i64: 32, 8192>}, {transform_indices = @transform_3, window_bounds = array<i64: 32, 8192>}, {transform_indices = @transform_4, window_bounds = array<i64: 32, 8192>}, {transform_indices = @transform_5, window_bounds = array<i64: 32, 8192>}, {transform_indices = @transform_6, window_bounds = array<i64: 32, 8192>}]} {
    %get3A = arith.constant 0 : index
    %get3A_0 = arith.constant 0 : index
    %get3A_1 = vector.load %arg1[%get3A, %get3A_0] : memref<32x8192xi32, #tpu.memory_space<vmem>>, vector<32x8192xi32>
    %get3A_2 = arith.constant 0 : index
    %get3A_3 = arith.constant 0 : index
    %get3A_4 = vector.load %arg2[%get3A_2, %get3A_3] : memref<32x8192xi32, #tpu.memory_space<vmem>>, vector<32x8192xi32>
    %get3A_5 = arith.constant 0 : index
    %get3A_6 = arith.constant 0 : index
    %get3A_7 = vector.load %arg3[%get3A_5, %get3A_6] : memref<32x8192xi32, #tpu.memory_space<vmem>>, vector<32x8192xi32>
    %get3A_8 = arith.constant 0 : index
    %get3A_9 = arith.constant 0 : index
    %get3A_10 = vector.load %arg4[%get3A_8, %get3A_9] : memref<32x8192xi32, #tpu.memory_space<vmem>>, vector<32x8192xi32>
    %get3A_11 = arith.constant 0 : index
    %get3A_12 = arith.constant 0 : index
    %get3A_13 = vector.load %arg5[%get3A_11, %get3A_12] : memref<32x8192xi32, #tpu.memory_space<vmem>>, vector<32x8192xi32>
    %get3A_14 = arith.constant 0 : index
    %get3A_15 = arith.constant 0 : index
    %get3A_16 = vector.load %arg6[%get3A_14, %get3A_15] : memref<32x8192xi32, #tpu.memory_space<vmem>>, vector<32x8192xi32>
    %and3A = arith.constant 3 : i32
    %and3A_17 = vector.broadcast %and3A : i32 to vector<32x8192xi32>
    %and3A_18 = arith.andi %get3A_4, %and3A_17 : vector<32x8192xi32>
    %lt3A = arith.constant 3 : i32
    %lt3A_19 = vector.broadcast %lt3A : i32 to vector<32x8192xi32>
    %lt3A_20 = arith.cmpi slt, %and3A_18, %lt3A_19 : vector<32x8192xi32>
    %lt3A_21 = arith.constant 3 : i32
    %lt3A_22 = vector.broadcast %lt3A_21 : i32 to vector<32x8192xi32>
    %lt3A_23 = arith.cmpi slt, %get3A_4, %lt3A_22 : vector<32x8192xi32>
    %ne3A = arith.constant 0 : i32
    %ne3A_24 = vector.broadcast %ne3A : i32 to vector<32x8192xi32>
    %ne3A_25 = arith.cmpi ne, %get3A_13, %ne3A_24 : vector<32x8192xi32>
    %or3A = arith.ori %ne3A_25, %lt3A_23 : vector<32x8192xi1>
    %and3A_26 = arith.andi %lt3A_20, %or3A : vector<32x8192xi1>
    %ne3A_27 = arith.constant 0 : i32
    %ne3A_28 = vector.broadcast %ne3A_27 : i32 to vector<32x8192xi32>
    %ne3A_29 = arith.cmpi ne, %get3A_16, %ne3A_28 : vector<32x8192xi32>
    %or3A_30 = arith.ori %ne3A_29, %lt3A_23 : vector<32x8192xi1>
    %and3A_31 = arith.andi %lt3A_20, %or3A_30 : vector<32x8192xi1>
    %mul3A = arith.constant 4 : i32
    %mul3A_32 = vector.broadcast %mul3A : i32 to vector<32x8192xi32>
    %mul3A_33 = arith.muli %get3A_10, %mul3A_32 : vector<32x8192xi32>
    %add3A = arith.addi %mul3A_33, %get3A_7 : vector<32x8192xi32>
    %mul3A_34 = arith.constant 24576 : i32
    %mul3A_35 = vector.broadcast %mul3A_34 : i32 to vector<32x8192xi32>
    %mul3A_36 = arith.muli %add3A, %mul3A_35 : vector<32x8192xi32>
    %mul3A_37 = arith.constant 8192 : i32
    %mul3A_38 = vector.broadcast %mul3A_37 : i32 to vector<32x8192xi32>
    %mul3A_39 = arith.muli %and3A_18, %mul3A_38 : vector<32x8192xi32>
    %add3A_40 = arith.addi %mul3A_36, %mul3A_39 : vector<32x8192xi32>
    %add3A_41 = arith.addi %add3A_40, %get3A_1 : vector<32x8192xi32>
    %convert_element_type3A = arith.extui %and3A_26 : vector<32x8192xi1> to vector<32x8192xi32>
    %shift_left3A = arith.constant 30 : i32
    %shift_left3A_42 = vector.broadcast %shift_left3A : i32 to vector<32x8192xi32>
    %shift_left3A_43 = arith.shli %convert_element_type3A, %shift_left3A_42 : vector<32x8192xi32>
    %or3A_44 = arith.ori %add3A_41, %shift_left3A_43 : vector<32x8192xi32>
    %convert_element_type3A_45 = arith.extui %and3A_31 : vector<32x8192xi1> to vector<32x8192xi32>
    %shift_left3A_46 = arith.constant 31 : i32
    %shift_left3A_47 = vector.broadcast %shift_left3A_46 : i32 to vector<32x8192xi32>
    %shift_left3A_48 = arith.shli %convert_element_type3A_45, %shift_left3A_47 : vector<32x8192xi32>
    %or3A_49 = arith.ori %or3A_44, %shift_left3A_48 : vector<32x8192xi32>
    %swap3A = arith.constant 0 : index
    %swap3A_50 = arith.constant 0 : index
    %swap3A_51 = vector.load %arg7[%swap3A, %swap3A_50] : memref<32x8192xi32, #tpu.memory_space<vmem>>, vector<32x8192xi32>
    tpu.vector_store %arg7[%swap3A, %swap3A_50], %or3A_49 {strides = array<i32>} : memref<32x8192xi32, #tpu.memory_space<vmem>>, vector<32x8192xi32>,
    return
  }
  func.func @transform_0(%arg0: i32) -> (i32, i32) {
    %c0_i32 = arith.constant 0 : i32
    %c0_i32_0 = arith.constant 0 : i32
    return %arg0, %c0_i32 : i32, i32
  }
  func.func @transform_1(%arg0: i32) -> (i32, i32) {
    %c0_i32 = arith.constant 0 : i32
    %c0_i32_0 = arith.constant 0 : i32
    return %arg0, %c0_i32 : i32, i32
  }
  func.func @transform_2(%arg0: i32) -> (i32, i32) {
    %c0_i32 = arith.constant 0 : i32
    %c0_i32_0 = arith.constant 0 : i32
    return %arg0, %c0_i32 : i32, i32
  }
  func.func @transform_3(%arg0: i32) -> (i32, i32) {
    %c0_i32 = arith.constant 0 : i32
    %c0_i32_0 = arith.constant 0 : i32
    return %arg0, %c0_i32 : i32, i32
  }
  func.func @transform_4(%arg0: i32) -> (i32, i32) {
    %c0_i32 = arith.constant 0 : i32
    %c0_i32_0 = arith.constant 0 : i32
    return %arg0, %c0_i32 : i32, i32
  }
  func.func @transform_5(%arg0: i32) -> (i32, i32) {
    %c0_i32 = arith.constant 0 : i32
    %c0_i32_0 = arith.constant 0 : i32
    return %arg0, %c0_i32 : i32, i32
  }
  func.func @transform_6(%arg0: i32) -> (i32, i32) {
    %c0_i32 = arith.constant 0 : i32
    %c0_i32_0 = arith.constant 0 : i32
    return %arg0, %c0_i32 : i32, i32
  }
}

module attributes {stable_mosaic.version = 14 : i64} {
  func.func @_geom_body(%arg0: i32, %arg1: i32, %arg2: memref<1x1x10x8192xf32, #tpu.memory_space<vmem>>, %arg3: memref<9x32xf32, #tpu.memory_space<vmem>>, %arg4: memref<1x1x1x8192xf32, #tpu.memory_space<vmem>>) attributes {dimension_semantics = [#tpu.dimension_semantics<arbitrary>, #tpu.dimension_semantics<arbitrary>], iteration_bounds = array<i64: 2, 32>, scalar_prefetch = 0 : i64, scratch_operands = 0 : i64, tpu.core_type = #tpu.core_type<tc>, window_params = [{transform_indices = @transform_0, window_bounds = array<i64: 1, 1, 10, 8192>}, {pipeline_mode = #tpu.pipeline_mode<synchronous>, transform_indices = @transform_1, window_bounds = array<i64: 9, 32>}, {transform_indices = @transform_2, window_bounds = array<i64: 1, 1, 1, 8192>}]} {
    %get3A = arith.constant 0 : index
    %get3A_0 = arith.constant 0 : index
    %get3A_1 = arith.constant 0 : index
    %get3A_2 = arith.constant 0 : index
    %get3A_3 = vector.load %arg2[%get3A, %get3A_0, %get3A_1, %get3A_2] : memref<1x1x10x8192xf32, #tpu.memory_space<vmem>>, vector<1x1x10x8192xf32>
    %get3A_4 = vector.shape_cast %get3A_3 : vector<1x1x10x8192xf32> to vector<10x8192xf32>
    %slice3A = vector.extract_strided_slice %get3A_4 {offsets = [0, 0], sizes = [1, 8192], strides = [1, 1]} : vector<10x8192xf32> to vector<1x8192xf32>
    %slice3A_5 = vector.extract_strided_slice %get3A_4 {offsets = [1, 0], sizes = [1, 8192], strides = [1, 1]} : vector<10x8192xf32> to vector<1x8192xf32>
    %slice3A_6 = vector.extract_strided_slice %get3A_4 {offsets = [2, 0], sizes = [1, 8192], strides = [1, 1]} : vector<10x8192xf32> to vector<1x8192xf32>
    %broadcast_in_dim3A = arith.constant 9.990000e+02 : f32
    %broadcast_in_dim3A_7 = vector.broadcast %broadcast_in_dim3A : f32 to vector<3x1xf32>
    %slice3A_8 = vector.extract_strided_slice %get3A_4 {offsets = [3, 0], sizes = [3, 8191], strides = [1, 1]} : vector<10x8192xf32> to vector<3x8191xf32>
    %concatenate3A = tpu.concatenate %broadcast_in_dim3A_7, %slice3A_8 in 1 : vector<3x1xf32>, vector<3x8191xf32> -> vector<3x8192xf32>
    %slice3A_9 = vector.extract_strided_slice %concatenate3A {offsets = [0, 0], sizes = [1, 8192], strides = [1, 1]} : vector<3x8192xf32> to vector<1x8192xf32>
    %slice3A_10 = vector.extract_strided_slice %concatenate3A {offsets = [1, 0], sizes = [1, 8192], strides = [1, 1]} : vector<3x8192xf32> to vector<1x8192xf32>
    %slice3A_11 = vector.extract_strided_slice %concatenate3A {offsets = [2, 0], sizes = [1, 8192], strides = [1, 1]} : vector<3x8192xf32> to vector<1x8192xf32>
    %slice3A_12 = vector.extract_strided_slice %get3A_4 {offsets = [6, 0], sizes = [1, 8192], strides = [1, 1]} : vector<10x8192xf32> to vector<1x8192xf32>
    %slice3A_13 = vector.extract_strided_slice %get3A_4 {offsets = [7, 0], sizes = [1, 8192], strides = [1, 1]} : vector<10x8192xf32> to vector<1x8192xf32>
    %slice3A_14 = vector.extract_strided_slice %get3A_4 {offsets = [8, 0], sizes = [1, 8192], strides = [1, 1]} : vector<10x8192xf32> to vector<1x8192xf32>
    %slice3A_15 = vector.extract_strided_slice %get3A_4 {offsets = [6, 0], sizes = [3, 8191], strides = [1, 1]} : vector<10x8192xf32> to vector<3x8191xf32>
    %concatenate3A_16 = tpu.concatenate %broadcast_in_dim3A_7, %slice3A_15 in 1 : vector<3x1xf32>, vector<3x8191xf32> -> vector<3x8192xf32>
    %slice3A_17 = vector.extract_strided_slice %concatenate3A_16 {offsets = [0, 0], sizes = [1, 8192], strides = [1, 1]} : vector<3x8192xf32> to vector<1x8192xf32>
    %slice3A_18 = vector.extract_strided_slice %concatenate3A_16 {offsets = [1, 0], sizes = [1, 8192], strides = [1, 1]} : vector<3x8192xf32> to vector<1x8192xf32>
    %slice3A_19 = vector.extract_strided_slice %concatenate3A_16 {offsets = [2, 0], sizes = [1, 8192], strides = [1, 1]} : vector<3x8192xf32> to vector<1x8192xf32>
    %slice3A_20 = vector.extract_strided_slice %get3A_4 {offsets = [9, 0], sizes = [1, 8192], strides = [1, 1]} : vector<10x8192xf32> to vector<1x8192xf32>
    %broadcast_in_dim3A_21 = arith.constant 9.990000e+02 : f32
    %broadcast_in_dim3A_22 = vector.broadcast %broadcast_in_dim3A_21 : f32 to vector<1x1xf32>
    %slice3A_23 = vector.extract_strided_slice %slice3A_20 {offsets = [0, 0], sizes = [1, 8191], strides = [1, 1]} : vector<1x8192xf32> to vector<1x8191xf32>
    %concatenate3A_24 = tpu.concatenate %broadcast_in_dim3A_22, %slice3A_23 in 1 : vector<1x1xf32>, vector<1x8191xf32> -> vector<1x8192xf32>
    %ne3A = arith.constant 9.990000e+02 : f32
    %ne3A_25 = vector.broadcast %ne3A : f32 to vector<1x8192xf32>
    %ne3A_26 = arith.cmpf one, %slice3A, %ne3A_25 : vector<1x8192xf32>
    %ne3A_27 = arith.constant 9.990000e+02 : f32
    %ne3A_28 = vector.broadcast %ne3A_27 : f32 to vector<1x8192xf32>
    %ne3A_29 = arith.cmpf one, %slice3A_9, %ne3A_28 : vector<1x8192xf32>
    %and3A = arith.andi %ne3A_26, %ne3A_29 : vector<1x8192xi1>
    %ne3A_30 = arith.constant 9.990000e+02 : f32
    %ne3A_31 = vector.broadcast %ne3A_30 : f32 to vector<1x8192xf32>
    %ne3A_32 = arith.cmpf one, %slice3A_12, %ne3A_31 : vector<1x8192xf32>
    %and3A_33 = arith.andi %and3A, %ne3A_32 : vector<1x8192xi1>
    %ne3A_34 = arith.constant 9.990000e+02 : f32
    %ne3A_35 = vector.broadcast %ne3A_34 : f32 to vector<1x8192xf32>
    %ne3A_36 = arith.cmpf one, %slice3A_17, %ne3A_35 : vector<1x8192xf32>
    %and3A_37 = arith.andi %and3A_33, %ne3A_36 : vector<1x8192xi1>
    %ne3A_38 = arith.constant 9.990000e+02 : f32
    %ne3A_39 = vector.broadcast %ne3A_38 : f32 to vector<1x8192xf32>
    %ne3A_40 = arith.cmpf one, %slice3A_20, %ne3A_39 : vector<1x8192xf32>
    %and3A_41 = arith.andi %and3A_37, %ne3A_40 : vector<1x8192xi1>
    %ne3A_42 = arith.constant 9.990000e+02 : f32
    %ne3A_43 = vector.broadcast %ne3A_42 : f32 to vector<1x8192xf32>
    %ne3A_44 = arith.cmpf one, %concatenate3A_24, %ne3A_43 : vector<1x8192xf32>
    %and3A_45 = arith.andi %and3A_41, %ne3A_44 : vector<1x8192xi1>
    %sub3A = arith.subf %slice3A_9, %slice3A : vector<1x8192xf32>
    %sub3A_46 = arith.subf %slice3A_10, %slice3A_5 : vector<1x8192xf32>
    %sub3A_47 = arith.subf %slice3A_11, %slice3A_6 : vector<1x8192xf32>
    %sub3A_48 = arith.subf %slice3A_12, %slice3A : vector<1x8192xf32>
    %sub3A_49 = arith.subf %slice3A_13, %slice3A_5 : vector<1x8192xf32>
    %sub3A_50 = arith.subf %slice3A_14, %slice3A_6 : vector<1x8192xf32>
    %sub3A_51 = arith.subf %slice3A_17, %slice3A_9 : vector<1x8192xf32>
    %sub3A_52 = arith.subf %slice3A_18, %slice3A_10 : vector<1x8192xf32>
    %sub3A_53 = arith.subf %slice3A_19, %slice3A_11 : vector<1x8192xf32>
    %mul3A = arith.mulf %sub3A, %sub3A : vector<1x8192xf32>
    %mul3A_54 = arith.mulf %sub3A_46, %sub3A_46 : vector<1x8192xf32>
    %add3A = arith.addf %mul3A, %mul3A_54 : vector<1x8192xf32>
    %mul3A_55 = arith.mulf %sub3A_47, %sub3A_47 : vector<1x8192xf32>
    %add3A_56 = arith.addf %add3A, %mul3A_55 : vector<1x8192xf32>
    %sqrt3A = math.sqrt %add3A_56 : vector<1x8192xf32>
    %mul3A_57 = arith.mulf %sub3A, %sub3A_48 : vector<1x8192xf32>
    %mul3A_58 = arith.mulf %sub3A_46, %sub3A_49 : vector<1x8192xf32>
    %add3A_59 = arith.addf %mul3A_57, %mul3A_58 : vector<1x8192xf32>
    %mul3A_60 = arith.mulf %sub3A_47, %sub3A_50 : vector<1x8192xf32>
    %add3A_61 = arith.addf %add3A_59, %mul3A_60 : vector<1x8192xf32>
    %mul3A_62 = arith.mulf %sub3A_48, %sub3A_48 : vector<1x8192xf32>
    %mul3A_63 = arith.mulf %sub3A_49, %sub3A_49 : vector<1x8192xf32>
    %add3A_64 = arith.addf %mul3A_62, %mul3A_63 : vector<1x8192xf32>
    %mul3A_65 = arith.mulf %sub3A_50, %sub3A_50 : vector<1x8192xf32>
    %add3A_66 = arith.addf %add3A_64, %mul3A_65 : vector<1x8192xf32>
    %sqrt3A_67 = math.sqrt %add3A_66 : vector<1x8192xf32>
    %mul3A_68 = arith.mulf %sqrt3A, %sqrt3A_67 : vector<1x8192xf32>
    %jit3A = arith.constant 9.99999993E-9 : f32
    %max3A = vector.broadcast %jit3A : f32 to vector<1x8192xf32>
    %max3A_69 = arith.maximumf %max3A, %mul3A_68 : vector<1x8192xf32>
    %div3A = arith.divf %add3A_61, %max3A_69 : vector<1x8192xf32>
    %jit3A_70 = arith.constant -0.99999988 : f32
    %jit3A_71 = arith.constant 0.99999988 : f32
    %max3A_72 = vector.broadcast %jit3A_70 : f32 to vector<1x8192xf32>
    %max3A_73 = arith.maximumf %max3A_72, %div3A : vector<1x8192xf32>
    %min3A = vector.broadcast %jit3A_71 : f32 to vector<1x8192xf32>
    %min3A_74 = arith.minimumf %min3A, %max3A_73 : vector<1x8192xf32>
    %abs3A = math.absf %min3A_74 : vector<1x8192xf32>
    %mul3A_75 = arith.constant -1.872930e-02 : f32
    %mul3A_76 = vector.broadcast %mul3A_75 : f32 to vector<1x8192xf32>
    %mul3A_77 = arith.mulf %mul3A_76, %abs3A : vector<1x8192xf32>
    %add3A_78 = arith.constant 7.426100e-02 : f32
    %add3A_79 = vector.broadcast %add3A_78 : f32 to vector<1x8192xf32>
    %add3A_80 = arith.addf %mul3A_77, %add3A_79 : vector<1x8192xf32>
    %mul3A_81 = arith.mulf %add3A_80, %abs3A : vector<1x8192xf32>
    %add3A_82 = arith.constant -0.212114394 : f32
    %add3A_83 = vector.broadcast %add3A_82 : f32 to vector<1x8192xf32>
    %add3A_84 = arith.addf %mul3A_81, %add3A_83 : vector<1x8192xf32>
    %mul3A_85 = arith.mulf %add3A_84, %abs3A : vector<1x8192xf32>
    %add3A_86 = arith.constant 1.57072878 : f32
    %add3A_87 = vector.broadcast %add3A_86 : f32 to vector<1x8192xf32>
    %add3A_88 = arith.addf %mul3A_85, %add3A_87 : vector<1x8192xf32>
    %sub3A_89 = arith.constant 1.000000e+00 : f32
    %sub3A_90 = vector.broadcast %sub3A_89 : f32 to vector<1x8192xf32>
    %sub3A_91 = arith.subf %sub3A_90, %abs3A : vector<1x8192xf32>
    %max3A_92 = arith.constant 0.000000e+00 : f32
    %max3A_93 = vector.broadcast %max3A_92 : f32 to vector<1x8192xf32>
    %max3A_94 = arith.maximumf %sub3A_91, %max3A_93 : vector<1x8192xf32>
    %sqrt3A_95 = math.sqrt %max3A_94 : vector<1x8192xf32>
    %mul3A_96 = arith.mulf %sqrt3A_95, %add3A_88 : vector<1x8192xf32>
    %ge3A = arith.constant 0.000000e+00 : f32
    %ge3A_97 = vector.broadcast %ge3A : f32 to vector<1x8192xf32>
    %ge3A_98 = arith.cmpf oge, %min3A_74, %ge3A_97 : vector<1x8192xf32>
    %sub3A_99 = arith.constant 3.14159274 : f32
    %sub3A_100 = vector.broadcast %sub3A_99 : f32 to vector<1x8192xf32>
    %sub3A_101 = arith.subf %sub3A_100, %mul3A_96 : vector<1x8192xf32>
    %select_n3A = arith.select %ge3A_98, %mul3A_96, %sub3A_101 : vector<1x8192xi1>, vector<1x8192xf32>
    %mul3A_102 = arith.mulf %sub3A_51, %sub3A : vector<1x8192xf32>
    %mul3A_103 = arith.mulf %sub3A_52, %sub3A_46 : vector<1x8192xf32>
    %add3A_104 = arith.addf %mul3A_102, %mul3A_103 : vector<1x8192xf32>
    %mul3A_105 = arith.mulf %sub3A_53, %sub3A_47 : vector<1x8192xf32>
    %add3A_106 = arith.addf %add3A_104, %mul3A_105 : vector<1x8192xf32>
    %neg3A = arith.constant 0.000000e+00 : f32
    %neg3A_107 = vector.broadcast %neg3A : f32 to vector<1x8192xf32>
    %neg3A_108 = arith.subf %neg3A_107, %add3A_106 : vector<1x8192xf32>
    %mul3A_109 = arith.mulf %sub3A_51, %sub3A_51 : vector<1x8192xf32>
    %mul3A_110 = arith.mulf %sub3A_52, %sub3A_52 : vector<1x8192xf32>
    %add3A_111 = arith.addf %mul3A_109, %mul3A_110 : vector<1x8192xf32>
    %mul3A_112 = arith.mulf %sub3A_53, %sub3A_53 : vector<1x8192xf32>
    %add3A_113 = arith.addf %add3A_111, %mul3A_112 : vector<1x8192xf32>
    %sqrt3A_114 = math.sqrt %add3A_113 : vector<1x8192xf32>
    %mul3A_115 = arith.mulf %sqrt3A_114, %sqrt3A : vector<1x8192xf32>
    %jit3A_116 = arith.constant 9.99999993E-9 : f32
    %max3A_117 = vector.broadcast %jit3A_116 : f32 to vector<1x8192xf32>
    %max3A_118 = arith.maximumf %max3A_117, %mul3A_115 : vector<1x8192xf32>
    %div3A_119 = arith.divf %neg3A_108, %max3A_118 : vector<1x8192xf32>
    %jit3A_120 = arith.constant -0.99999988 : f32
    %jit3A_121 = arith.constant 0.99999988 : f32
    %max3A_122 = vector.broadcast %jit3A_120 : f32 to vector<1x8192xf32>
    %max3A_123 = arith.maximumf %max3A_122, %div3A_119 : vector<1x8192xf32>
    %min3A_124 = vector.broadcast %jit3A_121 : f32 to vector<1x8192xf32>
    %min3A_125 = arith.minimumf %min3A_124, %max3A_123 : vector<1x8192xf32>
    %abs3A_126 = math.absf %min3A_125 : vector<1x8192xf32>
    %mul3A_127 = arith.constant -1.872930e-02 : f32
    %mul3A_128 = vector.broadcast %mul3A_127 : f32 to vector<1x8192xf32>
    %mul3A_129 = arith.mulf %mul3A_128, %abs3A_126 : vector<1x8192xf32>
    %add3A_130 = arith.constant 7.426100e-02 : f32
    %add3A_131 = vector.broadcast %add3A_130 : f32 to vector<1x8192xf32>
    %add3A_132 = arith.addf %mul3A_129, %add3A_131 : vector<1x8192xf32>
    %mul3A_133 = arith.mulf %add3A_132, %abs3A_126 : vector<1x8192xf32>
    %add3A_134 = arith.constant -0.212114394 : f32
    %add3A_135 = vector.broadcast %add3A_134 : f32 to vector<1x8192xf32>
    %add3A_136 = arith.addf %mul3A_133, %add3A_135 : vector<1x8192xf32>
    %mul3A_137 = arith.mulf %add3A_136, %abs3A_126 : vector<1x8192xf32>
    %add3A_138 = arith.constant 1.57072878 : f32
    %add3A_139 = vector.broadcast %add3A_138 : f32 to vector<1x8192xf32>
    %add3A_140 = arith.addf %mul3A_137, %add3A_139 : vector<1x8192xf32>
    %sub3A_141 = arith.constant 1.000000e+00 : f32
    %sub3A_142 = vector.broadcast %sub3A_141 : f32 to vector<1x8192xf32>
    %sub3A_143 = arith.subf %sub3A_142, %abs3A_126 : vector<1x8192xf32>
    %max3A_144 = arith.constant 0.000000e+00 : f32
    %max3A_145 = vector.broadcast %max3A_144 : f32 to vector<1x8192xf32>
    %max3A_146 = arith.maximumf %sub3A_143, %max3A_145 : vector<1x8192xf32>
    %sqrt3A_147 = math.sqrt %max3A_146 : vector<1x8192xf32>
    %mul3A_148 = arith.mulf %sqrt3A_147, %add3A_140 : vector<1x8192xf32>
    %ge3A_149 = arith.constant 0.000000e+00 : f32
    %ge3A_150 = vector.broadcast %ge3A_149 : f32 to vector<1x8192xf32>
    %ge3A_151 = arith.cmpf oge, %min3A_125, %ge3A_150 : vector<1x8192xf32>
    %sub3A_152 = arith.constant 3.14159274 : f32
    %sub3A_153 = vector.broadcast %sub3A_152 : f32 to vector<1x8192xf32>
    %sub3A_154 = arith.subf %sub3A_153, %mul3A_148 : vector<1x8192xf32>
    %select_n3A_155 = arith.select %ge3A_151, %mul3A_148, %sub3A_154 : vector<1x8192xi1>, vector<1x8192xf32>
    %jit3A_156 = arith.constant 0.000000e+00 : f32
    %broadcast_in_dim3A_157 = vector.broadcast %jit3A_156 : f32 to vector<1x8192xf32>
    %select_n3A_158 = arith.select %and3A_45, %slice3A_20, %broadcast_in_dim3A_157 : vector<1x8192xi1>, vector<1x8192xf32>
    %convert_element_type3A = arith.fptosi %select_n3A_158 : vector<1x8192xf32> to vector<1x8192xi32>
    %iota3A = tpu.iota {dimensions = array<i32: 0>} : vector<32x8192xi32>
    %eq3A = vector.broadcast %convert_element_type3A : vector<1x8192xi32> to vector<32x8192xi32>
    %eq3A_159 = arith.cmpi eq, %iota3A, %eq3A : vector<32x8192xi32>
    %jit3A_160 = arith.constant 1.000000e+00 : f32
    %jit3A_161 = arith.constant 0.000000e+00 : f32
    %broadcast_in_dim3A_162 = vector.broadcast %jit3A_160 : f32 to vector<32x8192xf32>
    %broadcast_in_dim3A_163 = vector.broadcast %jit3A_161 : f32 to vector<32x8192xf32>
    %select_n3A_164 = arith.select %eq3A_159, %broadcast_in_dim3A_162, %broadcast_in_dim3A_163 : vector<32x8192xi1>, vector<32x8192xf32>
    %get3A_165 = arith.constant 0 : index
    %get3A_166 = arith.constant 0 : index
    %get3A_167 = vector.load %arg3[%get3A_165, %get3A_166] : memref<9x32xf32, #tpu.memory_space<vmem>>, vector<9x32xf32>
    %dot_general3A = arith.constant dense<0.000000e+00> : vector<9x8192xf32>
    %dot_general3A_168 = tpu.matmul %get3A_167, %select_n3A_164, %dot_general3A {dimension_numbers = #tpu.dot_dimension_numbers<[1], [0], [0], [1], [0, 0, 1, 1], [], []>, transpose_lhs_hint = false} : vector<9x32xf32>, vector<32x8192xf32>, vector<9x8192xf32> -> vector<9x8192xf32>
    %broadcast_in_dim3A_169 = arith.constant 0.000000e+00 : f32
    %broadcast_in_dim3A_170 = vector.broadcast %broadcast_in_dim3A_169 : f32 to vector<1x8192xf32>
    %slice3A_171 = vector.extract_strided_slice %dot_general3A_168 {offsets = [0, 0], sizes = [1, 8192], strides = [1, 1]} : vector<9x8192xf32> to vector<1x8192xf32>
    %slice3A_172 = vector.extract_strided_slice %dot_general3A_168 {offsets = [3, 0], sizes = [1, 8192], strides = [1, 1]} : vector<9x8192xf32> to vector<1x8192xf32>
    %slice3A_173 = vector.extract_strided_slice %dot_general3A_168 {offsets = [6, 0], sizes = [1, 8192], strides = [1, 1]} : vector<9x8192xf32> to vector<1x8192xf32>
    %sub3A_174 = arith.subf %sqrt3A, %slice3A_171 : vector<1x8192xf32>
    %mul3A_175 = arith.mulf %sub3A_174, %sub3A_174 : vector<1x8192xf32>
    %mul3A_176 = arith.mulf %mul3A_175, %slice3A_172 : vector<1x8192xf32>
    %min3A_177 = arith.minimumf %mul3A_176, %slice3A_173 : vector<1x8192xf32>
    %add3A_178 = arith.addf %broadcast_in_dim3A_170, %min3A_177 : vector<1x8192xf32>
    %slice3A_179 = vector.extract_strided_slice %dot_general3A_168 {offsets = [1, 0], sizes = [1, 8192], strides = [1, 1]} : vector<9x8192xf32> to vector<1x8192xf32>
    %slice3A_180 = vector.extract_strided_slice %dot_general3A_168 {offsets = [4, 0], sizes = [1, 8192], strides = [1, 1]} : vector<9x8192xf32> to vector<1x8192xf32>
    %slice3A_181 = vector.extract_strided_slice %dot_general3A_168 {offsets = [7, 0], sizes = [1, 8192], strides = [1, 1]} : vector<9x8192xf32> to vector<1x8192xf32>
    %sub3A_182 = arith.subf %select_n3A, %slice3A_179 : vector<1x8192xf32>
    %mul3A_183 = arith.mulf %sub3A_182, %sub3A_182 : vector<1x8192xf32>
    %mul3A_184 = arith.mulf %mul3A_183, %slice3A_180 : vector<1x8192xf32>
    %min3A_185 = arith.minimumf %mul3A_184, %slice3A_181 : vector<1x8192xf32>
    %add3A_186 = arith.addf %add3A_178, %min3A_185 : vector<1x8192xf32>
    %slice3A_187 = vector.extract_strided_slice %dot_general3A_168 {offsets = [2, 0], sizes = [1, 8192], strides = [1, 1]} : vector<9x8192xf32> to vector<1x8192xf32>
    %slice3A_188 = vector.extract_strided_slice %dot_general3A_168 {offsets = [5, 0], sizes = [1, 8192], strides = [1, 1]} : vector<9x8192xf32> to vector<1x8192xf32>
    %slice3A_189 = vector.extract_strided_slice %dot_general3A_168 {offsets = [8, 0], sizes = [1, 8192], strides = [1, 1]} : vector<9x8192xf32> to vector<1x8192xf32>
    %sub3A_190 = arith.subf %select_n3A_155, %slice3A_187 : vector<1x8192xf32>
    %mul3A_191 = arith.mulf %sub3A_190, %sub3A_190 : vector<1x8192xf32>
    %mul3A_192 = arith.mulf %mul3A_191, %slice3A_188 : vector<1x8192xf32>
    %min3A_193 = arith.minimumf %mul3A_192, %slice3A_189 : vector<1x8192xf32>
    %add3A_194 = arith.addf %add3A_186, %min3A_193 : vector<1x8192xf32>
    %jit3A_195 = arith.constant 0.000000e+00 : f32
    %broadcast_in_dim3A_196 = vector.broadcast %jit3A_195 : f32 to vector<1x8192xf32>
    %select_n3A_197 = arith.select %and3A_45, %add3A_194, %broadcast_in_dim3A_196 : vector<1x8192xi1>, vector<1x8192xf32>
    %swap3A = arith.constant 0 : index
    %swap3A_198 = arith.constant 0 : index
    %swap3A_199 = arith.constant 0 : index
    %swap3A_200 = arith.constant 0 : index
    %swap3A_201 = vector.load %arg4[%swap3A, %swap3A_198, %swap3A_199, %swap3A_200] : memref<1x1x1x8192xf32, #tpu.memory_space<vmem>>, vector<1x1x1x8192xf32>
    %swap3A_202 = vector.shape_cast %swap3A_201 : vector<1x1x1x8192xf32> to vector<1x8192xf32>
    %swap3A_203 = vector.shape_cast %select_n3A_197 : vector<1x8192xf32> to vector<1x1x1x8192xf32>
    tpu.vector_store %arg4[%swap3A, %swap3A_198, %swap3A_199, %swap3A_200], %swap3A_203 {strides = array<i32>} : memref<1x1x1x8192xf32, #tpu.memory_space<vmem>>, vector<1x1x1x8192xf32>,
    return
  }
  func.func @transform_0(%arg0: i32, %arg1: i32) -> (i32, i32, i32, i32) {
    %c0_i32 = arith.constant 0 : i32
    %c0_i32_0 = arith.constant 0 : i32
    %c0_i32_1 = arith.constant 0 : i32
    return %arg0, %arg1, %c0_i32, %c0_i32_0 : i32, i32, i32, i32
  }
  func.func @transform_1(%arg0: i32, %arg1: i32) -> (i32, i32) {
    %c0_i32 = arith.constant 0 : i32
    %c0_i32_0 = arith.constant 0 : i32
    %c0_i32_1 = arith.constant 0 : i32
    return %c0_i32, %c0_i32_0 : i32, i32
  }
  func.func @transform_2(%arg0: i32, %arg1: i32) -> (i32, i32, i32, i32) {
    %c0_i32 = arith.constant 0 : i32
    %c0_i32_0 = arith.constant 0 : i32
    %c0_i32_1 = arith.constant 0 : i32
    return %arg0, %arg1, %c0_i32, %c0_i32_0 : i32, i32, i32, i32
  }
}

</mosaic_0001>

<sc_bundles>
// kernel: kernel.5.cloned.1.call-start
scs
__scs_entry_jumppad:
0x0: {  	(pc) =	sbr.rel $0x88, $3  }
0x1: {  	(tag) =	ssettag $0x0;
	lr =	simm.s32 $0x1  }
0x2: {  	[smem:$0x3F9B] =	sst lr;
	_ =	strace $0xD0000000  }
0x3: {  	_ = 	snop  }
0x4: {  	_ = 	snop  }
0x5: {  	_ = 	snop  }
0x6: {  	_ = 	snop  }
0x7: {  	_ = 	snop  }
__scs_overlays_trampoline_lowered:
0x8: {  	[smem:$0x3FAA] =	sst s0  }
0x9: {  	[smem:$0x3FAB] =	sst s1  }
0xa: {  	[smem:$0x3FAC] =	sst s2  }
0xb: {  	[smem:$0x3FAD] =	sst s3  }
0xc: {  	[smem:$0x3FAE] =	sst s4  }
0xd: {  	[smem:$0x3FAF] =	sst s5  }
0xe: {  	[smem:$0x3FB0] =	sst s6  }
0xf: {  	[smem:$0x3FB1] =	sst s7  }
0x10: {  	[smem:$0x3FB2] =	sst s8  }
0x11: {  	[smem:$0x3FB3] =	sst s9;
	s0 =	simm.s32 @!p0 $0x0  }
0x12: {  	s1 =	sld [smem:$0x3F99];
	s0 =	simm.s32 @p0 $0x1  }
0x13: {  	[smem:$0x3FB4] =	sst s0;
	s0 =	simm.s32 @!p1 $0x0  }
0x14: {  	s2 =	sld [smem:$0x3F98];
	s0 =	simm.s32 @p1 $0x1  }
0x15: {  	[smem:$0x3FB5] =	sst s0;
	s0 =	simm.s32 @!p2 $0x0  }
0x16: {  	s3 =	sld [smem:$0x3FDB];
	s0 =	simm.s32 @p2 $0x1  }
0x17: {  	s4 =	simm.s32 $0x1BF5;
	[smem:$0x3FB7] =	sst s0  }
0x18: {  	s0 =	sld [smem:$0x3F9A];
	_ =	swait.ge [sflag:s4], $0x0  }
0x19: {  	s7 =	sld [smem:$0x3F9B]  }
0x1a: {  	s8 =	sadd.s32 $0xFFFFE003, lr  }
0x1b: {  	s9 =	sadd.s32 $0xFFFFFEF7, lr;
	s5 =	simm.s32 $0xFFFFFFFF;
	p2 =	slt.u32 s8, $0xFFFFF086  }
0x1c: {  	p1 =	slt.u32 s9, $0xF7A;
	s5 =	simm.s32 @!p2 $0x0  }
0x1d: {  	s5 =	simm.s32 @p1 $0x1;
	p0 =	seq.s32 s7, s2  }
0x1e: {  	s7 =	smul.u32 @!p0 $0xF7A, s2;
	p2 =	seq.s32 @!p0 s5, $0x0  }
0x1f: {  	s9 =	smul.u32 $0xF7A, s1;
	s8 =	simm.s32 @!p0 $0x1BF5;
	p2 =	por !p2, p0  }
0x20: {  	[sflag:s8] =	ssyncset.s32 @!p0 $0xFFFFF086;
	s6 =	sadd.s32 @!p0 s3, s7;
	s7 =	simm.s32 @!p0 $0x108  }
0x21: {  	s3 =	sadd.s32 s3, s9;
	s6 =	sadd.s32 @!p0 $0x88, s6;
	s7 =	simm.s32 @p2 $0x1082  }
0x22: {  	[simem:s7], [sflag:s8] =	dma.local @!p0 [hbm:s6], $0xF7A  }
0x23: {  	s9 =	sor.u32 $0xD0000000, s2;
	s6 =	simm.s32 $0x108;
	_ =	swait.ge @!p0 [sflag:s8], $0x0  }
0x24: {  	s3 =	sadd.s32 $0x88, s3;
	s6 =	simm.s32 @!p1 $0x1082;
	[sflag:s4] =	ssyncset.s32 $0xFFFFF086  }
0x25: {  	[simem:s6], [sflag:s4] =	dma.local [hbm:s3], $0xF7A  }
0x26: {  	[smem:$0x3F9B] =	sst s1;
	(tag) =	ssettag s2;
	_ =	strace s9  }
0x27: {  	s1 =	sld [smem:$0x3FAB]  }
0x28: {  	s2 =	sld [smem:$0x3FAC]  }
0x29: {  	s4 =	sld [smem:$0x3FAE]  }
0x2a: {  	p0 =	seq.s32 s5, $0x0;
	s5 =	sld [smem:$0x3FAF]  }
0x2b: {  	s6 =	sld [smem:$0x3FB0]  }
0x2c: {  	s7 =	sld [smem:$0x3FB1]  }
0x2d: {  	s3 =	simm.s32 $0x108;
	s8 =	sld [smem:$0x3FB2]  }
0x2e: {  	s3 =	simm.s32 @!p0 $0x1082;
	s9 =	sld [smem:$0x3FB3]  }
0x2f: {  	lr =	sadd.s32 s0, s3;
	s0 =	sld [smem:$0x3FAA]  }
0x30: {  	s3 =	sld [smem:$0x3FAD]  }
0x31: {  	[smem:$0x3FB6] =	sst s10  }
0x32: {  	s10 =	sld [smem:$0x3FB4];
	_ =	sdelay $0x3  }
0x33: {  	p0 =	seq.s32 s10, $0x1;
	s10 =	sld [smem:$0x3FB6];
	_ =	sdelay $0x3  }
0x34: {  	[smem:$0x3FB6] =	sst s10  }
0x35: {  	s10 =	sld [smem:$0x3FB5];
	_ =	sdelay $0x3  }
0x36: {  	p1 =	seq.s32 s10, $0x1;
	s10 =	sld [smem:$0x3FB6];
	_ =	sdelay $0x3  }
0x37: {  	[smem:$0x3FB6] =	sst s10  }
0x38: {  	s10 =	sld [smem:$0x3FB7]  }
0x39: {  	_ = 	snop;
	(pc) =	sbr.ind lr, $3  }
0x3a: {  	_ = 	snop  }
0x3b: {  	_ = 	snop  }
0x3c: {  	p2 =	seq.s32 s10, $0x1;
	s10 =	sld [smem:$0x3FB6]  }
0x3d: {  	_ =	shalt  }
0x3e: {  	_ =	shalt  }
0x3f: {  	_ =	shalt  }
0x40: {  	_ =	shalt  }
0x41: {  	_ =	shalt  }
0x42: {  	_ =	shalt  }
0x43: {  	_ =	shalt  }
0x44: {  	_ =	shalt  }
0x45: {  	_ =	shalt  }
0x46: {  	_ =	shalt  }
0x47: {  	_ =	shalt  }
0x48: {  	_ =	shalt  }
0x49: {  	_ =	shalt  }
0x4a: {  	_ =	shalt  }
0x4b: {  	_ =	shalt  }
0x4c: {  	_ =	shalt  }
0x4d: {  	_ =	shalt  }
0x4e: {  	_ =	shalt  }
0x4f: {  	_ =	shalt  }
0x50: {  	_ =	shalt  }
0x51: {  	_ =	shalt  }
0x52: {  	_ =	shalt  }
0x53: {  	_ =	shalt  }
0x54: {  	_ =	shalt  }
0x55: {  	_ =	shalt  }
0x56: {  	_ =	shalt  }
0x57: {  	_ =	shalt  }
0x58: {  	_ =	shalt  }
0x59: {  	_ =	shalt  }
0x5a: {  	_ =	shalt  }
0x5b: {  	_ =	shalt  }
0x5c: {  	_ =	shalt  }
0x5d: {  	_ =	shalt  }
0x5e: {  	_ =	shalt  }
0x5f: {  	_ =	shalt  }
0x60: {  	_ =	shalt  }
0x61: {  	_ =	shalt  }
0x62: {  	_ =	shalt  }
0x63: {  	_ =	shalt  }
0x64: {  	_ =	shalt  }
0x65: {  	_ =	shalt  }
0x66: {  	_ =	shalt  }
0x67: {  	_ =	shalt  }
0x68: {  	_ =	shalt  }
0x69: {  	_ =	shalt  }
0x6a: {  	_ =	shalt  }
0x6b: {  	_ =	shalt  }
0x6c: {  	_ =	shalt  }
0x6d: {  	_ =	shalt  }
0x6e: {  	_ =	shalt  }
0x6f: {  	_ =	shalt  }
0x70: {  	_ =	shalt  }
0x71: {  	_ =	shalt  }
0x72: {  	_ =	shalt  }
0x73: {  	_ =	shalt  }
0x74: {  	_ =	shalt  }
0x75: {  	_ =	shalt  }
0x76: {  	_ =	shalt  }
0x77: {  	_ =	shalt  }
0x78: {  	_ =	shalt  }
0x79: {  	_ =	shalt  }
0x7a: {  	_ =	shalt  }
0x7b: {  	_ =	shalt  }
0x7c: {  	_ =	shalt  }
0x7d: {  	_ =	shalt  }
0x7e: {  	_ =	shalt  }
0x7f: {  	_ =	shalt  }
0x80: {  	_ =	shalt  }
0x81: {  	_ =	shalt  }
0x82: {  	_ =	shalt  }
0x83: {  	_ =	shalt  }
0x84: {  	_ =	shalt  }
0x85: {  	_ =	shalt  }
0x86: {  	_ =	shalt  }
0x87: {  	_ =	shalt  }
.Lfunc_end0:
.L_simem_size_0:
called_computation_lowered:
.L_overlay_start_0:
0x88: {  	s2 =	sld [smem:$0x3FD9]  }
0x89: {  	s3 =	sld [smem:$0x3FFE];
	_ =	sdelay $0x1  }
0x8a: {  	s1 =	srdreg.scid  }
0x8b: {  	s0 =	sand.u32 $0x1, s1  }
0x8c: {  	s16 =	sshll.u32 s0, $0xA;
	s2 =	sadd.s32 s3, s2  }
0x8d: {  	s2 =	sadd.s32 s2, s16  }
0x8e: {  	[smem:$0x3FC2] =	sst s2  }
0x8f: {  	_ = 	snop  }
0x90: {  	(tm) =	ssettm $0x1  }
0x91: {  	s17 =	sld [smem:$0x3FFB];
	_ =	sdelay $0x3  }
0x92: {  	_ =	strace s17  }
0x93: {  	s2 =	sld [smem:$0x3FFC];
	_ =	sdelay $0x3  }
0x94: {  	_ =	strace s2  }
0x95: {  	s2 =	sld [smem:$0x3FFD];
	_ =	sdelay $0x3  }
0x96: {  	_ =	strace s2  }
0x97: {  	_ =	strace $0x8FFFFFFF  }
0x98: {  	s18 =	sld [smem:$0x3FDB];
	_ =	sdelay $0x1  }
0x99: {  	s19 =	simm.s32 $_scs_section_size  }
0x9a: {  	s4 =	simm.s32 $_size__tile_overlayer_lowered;
	s5 =	simm.s32 $_tile_overlayer_lowered  }
0x9b: {  	s22 =	simm.s32 $0x1BFF;
	s21 =	sshll.u32 s5, $0x1;
	s2 =	sadd.s32 s19, s18  }
0x9c: {  	s6 =	simm.s32 $0x0;
	s20 =	sshll.u32 s4, $0x1;
	s4 =	sadd.s32 s21, s2  }
0x9d: {  	[timem:s6], [sflag:s22] =	dma.local [hbm:s4], s20  }
0x9e: {  	_ =	swait.ge [sflag:s22], s20  }
0x9f: {  	s3 =	ssub.s32 $0x0, s20;
	[sflag:s22] =	ssyncset.done $0x0  }
0xa0: {  	[sflag:s22] =	ssyncadd.s32 s3;
	_ =	sdelay $0x1  }
0xa1: {  	s23 =	simm.s32 $0x1B8B  }
0xa2: {  	_ =	swait.ge [sflag:s23], $0x1  }
0xa3: {  	[sflag:s23] =	ssyncset.done $0x0  }
0xa4: {  	s25 =	simm.s32 $0x1B8E;
	s24 =	sld [smem:$0x3FFE];
	[sflag:s23] =	ssyncadd.s32 $0xFFFFFFFF  }
0xa5: {  	s26 =	simm.s32 $execute0_lowered;
	[smem:$0x3FD2] =	sst s25  }
0xa6: {  	s4 =	sshll.u32 s26, $0x1;
	_ =	strace $0x80000046;
	[dreg:$0x1] =	wrdreg $0xFFFFFFFF  }
0xa7: {  	s28 =	simm.s32 $_size_execute0_lowered;
	s2 =	sadd.s32 s2, s4;
	[dreg:$0x0] =	wrdreg $0x0  }
0xa8: {  	s4 =	sshll.u32 s28, $0x1;
	[dreg:$0x2] =	wrdreg s2  }
0xa9: {  	[dreg:$0x3] =	wrdreg s4  }
0xaa: {  	[dreg:$0x4] =	wrdreg $0xC0  }
0xab: {  	_ =	task [dreg:s6], $0x5FFFF  }
0xac: {  	[dreg:$0x1] =	wrdreg $0xFFFFFFFF  }
0xad: {  	[dreg:$0x0] =	wrdreg $0x60  }
0xae: {  	[dreg:$0x2] =	wrdreg s24  }
0xaf: {  	[dreg:$0x3] =	wrdreg $0x9  }
0xb0: {  	_ =	task.clear_ibuf [dreg:s6], $0x4FFFF;
	_ =	strace $0x90000046  }
0xb1: {  	s29 =	simm.s32 $0x9;
	_ =	strace $0x80000048  }
0xb2: {  	_ =	swait.ge [sflag:s29], $0x1  }
0xb3: {  	[sflag:s29] =	ssyncadd.s32 $0xFFFFFFFF  }
0xb4: {  	_ =	strace $0x90000048  }
0xb5: {  	_ =	sfence  }
0xb6: {  	s30 =	sld [smem:$0x0];
	_ =	sdelay $0x2  }
0xb7: {  	s31 =	sshll.u32 s1, $0xD;
	s1 =	sshrl.u32 s1, $0x2  }
0xb8: {  	s3 =	sand.u32 $0x4000, s31;
	s1 =	sadd.s32 s1, s30  }
0xb9: {  	s0 =	sor.u32 s3, s0;
	s1 =	sshll.u32 s1, $0x11  }
0xba: {  	s0 =	sor.u32 s1, s0  }
0xbb: {  	s0 =	sadd.s32 $0x8F2B, s0  }
0xbc: {  	[sflag:s0] =	ssyncadd.remote.s32 $0x1  }
0xbd: {  	_ =	sfence.sel $0xFFFF  }
0xbe: {  	[dreg:$0x0] =	wrdreg $0xFFFFFFFF;
	(pc) =	sbr.abs _section_cstart, $3  }
0xbf: {  	[dreg:$0x1] =	wrdreg $0xFFFFFFFF  }
0xc0: {  	_ =	task.clear_ibuf [dreg:s6], $0x2FFFF;
	_ =	strace $0x9FFFFFFF  }
0xc1: {  	(tm) =	ssettm $0x7FFFFFFF  }
tec
execute0_lowered:
.L_overlay_start_1:
0x0: {  	(tag) =	ssettag $0x1  }
0x1: {  	s0 =	srdreg.scid;
	s1 =	stileid.u32  }
0x2: {  	s0 =	sand.u32 $0x1, s0;
	s1 =	sshll.u32 s1, $0x1  }
0x3: {  	s1 =	sor.u32 s0, s1  }
0x4: {  	s2 =	rddreg [dreg:$0x0];
	s4 =	sshll.u32 s1, $0xE  }
0x5: {  	s3 =	simm.s32 $0x0;
	s4 =	sadd.s32 s4, s2  }
0x6: {  	[smem:$0x7FF] =	sst s3;
	s7 =	sadd.s32 $0x140010, s4  }
0x7: {  	_ =	strace $0x80000047;
	s8 =	sadd.s32 $0x140020, s4;
	[dreg:$0x2] =	wrdreg s7  }
0x8: {  	s10 =	sadd.s32 $0x140030, s4;
	[dreg:$0x3] =	wrdreg s8  }
0x9: {  	s11 =	sadd.s32 $0x140040, s4;
	[dreg:$0x4] =	wrdreg s10  }
0xa: {  	s12 =	sadd.s32 $0x140050, s4;
	[dreg:$0x5] =	wrdreg s11  }
0xb: {  	s13 =	sadd.s32 $0x140060, s4;
	[dreg:$0x6] =	wrdreg s12  }
0xc: {  	s14 =	sadd.s32 $0x140070, s4;
	[dreg:$0x7] =	wrdreg s13  }
0xd: {  	s15 =	sadd.s32 $0x140000, s4;
	[dreg:$0x8] =	wrdreg s14  }
0xe: {  	s31 =	simm.s32 $0x1;
	s16 =	sadd.s32 $0x142000, s4;
	[dreg:$0x9] =	wrdreg s15  }
0xf: {  	s6 =	simm.s32 $0x12900;
	s17 =	sadd.s32 $0x142010, s4;
	[dreg:$0xa] =	wrdreg s16  }
0x10: {  	s28 =	sadd.s32 $0x80000, s2;
	s18 =	sadd.s32 $0x1C0010, s4;
	[dreg:$0xb] =	wrdreg s17  }
0x11: {  	s29 =	sadd.s32 $0x40000, s2;
	s19 =	sadd.s32 $0x1C0020, s4;
	[dreg:$0xc] =	wrdreg s18  }
0x12: {  	s30 =	sadd.s32 $0x800, s2;
	s5 =	sadd.s32 $0x1C0030, s4;
	[dreg:$0xd] =	wrdreg s19  }
0x13: {  	s0 =	ssub.s32 $0x2, s0;
	s21 =	sadd.s32 $0x1C0040, s4;
	[dreg:$0xe] =	wrdreg s5  }
0x14: {  	s9 =	smul.u32 $0x6000, s1;
	s22 =	sadd.s32 $0x1C0050, s4;
	[dreg:$0xf] =	wrdreg s21  }
0x15: {  	s20 =	sshrl.u32 s0, $0x1;
	s23 =	sadd.s32 $0x1C0060, s4;
	[dreg:$0x10] =	wrdreg s22  }
0x16: {  	s1 =	simm.s32 $0x6000;
	s24 =	sadd.s32 $0x1C0000, s4;
	[dreg:$0x11] =	wrdreg s23  }
0x17: {  	s0 =	ssub.s32 s0, s20;
	s25 =	sadd.s32 $0x1C0070, s4;
	[dreg:$0x12] =	wrdreg s24  }
0x18: {  	s26 =	sadd.s32 $0x1C2000, s4;
	v0 =	vmov s9;
	s9 =	simm.s32 $0x3;
	[dreg:$0x13] =	wrdreg s25  }
0x19: {  	[dreg:$0x14] =	wrdreg s26;
	s23 =	sadd.s32 $0x1C2010, s4;
	s24 =	smax.u32 s0, $0x1  }
0x1a: {  	s25 =	sadd.s32 $0x100000, s2;
	s26 =	sadd.s32 $0xC0000, s2;
	s0 =	simm.s32 $0x2  }
0x1b: {  	s4 =	simm.s32 $0x2000;
	s5 =	simm.s32 $0x10900;
	s7 =	simm.s32 $0x14900  }
0x1c: {  	s8 =	simm.s32 $0x16900;
	s10 =	simm.s32 $0x80;
	s11 =	simm.s32 $0x400  }
0x1d: {  	v1 =	vimm.s32 $0xFFFFFFFF;
	v2 =	vimm.s32 $0x0;
	v3 =	vlaneseq.u32;
	s12 =	simm.s32 $0x4;
	s13 =	simm.s32 $0x18900;
	s14 =	simm.s32 $0x0  }
.LBB2_1:
0x1e: {  	s15 =	simm.s32 $0x40;
	s16 =	simm.s32 $0x0  }
.LBB2_2:
0x1f: {  	p0 =	sne.s32 s15, $0x17FC0;
	[tilespmem:s16+$0x0] =	vst v1;
	s17 =	smov.u32 s15;
	s15 =	sadd.s32 $0x40, s15  }
.Ltmp0:
0x20: {  	[tilespmem:s16+$0x6000] =	vst v1;
	(pc) =	sbr.rel @p0 .LBB2_2-.Ltmp0, $2  }
0x21: {  	_ =	sdelay $0x2  }
0x22: {  	s16 =	sshra.s32 s17, $0x2  }
0x23: {  	[tilespmem:s16+$0x0] =	vst v1  }
0x24: {  	s15 =	simm.s32 $0x0;
	[tilespmem:s16+$0x6000] =	vst v1  }
.LBB2_4:
0x25: {  	p0 =	sne.s32 s15, $0x1080  }
.Ltmp1:
0x26: {  	_ = 	snop;
	(pc) =	sbr.rel @p0 .LBB2_4-.Ltmp1, $4  }
0x27: {  	_ = 	snop  }
0x28: {  	s16 =	sshra.s32 s15, $0x2  }
0x29: {  	[tilespmem:s16+$0x10000] =	vst v2  }
0x2a: {  	s15 =	sadd.s32 $0x40, s15;
	[tilespmem:s16+$0x10480] =	vst v2  }
0x2b: {  	s16 =	simm.s32 $0xC000;
	s17 =	sadd.s32 $0x0, s2;
	s15 =	simm.s32 $0x0  }
0x2c: {  	[tilespmem:s16], [sflag:$0x1] =	stream.linear.gather [hbm4b:s17+s15], $0x80, $0x38;
	[tilespmem:$0x1A900] =	vst v63  }
0x2d: {  	s17 =	simm.s32 $0x10  }
.LBB2_6:
0x2e: {  	p0 =	sne.s32 s17, $0x3F0  }
.Ltmp2:
0x2f: {  	_ = 	snop;
	(pc) =	sbr.rel @p0 .LBB2_6-.Ltmp2, $4  }
0x30: {  	_ = 	snop  }
0x31: {  	s18 =	sadd.s32 s17, s2;
	s16 =	sadd.s32 $0x100, s16  }
0x32: {  	s17 =	sadd.s32 $0x10, s17  }
0x33: {  	[tilespmem:s16], [sflag:$0x1] =	stream.linear.gather [hbm4b:s18+s15], $0x80, $0x38;
	[tilespmem:$0x1A900] =	vst v63  }
.LBB2_7:
0x34: {  	s16 =	sshllo.u32 s15, $0x1  }
0x35: {  	s17 =	sshll.u32 s16, $0xA  }
0x36: {  	s18 =	simm.s32 $0xC080;
	s17 =	sadd.s32 s2, s17  }
0x37: {  	s19 =	simm.s32 $0x10;
	s20 =	simm.s32 $0xC180;
	s21 =	sadd.s32 $0x0, s17  }
.LBB2_8:
0x38: {  	[tilespmem:s18], [sflag:$0x2] =	stream.linear.gather [hbm4b:s21+s3], $0x80, $0x38;
	[tilespmem:$0x1A900] =	vst v63  }
0x39: {  	s21 =	smov.u32 s19;
	s18 =	smov.u32 s20;
	p0 =	sne.s32 s19, $0x3F0  }
.Ltmp3:
0x3a: {  	s19 =	sadd.s32 $0x10, s19;
	(pc) =	sbr.rel @p0 .LBB2_8-.Ltmp3, $2  }
0x3b: {  	_ =	sdelay $0x2  }
0x3c: {  	s20 =	sadd.s32 $0x100, s20;
	s21 =	sadd.s32 s21, s17  }
0x3d: {  	[tilespmem:s18], [sflag:$0x2] =	stream.linear.gather [hbm4b:s21+s3], $0x80, $0x38;
	[tilespmem:$0x1A900] =	vst v63  }
0x3e: {  	_ =	swait.ge [sflag:s31], $0x2000  }
0x3f: {  	s17 =	sshll.u32 s15, $0xE;
	s18 =	simm.s32 $0x0;
	[sflag:s31] =	ssyncset.done $0x0  }
0x40: {  	s19 =	simm.s32 $0x0;
	v4 =	vor.u32 s17, v3;
	s17 =	simm.s32 $0xFFFFFFFC;
	[sflag:s31] =	ssyncadd.s32 $0xFFFFE000  }
.LBB2_10:
0x41: {  	s20 =	sand.u32 $0x40, s18;
	s21 =	sand.u32 $0x3F00, s19  }
0x42: {  	s20 =	sor.u32 s20, s21  }
0x43: {  	v5 =	vld [tilespmem:s20+$0xC000];
	_ =	sdelay $0x4  }
0x44: {  	v6 =	vand.u32 $0xFFFFF, v5  }
0x45: {  	v7 =	vand.u32 $0x40000000, v5;
	v6 =	vsub.s32 v6, v0  }
0x46: {  	vm2 =	vne.s32 v7, $0x0;
	vm0 =	vlt.u32 v6, $0x6000;
	vm1 =	vgt.s32 v6, $0x0  }
0x47: {  	vm12 =	vlt.s32 v5, $0x0;
	v6 =	vnsel vm1, $0x0, v6;
	vm11 =	vmand vm2, vm0  }
0x48: {  	vm0 =	vmand vm12, vm0;
	v5 =	vmin.u32 v6, $0x5FFF;
	_ =	sdelay $0x4  }
0x49: {  	[tilespmem:v5+s3+$0x0] =	vst.idx.msk vm11, v4  }
0x4a: {  	[tilespmem:v5+s1+$0x0] =	vst.idx.msk vm0, v4  }
0x4b: {  	v5 =	vld [tilespmem:s20+$0xC010];
	_ =	sdelay $0x4  }
0x4c: {  	v6 =	vand.u32 $0xFFFFF, v5  }
0x4d: {  	v7 =	vand.u32 $0x40000000, v5;
	v6 =	vsub.s32 v6, v0  }
0x4e: {  	vm15 =	vne.s32 v7, $0x0;
	vm13 =	vlt.u32 v6, $0x6000;
	vm14 =	vgt.s32 v6, $0x0  }
0x4f: {  	vm5 =	vlt.s32 v5, $0x0;
	v6 =	vnsel vm14, $0x0, v6;
	vm4 =	vmand vm15, vm13  }
0x50: {  	vm0 =	vmand vm5, vm13;
	v5 =	vmin.u32 v6, $0x5FFF;
	_ =	sdelay $0x3  }
0x51: {  	v6 =	vadd.s32 $0x10, v4  }
0x52: {  	[tilespmem:v5+s3+$0x0] =	vst.idx.msk vm4, v6  }
0x53: {  	[tilespmem:v5+s1+$0x0] =	vst.idx.msk vm0, v6  }
0x54: {  	v5 =	vld [tilespmem:s20+$0xC020];
	_ =	sdelay $0x4  }
0x55: {  	v6 =	vand.u32 $0xFFFFF, v5  }
0x56: {  	v7 =	vand.u32 $0x40000000, v5;
	v6 =	vsub.s32 v6, v0  }
0x57: {  	vm8 =	vne.s32 v7, $0x0;
	vm6 =	vlt.u32 v6, $0x6000;
	vm7 =	vgt.s32 v6, $0x0  }
0x58: {  	vm10 =	vlt.s32 v5, $0x0;
	v6 =	vnsel vm7, $0x0, v6;
	vm9 =	vmand vm8, vm6  }
0x59: {  	vm0 =	vmand vm10, vm6;
	v5 =	vmin.u32 v6, $0x5FFF;
	_ =	sdelay $0x3  }
0x5a: {  	v6 =	vadd.s32 $0x20, v4  }
0x5b: {  	[tilespmem:v5+s3+$0x0] =	vst.idx.msk vm9, v6  }
0x5c: {  	[tilespmem:v5+s1+$0x0] =	vst.idx.msk vm0, v6  }
0x5d: {  	v5 =	vld [tilespmem:s20+$0xC030];
	_ =	sdelay $0x4  }
0x5e: {  	v6 =	vand.u32 $0xFFFFF, v5  }
0x5f: {  	v7 =	vand.u32 $0x40000000, v5;
	v6 =	vsub.s32 v6, v0  }
0x60: {  	vm13 =	vne.s32 v7, $0x0;
	vm11 =	vlt.u32 v6, $0x6000;
	vm12 =	vgt.s32 v6, $0x0  }
0x61: {  	vm15 =	vlt.s32 v5, $0x0;
	v6 =	vnsel vm12, $0x0, v6;
	vm14 =	vmand vm13, vm11  }
0x62: {  	s17 =	sadd.s32 $0x4, s17;
	vm0 =	vmand vm15, vm11;
	v5 =	vmin.u32 v6, $0x5FFF  }
0x63: {  	p0 =	slt.u32 s17, $0x1FC  }
.Ltmp4:
0x64: {  	_ = 	snop;
	(pc) =	sbr.rel @p0 .LBB2_10-.Ltmp4, $4  }
0x65: {  	_ = 	snop  }
0x66: {  	v6 =	vadd.s32 $0x30, v4  }
0x67: {  	[tilespmem:v5+s3+$0x0] =	vst.idx.msk vm14, v6  }
0x68: {  	s19 =	sadd.s32 $0x80, s19;
	s18 =	sadd.s32 $0x40, s18;
	v4 =	vadd.s32 $0x40, v4;
	[tilespmem:v5+s1+$0x0] =	vst.idx.msk vm0, v6  }
0x69: {  	p0 =	seq.s32 s15, $0x7F  }
.Ltmp5:
0x6a: {  	_ = 	snop;
	(pc) =	sbr.rel @p0 .LBB2_15-.Ltmp5, $1  }
0x6b: {  	_ =	sdelay $0x3  }
0x6c: {  	s17 =	sshll.u32 s15, $0xB  }
0x6d: {  	s18 =	simm.s32 $0xC000;
	s17 =	sadd.s32 s17, s30  }
0x6e: {  	s19 =	simm.s32 $0x10;
	s20 =	simm.s32 $0xC100;
	s21 =	sadd.s32 $0x0, s17  }
.LBB2_13:
0x6f: {  	[tilespmem:s18], [sflag:$0x1] =	stream.linear.gather [hbm4b:s21+s3], $0x80, $0x38;
	[tilespmem:$0x1A900] =	vst v63  }
0x70: {  	s21 =	smov.u32 s19;
	s18 =	smov.u32 s20;
	p0 =	sne.s32 s19, $0x3F0  }
.Ltmp6:
0x71: {  	s19 =	sadd.s32 $0x10, s19;
	(pc) =	sbr.rel @p0 .LBB2_13-.Ltmp6, $2  }
0x72: {  	_ =	sdelay $0x2  }
0x73: {  	s20 =	sadd.s32 $0x100, s20;
	s21 =	sadd.s32 s21, s17  }
0x74: {  	[tilespmem:s18], [sflag:$0x1] =	stream.linear.gather [hbm4b:s21+s3], $0x80, $0x38;
	[tilespmem:$0x1A900] =	vst v63  }
.LBB2_15:
0x75: {  	_ =	swait.ge [sflag:s0], $0x2000  }
0x76: {  	s16 =	sshll.u32 s16, $0xD;
	s17 =	simm.s32 $0x0;
	[sflag:s0] =	ssyncset.done $0x0  }
0x77: {  	p0 =	por $0x0, $0x0;
	v4 =	vor.u32 s16, v3;
	s16 =	simm.s32 $0xFFFFFFFC;
	[sflag:s0] =	ssyncadd.s32 $0xFFFFE000  }
.LBB2_16:
0x78: {  	s18 =	simm.s32 $0x1  }
0x79: {  	s18 =	simm.s32 @!p0 $0x0  }
0x7a: {  	s18 =	sshll.u32 s18, $0x6  }
0x7b: {  	s18 =	sadd.s32 s18, s17  }
0x7c: {  	s19 =	sor.u32 $0x80, s18  }
0x7d: {  	v5 =	vld [tilespmem:s19+$0xC000];
	_ =	sdelay $0x4  }
0x7e: {  	v6 =	vand.u32 $0xFFFFF, v5  }
0x7f: {  	v7 =	vand.u32 $0x40000000, v5;
	v6 =	vsub.s32 v6, v0  }
0x80: {  	vm2 =	vne.s32 v7, $0x0;
	vm0 =	vlt.u32 v6, $0x6000;
	vm1 =	vgt.s32 v6, $0x0  }
0x81: {  	vm12 =	vlt.s32 v5, $0x0;
	v6 =	vnsel vm1, $0x0, v6;
	vm11 =	vmand vm2, vm0  }
0x82: {  	vm0 =	vmand vm12, vm0;
	v5 =	vmin.u32 v6, $0x5FFF;
	_ =	sdelay $0x4  }
0x83: {  	[tilespmem:v5+s3+$0x0] =	vst.idx.msk vm11, v4  }
0x84: {  	s21 =	sor.u32 $0x90, s18;
	[tilespmem:v5+s1+$0x0] =	vst.idx.msk vm0, v4  }
0x85: {  	v5 =	vld [tilespmem:s21+$0xC000];
	_ =	sdelay $0x4  }
0x86: {  	v6 =	vand.u32 $0xFFFFF, v5  }
0x87: {  	v7 =	vand.u32 $0x40000000, v5;
	v6 =	vsub.s32 v6, v0  }
0x88: {  	vm15 =	vne.s32 v7, $0x0;
	vm13 =	vlt.u32 v6, $0x6000;
	vm14 =	vgt.s32 v6, $0x0  }
0x89: {  	vm5 =	vlt.s32 v5, $0x0;
	v6 =	vnsel vm14, $0x0, v6;
	vm4 =	vmand vm15, vm13  }
0x8a: {  	vm0 =	vmand vm5, vm13;
	v5 =	vmin.u32 v6, $0x5FFF;
	_ =	sdelay $0x3  }
0x8b: {  	v6 =	vadd.s32 $0x10, v4  }
0x8c: {  	[tilespmem:v5+s3+$0x0] =	vst.idx.msk vm4, v6  }
0x8d: {  	s22 =	sor.u32 $0xA0, s18;
	[tilespmem:v5+s1+$0x0] =	vst.idx.msk vm0, v6  }
0x8e: {  	v5 =	vld [tilespmem:s22+$0xC000];
	_ =	sdelay $0x4  }
0x8f: {  	v6 =	vand.u32 $0xFFFFF, v5  }
0x90: {  	v7 =	vand.u32 $0x40000000, v5;
	v6 =	vsub.s32 v6, v0  }
0x91: {  	vm8 =	vne.s32 v7, $0x0;
	vm6 =	vlt.u32 v6, $0x6000;
	vm7 =	vgt.s32 v6, $0x0  }
0x92: {  	vm10 =	vlt.s32 v5, $0x0;
	v6 =	vnsel vm7, $0x0, v6;
	vm9 =	vmand vm8, vm6  }
0x93: {  	vm0 =	vmand vm10, vm6;
	v5 =	vmin.u32 v6, $0x5FFF;
	_ =	sdelay $0x3  }
0x94: {  	v6 =	vadd.s32 $0x20, v4  }
0x95: {  	[tilespmem:v5+s3+$0x0] =	vst.idx.msk vm9, v6  }
0x96: {  	s18 =	sor.u32 $0xB0, s18;
	[tilespmem:v5+s1+$0x0] =	vst.idx.msk vm0, v6  }
0x97: {  	v5 =	vld [tilespmem:s18+$0xC000];
	_ =	sdelay $0x4  }
0x98: {  	v6 =	vand.u32 $0xFFFFF, v5  }
0x99: {  	v7 =	vand.u32 $0x40000000, v5;
	v6 =	vsub.s32 v6, v0  }
0x9a: {  	vm13 =	vne.s32 v7, $0x0;
	vm11 =	vlt.u32 v6, $0x6000;
	vm12 =	vgt.s32 v6, $0x0  }
0x9b: {  	vm15 =	vlt.s32 v5, $0x0;
	v6 =	vnsel vm12, $0x0, v6;
	vm14 =	vmand vm13, vm11  }
0x9c: {  	s16 =	sadd.s32 $0x4, s16;
	vm0 =	vmand vm15, vm11;
	v5 =	vmin.u32 v6, $0x5FFF  }
0x9d: {  	p1 =	slt.u32 s16, $0x1FC  }
.Ltmp7:
0x9e: {  	_ = 	snop;
	(pc) =	sbr.rel @p1 .LBB2_16-.Ltmp7, $4  }
0x9f: {  	_ = 	snop  }
0xa0: {  	v6 =	vadd.s32 $0x30, v4  }
0xa1: {  	[tilespmem:v5+s3+$0x0] =	vst.idx.msk vm14, v6  }
0xa2: {  	p0 =	por !p0, !p0;
	s17 =	sadd.s32 $0x80, s17;
	v4 =	vadd.s32 $0x40, v4;
	[tilespmem:v5+s1+$0x0] =	vst.idx.msk vm0, v6  }
0xa3: {  	s15 =	sadd.s32 $0x1, s15  }
0xa4: {  	p0 =	sne.s32 s15, $0x80  }
.Ltmp8:
0xa5: {  	_ = 	snop;
	(pc) =	sbr.rel @p0 .LBB2_7-.Ltmp8, $1  }
0xa6: {  	_ =	sdelay $0x3  }
0xa7: {  	s15 =	simm.s32 $0x0  }
0xa8: {  	v4 =	vld [tilespmem:s15+$0x0];
	_ =	sdelay $0x4  }
0xa9: {  	v5 =	vor.u32 s15, v3;
	vm0 =	vlt.s32 v4, $0x0  }
0xaa: {  	s15 =	simm.s32 $0x10900;
	v4 =	vsel vm0, v5, v4  }
0xab: {  	s16 =	simm.s32 $0x10;
	[tilespmem:s15+$0x0] =	vst v4  }
0xac: {  	s17 =	simm.s32 $0x20;
	s18 =	simm.s32 $0x10;
	v4 =	vld [tilespmem:s16+$0x0]  }
.LBB2_19:
0xad: {  	p0 =	sne.s32 s17, $0x1FF0;
	_ =	sdelay $0x2  }
.Ltmp9:
0xae: {  	(pc) =	sbr.rel @p0 .LBB2_19-.Ltmp9, $4  }
0xaf: {  	v5 =	vor.u32 s16, v3;
	s16 =	smov.u32 s17;
	vm0 =	vlt.s32 v4, $0x0  }
0xb0: {  	s15 =	sadd.s32 $0x10, s15;
	v4 =	vsel vm0, v5, v4  }
0xb1: {  	s18 =	sadd.s32 $0x10, s18;
	[tilespmem:s15+$0x0] =	vst v4  }
0xb2: {  	s17 =	sadd.s32 $0x10, s17;
	v4 =	vld [tilespmem:s18+$0x0]  }
0xb3: {  	_ =	sdelay $0x3  }
0xb4: {  	v5 =	vor.u32 s16, v3;
	vm0 =	vlt.s32 v4, $0x0  }
0xb5: {  	s15 =	sadd.s32 $0x10, s15;
	v4 =	vsel vm0, v5, v4  }
0xb6: {  	[tilespmem:s15+$0x0] =	vst v4  }
0xb7: {  	[tilespmem:s6], [sflag:$0x3] =	stream.indirect.gather [hbm4b:s25+s4], $0x1, s5, s4, $0xb8;
	[tilespmem:$0x1A900] =	vst v63  }
0xb8: {  	_ = 	snop  }
0xb9: {  	[tilespmem:s7], [sflag:$0x3] =	stream.indirect.gather [hbm4b:s26+s4], $0x1, s5, s4, $0xb8;
	[tilespmem:$0x1A900] =	vst v63  }
0xba: {  	_ = 	snop  }
0xbb: {  	[tilespmem:s8], [sflag:$0x3] =	stream.indirect.gather [hbm4b:s28+s4], $0x1, s5, s4, $0xb8;
	[tilespmem:$0x1A900] =	vst v63  }
0xbc: {  	_ =	swait.ge [sflag:s9], $0x2000  }
0xbd: {  	[sflag:s9] =	ssyncset.done $0x0  }
0xbe: {  	[sflag:s9] =	ssyncadd.s32 $0xFFFFE000  }
0xbf: {  	_ =	swait.ge [sflag:s9], $0x2000  }
0xc0: {  	[sflag:s9] =	ssyncset.done $0x0  }
0xc1: {  	[sflag:s9] =	ssyncadd.s32 $0xFFFFE000  }
0xc2: {  	_ =	swait.ge [sflag:s9], $0x2000  }
0xc3: {  	[sflag:s9] =	ssyncset.done $0x0  }
0xc4: {  	s15 =	simm.s32 $0x0;
	[sflag:s9] =	ssyncadd.s32 $0xFFFFE000  }
0xc5: {  	v4 =	vld [tilespmem:s15+$0x0]  }
0xc6: {  	v5 =	vld [tilespmem:s15+$0x12900]  }
0xc7: {  	v6 =	vld [tilespmem:s15+$0x14900]  }
0xc8: {  	v7 =	vld [tilespmem:s15+$0x16900];
	_ =	sdelay $0x1  }
0xc9: {  	vm15 =	vlt.s32 v4, $0x0  }
0xca: {  	s16 =	simm.s32 $0x10;
	v5 =	vsel vm15, $0x4479C000, v5  }
0xcb: {  	v4 =	vld [tilespmem:s16+$0x0];
	v6 =	vsel vm15, $0x4479C000, v6;
	[tilespmem:s15+$0x12900] =	vst v5  }
0xcc: {  	s17 =	simm.s32 $0x80;
	v5 =	vld [tilespmem:s16+$0x12900];
	[tilespmem:s15+$0x14900] =	vst v6;
	v6 =	vsel vm15, $0x4479C000, v7  }
.LBB2_21:
0xcd: {  	p0 =	sne.s32 s17, $0x7FC0;
	v7 =	vld [tilespmem:s16+$0x14900];
	[tilespmem:s15+$0x16900] =	vst v6;
	s15 =	smov.u32 s16  }
0xce: {  	v6 =	vld [tilespmem:s15+$0x16900]  }
.Ltmp10:
0xcf: {  	(pc) =	sbr.rel @p0 .LBB2_21-.Ltmp10, $4  }
0xd0: {  	vm0 =	vlt.s32 v4, $0x0  }
0xd1: {  	s16 =	sshra.s32 s17, $0x2;
	v5 =	vsel vm0, $0x4479C000, v5  }
0xd2: {  	v4 =	vld [tilespmem:s16+$0x0];
	[tilespmem:s15+$0x12900] =	vst v5;
	v7 =	vsel vm0, $0x4479C000, v7  }
0xd3: {  	s17 =	sadd.s32 $0x40, s17;
	v5 =	vld [tilespmem:s16+$0x12900];
	[tilespmem:s15+$0x14900] =	vst v7;
	v6 =	vsel vm0, $0x4479C000, v6  }
0xd4: {  	v7 =	vld [tilespmem:s16+$0x14900];
	[tilespmem:s15+$0x16900] =	vst v6  }
0xd5: {  	v6 =	vld [tilespmem:s16+$0x16900];
	_ =	sdelay $0x1  }
0xd6: {  	vm0 =	vlt.s32 v4, $0x0  }
0xd7: {  	v4 =	vsel vm0, $0x4479C000, v5  }
0xd8: {  	[tilespmem:s16+$0x12900] =	vst v4;
	v4 =	vsel vm0, $0x4479C000, v7  }
0xd9: {  	[tilespmem:s16+$0x14900] =	vst v4;
	v4 =	vsel vm0, $0x4479C000, v6  }
0xda: {  	s18 =	rddreg [dreg:$0x9];
	[tilespmem:s16+$0x16900] =	vst v4  }
0xdb: {  	[hbm4b:s18+s10] =	stream.strided.scatter [tilespmem:s6], [sflag:$0x4], $0x2000, s11, s10, $0x38;
	[tilespmem:$0x1A900] =	vst v63  }
0xdc: {  	_ =	swait.ge [sflag:s12], $0x2000  }
0xdd: {  	[sflag:s12] =	ssyncset.done $0x0  }
0xde: {  	s19 =	rddreg [dreg:$0x2];
	[sflag:s12] =	ssyncadd.s32 $0xFFFFE000  }
0xdf: {  	[hbm4b:s19+s10] =	stream.strided.scatter [tilespmem:s7], [sflag:$0x4], $0x2000, s11, s10, $0x38;
	[tilespmem:$0x1A900] =	vst v63  }
0xe0: {  	_ =	swait.ge [sflag:s12], $0x2000  }
0xe1: {  	[sflag:s12] =	ssyncset.done $0x0  }
0xe2: {  	s20 =	rddreg [dreg:$0x3];
	[sflag:s12] =	ssyncadd.s32 $0xFFFFE000  }
0xe3: {  	[hbm4b:s20+s10] =	stream.strided.scatter [tilespmem:s8], [sflag:$0x4], $0x2000, s11, s10, $0x38;
	[tilespmem:$0x1A900] =	vst v63  }
0xe4: {  	_ =	swait.ge [sflag:s12], $0x2000  }
0xe5: {  	s21 =	simm.s32 $0x0;
	[sflag:s12] =	ssyncset.done $0x0  }
0xe6: {  	s22 =	sand.u32 $0x1FF0, s21;
	[sflag:s12] =	ssyncadd.s32 $0xFFFFE000  }
0xe7: {  	v4 =	vld [tilespmem:s22+$0x2000];
	_ =	sdelay $0x4  }
0xe8: {  	v5 =	vor.u32 s21, v3;
	vm15 =	vlt.s32 v4, $0x0  }
0xe9: {  	s15 =	simm.s32 $0x10900;
	s16 =	simm.s32 $0x10;
	v4 =	vsel vm15, v5, v4  }
0xea: {  	s17 =	simm.s32 $0x20;
	s18 =	sand.u32 $0x1FF0, s16;
	[tilespmem:s15+$0x0] =	vst v4  }
.LBB2_23:
0xeb: {  	p0 =	sne.s32 s17, $0x1FF0;
	v4 =	vld [tilespmem:s18+$0x2000];
	_ =	sdelay $0x2  }
.Ltmp11:
0xec: {  	(pc) =	sbr.rel @p0 .LBB2_23-.Ltmp11, $4  }
0xed: {  	_ = 	snop  }
0xee: {  	v5 =	vor.u32 s16, v3;
	s16 =	smov.u32 s17;
	vm0 =	vlt.s32 v4, $0x0  }
0xef: {  	s15 =	sadd.s32 $0x10, s15;
	v4 =	vsel vm0, v5, v4  }
0xf0: {  	s17 =	sadd.s32 $0x10, s17;
	s18 =	sand.u32 $0x1FF0, s16;
	[tilespmem:s15+$0x0] =	vst v4  }
0xf1: {  	v4 =	vld [tilespmem:s18+$0x2000];
	_ =	sdelay $0x4  }
0xf2: {  	v5 =	vor.u32 s16, v3;
	vm0 =	vlt.s32 v4, $0x0  }
0xf3: {  	s15 =	sadd.s32 $0x10, s15;
	v4 =	vsel vm0, v5, v4  }
0xf4: {  	[tilespmem:s15+$0x0] =	vst v4;
	s15 =	simm.s32 $0x12900  }
0xf5: {  	[tilespmem:s15], [sflag:$0x3] =	stream.indirect.gather [hbm4b:s25+s4], $0x1, s5, s4, $0xb8;
	[tilespmem:$0x1A900] =	vst v63  }
0xf6: {  	s17 =	simm.s32 $0x14900  }
0xf7: {  	[tilespmem:s17], [sflag:$0x3] =	stream.indirect.gather [hbm4b:s26+s4], $0x1, s5, s4, $0xb8;
	[tilespmem:$0x1A900] =	vst v63  }
0xf8: {  	s16 =	simm.s32 $0x16900  }
0xf9: {  	[tilespmem:s16], [sflag:$0x3] =	stream.indirect.gather [hbm4b:s28+s4], $0x1, s5, s4, $0xb8;
	[tilespmem:$0x1A900] =	vst v63  }
0xfa: {  	_ =	swait.ge [sflag:s9], $0x2000  }
0xfb: {  	[sflag:s9] =	ssyncset.done $0x0  }
0xfc: {  	[sflag:s9] =	ssyncadd.s32 $0xFFFFE000  }
0xfd: {  	_ =	swait.ge [sflag:s9], $0x2000  }
0xfe: {  	[sflag:s9] =	ssyncset.done $0x0  }
0xff: {  	[sflag:s9] =	ssyncadd.s32 $0xFFFFE000  }
0x100: {  	_ =	swait.ge [sflag:s9], $0x2000  }
0x101: {  	s22 =	simm.s32 $0x0;
	[sflag:s9] =	ssyncset.done $0x0  }
0x102: {  	s18 =	sand.u32 $0x1FF0, s22;
	[sflag:s9] =	ssyncadd.s32 $0xFFFFE000  }
0x103: {  	v4 =	vld [tilespmem:s18+$0x2000]  }
0x104: {  	v5 =	vld [tilespmem:s15+$0x0];
	_ =	sdelay $0x3  }
0x105: {  	vm15 =	vlt.s32 v4, $0x0  }
0x106: {  	v4 =	vsel vm15, $0x4479C000, v5  }
0x107: {  	[tilespmem:s15+$0x0] =	vst v4  }
0x108: {  	v4 =	vld [tilespmem:s17+$0x0];
	_ =	sdelay $0x4  }
0x109: {  	v4 =	vsel vm15, $0x4479C000, v4  }
0x10a: {  	[tilespmem:s17+$0x0] =	vst v4  }
0x10b: {  	v4 =	vld [tilespmem:s16+$0x0];
	_ =	sdelay $0x3  }
0x10c: {  	s19 =	simm.s32 $0x10  }
0x10d: {  	s20 =	simm.s32 $0x20;
	s18 =	simm.s32 $0x14910;
	s17 =	simm.s32 $0x16910;
	v4 =	vsel vm15, $0x4479C000, v4  }
.LBB2_25:
0x10e: {  	s21 =	sand.u32 $0x1FF0, s19;
	s15 =	sadd.s32 $0x10, s15  }
0x10f: {  	[tilespmem:s16+$0x0] =	vst v4;
	s19 =	smov.u32 s20;
	s22 =	sadd.s32 $0x10, s20;
	s16 =	smov.u32 s17  }
0x110: {  	p0 =	sne.s32 s20, $0x1FF0;
	v4 =	vld [tilespmem:s21+$0x2000]  }
0x111: {  	v5 =	vld [tilespmem:s15+$0x0];
	_ =	sdelay $0x3  }
0x112: {  	vm0 =	vlt.s32 v4, $0x0  }
0x113: {  	v4 =	vsel vm0, $0x4479C000, v5  }
0x114: {  	[tilespmem:s15+$0x0] =	vst v4  }
0x115: {  	v4 =	vld [tilespmem:s18+$0x0];
	_ =	sdelay $0x4  }
0x116: {  	v4 =	vsel vm0, $0x4479C000, v4  }
0x117: {  	[tilespmem:s18+$0x0] =	vst v4  }
0x118: {  	v4 =	vld [tilespmem:s17+$0x0]  }
.Ltmp12:
0x119: {  	(pc) =	sbr.rel @p0 .LBB2_25-.Ltmp12, $2  }
0x11a: {  	_ =	sdelay $0x2  }
0x11b: {  	s20 =	smov.u32 s22;
	s18 =	sadd.s32 $0x10, s18;
	s17 =	sadd.s32 $0x10, s17;
	v4 =	vsel vm0, $0x4479C000, v4  }
0x11c: {  	s19 =	sand.u32 $0x1FF0, s19;
	[tilespmem:s16+$0x0] =	vst v4  }
0x11d: {  	s15 =	sadd.s32 $0x10, s15;
	v4 =	vld [tilespmem:s19+$0x2000]  }
0x11e: {  	v5 =	vld [tilespmem:s15+$0x0];
	_ =	sdelay $0x3  }
0x11f: {  	vm0 =	vlt.s32 v4, $0x0  }
0x120: {  	v4 =	vsel vm0, $0x4479C000, v5  }
0x121: {  	[tilespmem:s15+$0x0] =	vst v4  }
0x122: {  	v4 =	vld [tilespmem:s18+$0x0];
	_ =	sdelay $0x4  }
0x123: {  	v4 =	vsel vm0, $0x4479C000, v4  }
0x124: {  	[tilespmem:s18+$0x0] =	vst v4  }
0x125: {  	v4 =	vld [tilespmem:s17+$0x0];
	_ =	sdelay $0x4  }
0x126: {  	v4 =	vsel vm0, $0x4479C000, v4  }
0x127: {  	s18 =	rddreg [dreg:$0x4];
	[tilespmem:s17+$0x0] =	vst v4  }
0x128: {  	[hbm4b:s18+s10] =	stream.strided.scatter [tilespmem:s6], [sflag:$0x4], $0x2000, s11, s10, $0x38;
	[tilespmem:$0x1A900] =	vst v63  }
0x129: {  	_ =	swait.ge [sflag:s12], $0x2000  }
0x12a: {  	[sflag:s12] =	ssyncset.done $0x0  }
0x12b: {  	s19 =	rddreg [dreg:$0x5];
	[sflag:s12] =	ssyncadd.s32 $0xFFFFE000  }
0x12c: {  	[hbm4b:s19+s10] =	stream.strided.scatter [tilespmem:s7], [sflag:$0x4], $0x2000, s11, s10, $0x38;
	[tilespmem:$0x1A900] =	vst v63  }
0x12d: {  	_ =	swait.ge [sflag:s12], $0x2000  }
0x12e: {  	[sflag:s12] =	ssyncset.done $0x0  }
0x12f: {  	s20 =	rddreg [dreg:$0x6];
	[sflag:s12] =	ssyncadd.s32 $0xFFFFE000  }
0x130: {  	[hbm4b:s20+s10] =	stream.strided.scatter [tilespmem:s8], [sflag:$0x4], $0x2000, s11, s10, $0x38;
	[tilespmem:$0x1A900] =	vst v63  }
0x131: {  	_ =	swait.ge [sflag:s12], $0x2000  }
0x132: {  	s21 =	simm.s32 $0x0;
	[sflag:s12] =	ssyncset.done $0x0  }
0x133: {  	s22 =	sand.u32 $0x1FF0, s21;
	[sflag:s12] =	ssyncadd.s32 $0xFFFFE000  }
0x134: {  	v4 =	vld [tilespmem:s22+$0x4000];
	_ =	sdelay $0x4  }
0x135: {  	v5 =	vor.u32 s21, v3;
	vm15 =	vlt.s32 v4, $0x0  }
0x136: {  	s16 =	simm.s32 $0x10;
	s15 =	simm.s32 $0x10900;
	v4 =	vsel vm15, v5, v4  }
0x137: {  	s17 =	simm.s32 $0x20;
	s18 =	sand.u32 $0x1FF0, s16;
	[tilespmem:s15+$0x0] =	vst v4  }
.LBB2_27:
0x138: {  	p0 =	sne.s32 s17, $0x1FF0;
	v4 =	vld [tilespmem:s18+$0x4000];
	_ =	sdelay $0x2  }
.Ltmp13:
0x139: {  	(pc) =	sbr.rel @p0 .LBB2_27-.Ltmp13, $4  }
0x13a: {  	_ = 	snop  }
0x13b: {  	v5 =	vor.u32 s16, v3;
	s16 =	smov.u32 s17;
	vm0 =	vlt.s32 v4, $0x0  }
0x13c: {  	s15 =	sadd.s32 $0x10, s15;
	v4 =	vsel vm0, v5, v4  }
0x13d: {  	s17 =	sadd.s32 $0x10, s17;
	s18 =	sand.u32 $0x1FF0, s16;
	[tilespmem:s15+$0x0] =	vst v4  }
0x13e: {  	v4 =	vld [tilespmem:s18+$0x4000];
	_ =	sdelay $0x4  }
0x13f: {  	v5 =	vor.u32 s16, v3;
	vm0 =	vlt.s32 v4, $0x0  }
0x140: {  	s15 =	sadd.s32 $0x10, s15;
	v4 =	vsel vm0, v5, v4  }
0x141: {  	[tilespmem:s15+$0x0] =	vst v4;
	s15 =	simm.s32 $0x12900  }
0x142: {  	[tilespmem:s15], [sflag:$0x3] =	stream.indirect.gather [hbm4b:s25+s4], $0x1, s5, s4, $0xb8;
	[tilespmem:$0x1A900] =	vst v63  }
0x143: {  	s17 =	simm.s32 $0x14900  }
0x144: {  	[tilespmem:s17], [sflag:$0x3] =	stream.indirect.gather [hbm4b:s26+s4], $0x1, s5, s4, $0xb8;
	[tilespmem:$0x1A900] =	vst v63  }
0x145: {  	s16 =	simm.s32 $0x16900  }
0x146: {  	[tilespmem:s16], [sflag:$0x3] =	stream.indirect.gather [hbm4b:s28+s4], $0x1, s5, s4, $0xb8;
	[tilespmem:$0x1A900] =	vst v63  }
0x147: {  	_ = 	snop  }
0x148: {  	[tilespmem:s13], [sflag:$0x3] =	stream.indirect.gather [hbm4b:s29+s4], $0x1, s5, s4, $0xb8;
	[tilespmem:$0x1A900] =	vst v63  }
0x149: {  	_ =	swait.ge [sflag:s9], $0x2000  }
0x14a: {  	[sflag:s9] =	ssyncset.done $0x0  }
0x14b: {  	[sflag:s9] =	ssyncadd.s32 $0xFFFFE000  }
0x14c: {  	_ =	swait.ge [sflag:s9], $0x2000  }
0x14d: {  	[sflag:s9] =	ssyncset.done $0x0  }
0x14e: {  	[sflag:s9] =	ssyncadd.s32 $0xFFFFE000  }
0x14f: {  	_ =	swait.ge [sflag:s9], $0x2000  }
0x150: {  	[sflag:s9] =	ssyncset.done $0x0  }
0x151: {  	[sflag:s9] =	ssyncadd.s32 $0xFFFFE000  }
0x152: {  	_ =	swait.ge [sflag:s9], $0x2000  }
0x153: {  	s22 =	simm.s32 $0x0;
	[sflag:s9] =	ssyncset.done $0x0  }
0x154: {  	s18 =	sand.u32 $0x1FF0, s22;
	[sflag:s9] =	ssyncadd.s32 $0xFFFFE000  }
0x155: {  	v4 =	vld [tilespmem:s18+$0x4000]  }
0x156: {  	v5 =	vld [tilespmem:s15+$0x0];
	_ =	sdelay $0x3  }
0x157: {  	vm15 =	vlt.s32 v4, $0x0  }
0x158: {  	v4 =	vsel vm15, $0x4479C000, v5  }
0x159: {  	[tilespmem:s15+$0x0] =	vst v4  }
0x15a: {  	v4 =	vld [tilespmem:s17+$0x0];
	_ =	sdelay $0x4  }
0x15b: {  	v4 =	vsel vm15, $0x4479C000, v4  }
0x15c: {  	[tilespmem:s17+$0x0] =	vst v4  }
0x15d: {  	v4 =	vld [tilespmem:s16+$0x0];
	_ =	sdelay $0x3  }
0x15e: {  	s19 =	simm.s32 $0x10  }
0x15f: {  	s20 =	simm.s32 $0x20;
	s18 =	simm.s32 $0x14910;
	s17 =	simm.s32 $0x16910;
	v4 =	vsel vm15, $0x4479C000, v4  }
.LBB2_29:
0x160: {  	s21 =	sand.u32 $0x1FF0, s19;
	s15 =	sadd.s32 $0x10, s15  }
0x161: {  	[tilespmem:s16+$0x0] =	vst v4;
	s19 =	smov.u32 s20;
	s22 =	sadd.s32 $0x10, s20;
	s16 =	smov.u32 s17  }
0x162: {  	p0 =	sne.s32 s20, $0x1FF0;
	v4 =	vld [tilespmem:s21+$0x4000]  }
0x163: {  	v5 =	vld [tilespmem:s15+$0x0];
	_ =	sdelay $0x3  }
0x164: {  	vm0 =	vlt.s32 v4, $0x0  }
0x165: {  	v4 =	vsel vm0, $0x4479C000, v5  }
0x166: {  	[tilespmem:s15+$0x0] =	vst v4  }
0x167: {  	v4 =	vld [tilespmem:s18+$0x0];
	_ =	sdelay $0x4  }
0x168: {  	v4 =	vsel vm0, $0x4479C000, v4  }
0x169: {  	[tilespmem:s18+$0x0] =	vst v4  }
0x16a: {  	v4 =	vld [tilespmem:s17+$0x0]  }
.Ltmp14:
0x16b: {  	(pc) =	sbr.rel @p0 .LBB2_29-.Ltmp14, $2  }
0x16c: {  	_ =	sdelay $0x2  }
0x16d: {  	s20 =	smov.u32 s22;
	s18 =	sadd.s32 $0x10, s18;
	s17 =	sadd.s32 $0x10, s17;
	v4 =	vsel vm0, $0x4479C000, v4  }
0x16e: {  	s19 =	sand.u32 $0x1FF0, s19;
	[tilespmem:s16+$0x0] =	vst v4  }
0x16f: {  	s15 =	sadd.s32 $0x10, s15;
	v4 =	vld [tilespmem:s19+$0x4000]  }
0x170: {  	v5 =	vld [tilespmem:s15+$0x0];
	_ =	sdelay $0x3  }
0x171: {  	vm0 =	vlt.s32 v4, $0x0  }
0x172: {  	v4 =	vsel vm0, $0x4479C000, v5  }
0x173: {  	[tilespmem:s15+$0x0] =	vst v4  }
0x174: {  	v4 =	vld [tilespmem:s18+$0x0];
	_ =	sdelay $0x4  }
0x175: {  	v4 =	vsel vm0, $0x4479C000, v4  }
0x176: {  	[tilespmem:s18+$0x0] =	vst v4  }
0x177: {  	v4 =	vld [tilespmem:s17+$0x0];
	_ =	sdelay $0x4  }
0x178: {  	v4 =	vsel vm0, $0x4479C000, v4  }
0x179: {  	s15 =	simm.s32 $0x12900;
	[tilespmem:s17+$0x0] =	vst v4;
	s17 =	rddreg [dreg:$0x7]  }
0x17a: {  	[hbm4b:s17+s10] =	stream.strided.scatter [tilespmem:s15], [sflag:$0x4], $0x2000, s11, s10, $0x38;
	[tilespmem:$0x1A900] =	vst v63  }
0x17b: {  	_ =	swait.ge [sflag:s12], $0x2000  }
0x17c: {  	[sflag:s12] =	ssyncset.done $0x0  }
0x17d: {  	s18 =	rddreg [dreg:$0x8];
	[sflag:s12] =	ssyncadd.s32 $0xFFFFE000  }
0x17e: {  	[hbm4b:s18+s10] =	stream.strided.scatter [tilespmem:s7], [sflag:$0x4], $0x2000, s11, s10, $0x38;
	[tilespmem:$0x1A900] =	vst v63  }
0x17f: {  	_ =	swait.ge [sflag:s12], $0x2000  }
0x180: {  	[sflag:s12] =	ssyncset.done $0x0  }
0x181: {  	s19 =	rddreg [dreg:$0xa];
	[sflag:s12] =	ssyncadd.s32 $0xFFFFE000  }
0x182: {  	[hbm4b:s19+s10] =	stream.strided.scatter [tilespmem:s8], [sflag:$0x4], $0x2000, s11, s10, $0x38;
	[tilespmem:$0x1A900] =	vst v63  }
0x183: {  	_ =	swait.ge [sflag:s12], $0x2000  }
0x184: {  	[sflag:s12] =	ssyncset.done $0x0  }
0x185: {  	s20 =	simm.s32 $0x0;
	s21 =	simm.s32 $0x18900;
	[sflag:s12] =	ssyncadd.s32 $0xFFFFE000  }
0x186: {  	s16 =	sand.u32 $0x1FF0, s20;
	v4 =	vld [tilespmem:s21+$0x0]  }
0x187: {  	v5 =	vld [tilespmem:s16+$0x4000];
	_ =	sdelay $0x3  }
0x188: {  	v4 =	vcvt.s32.f32 v4  }
0x189: {  	vm15 =	vlt.s32 v5, $0x0  }
0x18a: {  	v4 =	vsel vm15, $0x4479C000, v4  }
0x18b: {  	s22 =	simm.s32 $0x10;
	s16 =	simm.s32 $0x18910;
	[tilespmem:s15+$0x0] =	vst v4  }
0x18c: {  	s17 =	simm.s32 $0x20;
	s18 =	sand.u32 $0x1FF0, s22;
	v4 =	vld [tilespmem:s16+$0x0]  }
.LBB2_31:
0x18d: {  	p0 =	sne.s32 s17, $0x1FF0;
	v5 =	vld [tilespmem:s18+$0x4000];
	_ =	sdelay $0x3  }
.Ltmp15:
0x18e: {  	v4 =	vcvt.s32.f32 v4;
	(pc) =	sbr.rel @p0 .LBB2_31-.Ltmp15, $4  }
0x18f: {  	vm0 =	vlt.s32 v5, $0x0  }
0x190: {  	s15 =	sadd.s32 $0x10, s15;
	v4 =	vsel vm0, $0x4479C000, v4  }
0x191: {  	s16 =	sadd.s32 $0x10, s16;
	[tilespmem:s15+$0x0] =	vst v4  }
0x192: {  	s18 =	sand.u32 $0x1FF0, s17;
	s17 =	sadd.s32 $0x10, s17;
	v4 =	vld [tilespmem:s16+$0x0]  }
0x193: {  	v5 =	vld [tilespmem:s18+$0x4000];
	_ =	sdelay $0x3  }
0x194: {  	v4 =	vcvt.s32.f32 v4  }
0x195: {  	vm0 =	vlt.s32 v5, $0x0  }
0x196: {  	s15 =	sadd.s32 $0x10, s15;
	v4 =	vsel vm0, $0x4479C000, v4  }
0x197: {  	s20 =	rddreg [dreg:$0xb];
	[tilespmem:s15+$0x0] =	vst v4  }
0x198: {  	[hbm4b:s20+s10] =	stream.strided.scatter [tilespmem:s6], [sflag:$0x4], $0x2000, s11, s10, $0x38;
	[tilespmem:$0x1A900] =	vst v63  }
0x199: {  	_ =	swait.ge [sflag:s12], $0x2000  }
0x19a: {  	[sflag:s12] =	ssyncset.done $0x0  }
0x19b: {  	s21 =	simm.s32 $0x6000;
	[sflag:s12] =	ssyncadd.s32 $0xFFFFE000  }
0x19c: {  	v4 =	vld [tilespmem:s21+$0x0];
	_ =	sdelay $0x3  }
0x19d: {  	s22 =	simm.s32 $0x0  }
0x19e: {  	v5 =	vor.u32 s22, v3;
	vm15 =	vlt.s32 v4, $0x0  }
0x19f: {  	s15 =	simm.s32 $0x10900;
	v4 =	vsel vm15, v5, v4  }
0x1a0: {  	s17 =	simm.s32 $0x6010;
	[tilespmem:s15+$0x0] =	vst v4  }
0x1a1: {  	s16 =	simm.s32 $0x10;
	s18 =	simm.s32 $0x20;
	v4 =	vld [tilespmem:s17+$0x0]  }
.LBB2_33:
0x1a2: {  	p0 =	sne.s32 s18, $0x1FF0;
	_ =	sdelay $0x2  }
.Ltmp16:
0x1a3: {  	(pc) =	sbr.rel @p0 .LBB2_33-.Ltmp16, $4  }
0x1a4: {  	v5 =	vor.u32 s16, v3;
	s16 =	smov.u32 s18;
	vm0 =	vlt.s32 v4, $0x0  }
0x1a5: {  	s15 =	sadd.s32 $0x10, s15;
	v4 =	vsel vm0, v5, v4  }
0x1a6: {  	s17 =	sadd.s32 $0x10, s17;
	[tilespmem:s15+$0x0] =	vst v4  }
0x1a7: {  	s18 =	sadd.s32 $0x10, s18;
	v4 =	vld [tilespmem:s17+$0x0]  }
0x1a8: {  	_ =	sdelay $0x3  }
0x1a9: {  	v5 =	vor.u32 s16, v3;
	vm0 =	vlt.s32 v4, $0x0  }
0x1aa: {  	s15 =	sadd.s32 $0x10, s15;
	v4 =	vsel vm0, v5, v4  }
0x1ab: {  	[tilespmem:s15+$0x0] =	vst v4  }
0x1ac: {  	[tilespmem:s6], [sflag:$0x3] =	stream.indirect.gather [hbm4b:s25+s4], $0x1, s5, s4, $0xb8;
	[tilespmem:$0x1A900] =	vst v63  }
0x1ad: {  	_ = 	snop  }
0x1ae: {  	[tilespmem:s7], [sflag:$0x3] =	stream.indirect.gather [hbm4b:s26+s4], $0x1, s5, s4, $0xb8;
	[tilespmem:$0x1A900] =	vst v63  }
0x1af: {  	_ = 	snop  }
0x1b0: {  	[tilespmem:s8], [sflag:$0x3] =	stream.indirect.gather [hbm4b:s28+s4], $0x1, s5, s4, $0xb8;
	[tilespmem:$0x1A900] =	vst v63  }
0x1b1: {  	_ =	swait.ge [sflag:s9], $0x2000  }
0x1b2: {  	[sflag:s9] =	ssyncset.done $0x0  }
0x1b3: {  	[sflag:s9] =	ssyncadd.s32 $0xFFFFE000  }
0x1b4: {  	_ =	swait.ge [sflag:s9], $0x2000  }
0x1b5: {  	[sflag:s9] =	ssyncset.done $0x0  }
0x1b6: {  	[sflag:s9] =	ssyncadd.s32 $0xFFFFE000  }
0x1b7: {  	_ =	swait.ge [sflag:s9], $0x2000  }
0x1b8: {  	[sflag:s9] =	ssyncset.done $0x0  }
0x1b9: {  	s15 =	simm.s32 $0x0;
	[sflag:s9] =	ssyncadd.s32 $0xFFFFE000  }
0x1ba: {  	v4 =	vld [tilespmem:s15+$0x6000]  }
0x1bb: {  	v5 =	vld [tilespmem:s15+$0x12900]  }
0x1bc: {  	v6 =	vld [tilespmem:s15+$0x14900]  }
0x1bd: {  	v7 =	vld [tilespmem:s15+$0x16900];
	_ =	sdelay $0x1  }
0x1be: {  	vm15 =	vlt.s32 v4, $0x0  }
0x1bf: {  	s16 =	simm.s32 $0x10;
	v5 =	vsel vm15, $0x4479C000, v5  }
0x1c0: {  	v4 =	vld [tilespmem:s16+$0x6000];
	v6 =	vsel vm15, $0x4479C000, v6;
	[tilespmem:s15+$0x12900] =	vst v5  }
0x1c1: {  	s17 =	simm.s32 $0x80;
	v5 =	vld [tilespmem:s16+$0x12900];
	[tilespmem:s15+$0x14900] =	vst v6;
	v6 =	vsel vm15, $0x4479C000, v7  }
.LBB2_35:
0x1c2: {  	p0 =	sne.s32 s17, $0x7FC0;
	v7 =	vld [tilespmem:s16+$0x14900];
	[tilespmem:s15+$0x16900] =	vst v6;
	s15 =	smov.u32 s16  }
0x1c3: {  	v6 =	vld [tilespmem:s15+$0x16900]  }
.Ltmp17:
0x1c4: {  	(pc) =	sbr.rel @p0 .LBB2_35-.Ltmp17, $4  }
0x1c5: {  	vm0 =	vlt.s32 v4, $0x0  }
0x1c6: {  	s16 =	sshra.s32 s17, $0x2;
	v5 =	vsel vm0, $0x4479C000, v5  }
0x1c7: {  	v4 =	vld [tilespmem:s16+$0x6000];
	[tilespmem:s15+$0x12900] =	vst v5;
	v7 =	vsel vm0, $0x4479C000, v7  }
0x1c8: {  	s17 =	sadd.s32 $0x40, s17;
	v5 =	vld [tilespmem:s16+$0x12900];
	[tilespmem:s15+$0x14900] =	vst v7;
	v6 =	vsel vm0, $0x4479C000, v6  }
0x1c9: {  	v7 =	vld [tilespmem:s16+$0x14900];
	[tilespmem:s15+$0x16900] =	vst v6  }
0x1ca: {  	v6 =	vld [tilespmem:s16+$0x16900];
	_ =	sdelay $0x1  }
0x1cb: {  	vm0 =	vlt.s32 v4, $0x0  }
0x1cc: {  	v4 =	vsel vm0, $0x4479C000, v5  }
0x1cd: {  	[tilespmem:s16+$0x12900] =	vst v4;
	v4 =	vsel vm0, $0x4479C000, v7  }
0x1ce: {  	[tilespmem:s16+$0x14900] =	vst v4;
	v4 =	vsel vm0, $0x4479C000, v6  }
0x1cf: {  	s18 =	rddreg [dreg:$0x12];
	[tilespmem:s16+$0x16900] =	vst v4  }
0x1d0: {  	[hbm4b:s18+s10] =	stream.strided.scatter [tilespmem:s6], [sflag:$0x4], $0x2000, s11, s10, $0x38;
	[tilespmem:$0x1A900] =	vst v63  }
0x1d1: {  	_ =	swait.ge [sflag:s12], $0x2000  }
0x1d2: {  	[sflag:s12] =	ssyncset.done $0x0  }
0x1d3: {  	s19 =	rddreg [dreg:$0xc];
	[sflag:s12] =	ssyncadd.s32 $0xFFFFE000  }
0x1d4: {  	[hbm4b:s19+s10] =	stream.strided.scatter [tilespmem:s7], [sflag:$0x4], $0x2000, s11, s10, $0x38;
	[tilespmem:$0x1A900] =	vst v63  }
0x1d5: {  	_ =	swait.ge [sflag:s12], $0x2000  }
0x1d6: {  	[sflag:s12] =	ssyncset.done $0x0  }
0x1d7: {  	s20 =	rddreg [dreg:$0xd];
	[sflag:s12] =	ssyncadd.s32 $0xFFFFE000  }
0x1d8: {  	[hbm4b:s20+s10] =	stream.strided.scatter [tilespmem:s8], [sflag:$0x4], $0x2000, s11, s10, $0x38;
	[tilespmem:$0x1A900] =	vst v63  }
0x1d9: {  	_ =	swait.ge [sflag:s12], $0x2000  }
0x1da: {  	s21 =	simm.s32 $0x0;
	[sflag:s12] =	ssyncset.done $0x0  }
0x1db: {  	s22 =	sand.u32 $0x1FF0, s21;
	[sflag:s12] =	ssyncadd.s32 $0xFFFFE000  }
0x1dc: {  	v4 =	vld [tilespmem:s22+$0x8000];
	_ =	sdelay $0x4  }
0x1dd: {  	v5 =	vor.u32 s21, v3;
	vm15 =	vlt.s32 v4, $0x0  }
0x1de: {  	s15 =	simm.s32 $0x10900;
	s16 =	simm.s32 $0x10;
	v4 =	vsel vm15, v5, v4  }
0x1df: {  	s17 =	simm.s32 $0x20;
	s18 =	sand.u32 $0x1FF0, s16;
	[tilespmem:s15+$0x0] =	vst v4  }
.LBB2_37:
0x1e0: {  	p0 =	sne.s32 s17, $0x1FF0;
	v4 =	vld [tilespmem:s18+$0x8000];
	_ =	sdelay $0x2  }
.Ltmp18:
0x1e1: {  	(pc) =	sbr.rel @p0 .LBB2_37-.Ltmp18, $4  }
0x1e2: {  	_ = 	snop  }
0x1e3: {  	v5 =	vor.u32 s16, v3;
	s16 =	smov.u32 s17;
	vm0 =	vlt.s32 v4, $0x0  }
0x1e4: {  	s15 =	sadd.s32 $0x10, s15;
	v4 =	vsel vm0, v5, v4  }
0x1e5: {  	s17 =	sadd.s32 $0x10, s17;
	s18 =	sand.u32 $0x1FF0, s16;
	[tilespmem:s15+$0x0] =	vst v4  }
0x1e6: {  	v4 =	vld [tilespmem:s18+$0x8000];
	_ =	sdelay $0x4  }
0x1e7: {  	v5 =	vor.u32 s16, v3;
	vm0 =	vlt.s32 v4, $0x0  }
0x1e8: {  	s15 =	sadd.s32 $0x10, s15;
	v4 =	vsel vm0, v5, v4  }
0x1e9: {  	[tilespmem:s15+$0x0] =	vst v4;
	s15 =	simm.s32 $0x12900  }
0x1ea: {  	[tilespmem:s15], [sflag:$0x3] =	stream.indirect.gather [hbm4b:s25+s4], $0x1, s5, s4, $0xb8;
	[tilespmem:$0x1A900] =	vst v63  }
0x1eb: {  	s17 =	simm.s32 $0x14900  }
0x1ec: {  	[tilespmem:s17], [sflag:$0x3] =	stream.indirect.gather [hbm4b:s26+s4], $0x1, s5, s4, $0xb8;
	[tilespmem:$0x1A900] =	vst v63  }
0x1ed: {  	s16 =	simm.s32 $0x16900  }
0x1ee: {  	[tilespmem:s16], [sflag:$0x3] =	stream.indirect.gather [hbm4b:s28+s4], $0x1, s5, s4, $0xb8;
	[tilespmem:$0x1A900] =	vst v63  }
0x1ef: {  	_ =	swait.ge [sflag:s9], $0x2000  }
0x1f0: {  	[sflag:s9] =	ssyncset.done $0x0  }
0x1f1: {  	[sflag:s9] =	ssyncadd.s32 $0xFFFFE000  }
0x1f2: {  	_ =	swait.ge [sflag:s9], $0x2000  }
0x1f3: {  	[sflag:s9] =	ssyncset.done $0x0  }
0x1f4: {  	[sflag:s9] =	ssyncadd.s32 $0xFFFFE000  }
0x1f5: {  	_ =	swait.ge [sflag:s9], $0x2000  }
0x1f6: {  	s22 =	simm.s32 $0x0;
	[sflag:s9] =	ssyncset.done $0x0  }
0x1f7: {  	s18 =	sand.u32 $0x1FF0, s22;
	[sflag:s9] =	ssyncadd.s32 $0xFFFFE000  }
0x1f8: {  	v4 =	vld [tilespmem:s18+$0x8000]  }
0x1f9: {  	v5 =	vld [tilespmem:s15+$0x0];
	_ =	sdelay $0x3  }
0x1fa: {  	vm15 =	vlt.s32 v4, $0x0  }
0x1fb: {  	v4 =	vsel vm15, $0x4479C000, v5  }
0x1fc: {  	[tilespmem:s15+$0x0] =	vst v4  }
0x1fd: {  	v4 =	vld [tilespmem:s17+$0x0];
	_ =	sdelay $0x4  }
0x1fe: {  	v4 =	vsel vm15, $0x4479C000, v4  }
0x1ff: {  	[tilespmem:s17+$0x0] =	vst v4  }
0x200: {  	v4 =	vld [tilespmem:s16+$0x0];
	_ =	sdelay $0x3  }
0x201: {  	s19 =	simm.s32 $0x10  }
0x202: {  	s20 =	simm.s32 $0x20;
	s18 =	simm.s32 $0x14910;
	s17 =	simm.s32 $0x16910;
	v4 =	vsel vm15, $0x4479C000, v4  }
.LBB2_39:
0x203: {  	s21 =	sand.u32 $0x1FF0, s19;
	s15 =	sadd.s32 $0x10, s15  }
0x204: {  	[tilespmem:s16+$0x0] =	vst v4;
	s19 =	smov.u32 s20;
	s22 =	sadd.s32 $0x10, s20;
	s16 =	smov.u32 s17  }
0x205: {  	p0 =	sne.s32 s20, $0x1FF0;
	v4 =	vld [tilespmem:s21+$0x8000]  }
0x206: {  	v5 =	vld [tilespmem:s15+$0x0];
	_ =	sdelay $0x3  }
0x207: {  	vm0 =	vlt.s32 v4, $0x0  }
0x208: {  	v4 =	vsel vm0, $0x4479C000, v5  }
0x209: {  	[tilespmem:s15+$0x0] =	vst v4  }
0x20a: {  	v4 =	vld [tilespmem:s18+$0x0];
	_ =	sdelay $0x4  }
0x20b: {  	v4 =	vsel vm0, $0x4479C000, v4  }
0x20c: {  	[tilespmem:s18+$0x0] =	vst v4  }
0x20d: {  	v4 =	vld [tilespmem:s17+$0x0]  }
.Ltmp19:
0x20e: {  	(pc) =	sbr.rel @p0 .LBB2_39-.Ltmp19, $2  }
0x20f: {  	_ =	sdelay $0x2  }
0x210: {  	s20 =	smov.u32 s22;
	s18 =	sadd.s32 $0x10, s18;
	s17 =	sadd.s32 $0x10, s17;
	v4 =	vsel vm0, $0x4479C000, v4  }
0x211: {  	s19 =	sand.u32 $0x1FF0, s19;
	[tilespmem:s16+$0x0] =	vst v4  }
0x212: {  	s15 =	sadd.s32 $0x10, s15;
	v4 =	vld [tilespmem:s19+$0x8000]  }
0x213: {  	v5 =	vld [tilespmem:s15+$0x0];
	_ =	sdelay $0x3  }
0x214: {  	vm0 =	vlt.s32 v4, $0x0  }
0x215: {  	v4 =	vsel vm0, $0x4479C000, v5  }
0x216: {  	[tilespmem:s15+$0x0] =	vst v4  }
0x217: {  	v4 =	vld [tilespmem:s18+$0x0];
	_ =	sdelay $0x4  }
0x218: {  	v4 =	vsel vm0, $0x4479C000, v4  }
0x219: {  	[tilespmem:s18+$0x0] =	vst v4  }
0x21a: {  	v4 =	vld [tilespmem:s17+$0x0];
	_ =	sdelay $0x4  }
0x21b: {  	v4 =	vsel vm0, $0x4479C000, v4  }
0x21c: {  	s18 =	rddreg [dreg:$0xe];
	[tilespmem:s17+$0x0] =	vst v4  }
0x21d: {  	[hbm4b:s18+s10] =	stream.strided.scatter [tilespmem:s6], [sflag:$0x4], $0x2000, s11, s10, $0x38;
	[tilespmem:$0x1A900] =	vst v63  }
0x21e: {  	_ =	swait.ge [sflag:s12], $0x2000  }
0x21f: {  	[sflag:s12] =	ssyncset.done $0x0  }
0x220: {  	s19 =	rddreg [dreg:$0xf];
	[sflag:s12] =	ssyncadd.s32 $0xFFFFE000  }
0x221: {  	[hbm4b:s19+s10] =	stream.strided.scatter [tilespmem:s7], [sflag:$0x4], $0x2000, s11, s10, $0x38;
	[tilespmem:$0x1A900] =	vst v63  }
0x222: {  	_ =	swait.ge [sflag:s12], $0x2000  }
0x223: {  	[sflag:s12] =	ssyncset.done $0x0  }
0x224: {  	s20 =	rddreg [dreg:$0x10];
	[sflag:s12] =	ssyncadd.s32 $0xFFFFE000  }
0x225: {  	[hbm4b:s20+s10] =	stream.strided.scatter [tilespmem:s8], [sflag:$0x4], $0x2000, s11, s10, $0x38;
	[tilespmem:$0x1A900] =	vst v63  }
0x226: {  	_ =	swait.ge [sflag:s12], $0x2000  }
0x227: {  	s21 =	simm.s32 $0x0;
	[sflag:s12] =	ssyncset.done $0x0  }
0x228: {  	s22 =	sand.u32 $0x1FF0, s21;
	[sflag:s12] =	ssyncadd.s32 $0xFFFFE000  }
0x229: {  	v4 =	vld [tilespmem:s22+$0xA000];
	_ =	sdelay $0x4  }
0x22a: {  	v5 =	vor.u32 s21, v3;
	vm15 =	vlt.s32 v4, $0x0  }
0x22b: {  	s16 =	simm.s32 $0x10;
	s15 =	simm.s32 $0x10900;
	v4 =	vsel vm15, v5, v4  }
0x22c: {  	s17 =	simm.s32 $0x20;
	s18 =	sand.u32 $0x1FF0, s16;
	[tilespmem:s15+$0x0] =	vst v4  }
.LBB2_41:
0x22d: {  	p0 =	sne.s32 s17, $0x1FF0;
	v4 =	vld [tilespmem:s18+$0xA000];
	_ =	sdelay $0x2  }
.Ltmp20:
0x22e: {  	(pc) =	sbr.rel @p0 .LBB2_41-.Ltmp20, $4  }
0x22f: {  	_ = 	snop  }
0x230: {  	v5 =	vor.u32 s16, v3;
	s16 =	smov.u32 s17;
	vm0 =	vlt.s32 v4, $0x0  }
0x231: {  	s15 =	sadd.s32 $0x10, s15;
	v4 =	vsel vm0, v5, v4  }
0x232: {  	s17 =	sadd.s32 $0x10, s17;
	s18 =	sand.u32 $0x1FF0, s16;
	[tilespmem:s15+$0x0] =	vst v4  }
0x233: {  	v4 =	vld [tilespmem:s18+$0xA000];
	_ =	sdelay $0x4  }
0x234: {  	v5 =	vor.u32 s16, v3;
	vm0 =	vlt.s32 v4, $0x0  }
0x235: {  	s15 =	sadd.s32 $0x10, s15;
	v4 =	vsel vm0, v5, v4  }
0x236: {  	[tilespmem:s15+$0x0] =	vst v4;
	s15 =	simm.s32 $0x12900  }
0x237: {  	[tilespmem:s15], [sflag:$0x3] =	stream.indirect.gather [hbm4b:s25+s4], $0x1, s5, s4, $0xb8;
	[tilespmem:$0x1A900] =	vst v63  }
0x238: {  	s17 =	simm.s32 $0x14900  }
0x239: {  	[tilespmem:s17], [sflag:$0x3] =	stream.indirect.gather [hbm4b:s26+s4], $0x1, s5, s4, $0xb8;
	[tilespmem:$0x1A900] =	vst v63  }
0x23a: {  	s16 =	simm.s32 $0x16900  }
0x23b: {  	[tilespmem:s16], [sflag:$0x3] =	stream.indirect.gather [hbm4b:s28+s4], $0x1, s5, s4, $0xb8;
	[tilespmem:$0x1A900] =	vst v63  }
0x23c: {  	_ = 	snop  }
0x23d: {  	[tilespmem:s13], [sflag:$0x3] =	stream.indirect.gather [hbm4b:s29+s4], $0x1, s5, s4, $0xb8;
	[tilespmem:$0x1A900] =	vst v63  }
0x23e: {  	_ =	swait.ge [sflag:s9], $0x2000  }
0x23f: {  	[sflag:s9] =	ssyncset.done $0x0  }
0x240: {  	[sflag:s9] =	ssyncadd.s32 $0xFFFFE000  }
0x241: {  	_ =	swait.ge [sflag:s9], $0x2000  }
0x242: {  	[sflag:s9] =	ssyncset.done $0x0  }
0x243: {  	[sflag:s9] =	ssyncadd.s32 $0xFFFFE000  }
0x244: {  	_ =	swait.ge [sflag:s9], $0x2000  }
0x245: {  	[sflag:s9] =	ssyncset.done $0x0  }
0x246: {  	[sflag:s9] =	ssyncadd.s32 $0xFFFFE000  }
0x247: {  	_ =	swait.ge [sflag:s9], $0x2000  }
0x248: {  	s22 =	simm.s32 $0x0;
	[sflag:s9] =	ssyncset.done $0x0  }
0x249: {  	s18 =	sand.u32 $0x1FF0, s22;
	[sflag:s9] =	ssyncadd.s32 $0xFFFFE000  }
0x24a: {  	v4 =	vld [tilespmem:s18+$0xA000]  }
0x24b: {  	v5 =	vld [tilespmem:s15+$0x0];
	_ =	sdelay $0x3  }
0x24c: {  	vm15 =	vlt.s32 v4, $0x0  }
0x24d: {  	v4 =	vsel vm15, $0x4479C000, v5  }
0x24e: {  	[tilespmem:s15+$0x0] =	vst v4  }
0x24f: {  	v4 =	vld [tilespmem:s17+$0x0];
	_ =	sdelay $0x4  }
0x250: {  	v4 =	vsel vm15, $0x4479C000, v4  }
0x251: {  	[tilespmem:s17+$0x0] =	vst v4  }
0x252: {  	v4 =	vld [tilespmem:s16+$0x0];
	_ =	sdelay $0x3  }
0x253: {  	s19 =	simm.s32 $0x10  }
0x254: {  	s20 =	simm.s32 $0x20;
	s18 =	simm.s32 $0x14910;
	s17 =	simm.s32 $0x16910;
	v4 =	vsel vm15, $0x4479C000, v4  }
.LBB2_43:
0x255: {  	s21 =	sand.u32 $0x1FF0, s19;
	s15 =	sadd.s32 $0x10, s15  }
0x256: {  	[tilespmem:s16+$0x0] =	vst v4;
	s19 =	smov.u32 s20;
	s22 =	sadd.s32 $0x10, s20;
	s16 =	smov.u32 s17  }
0x257: {  	p0 =	sne.s32 s20, $0x1FF0;
	v4 =	vld [tilespmem:s21+$0xA000]  }
0x258: {  	v5 =	vld [tilespmem:s15+$0x0];
	_ =	sdelay $0x3  }
0x259: {  	vm0 =	vlt.s32 v4, $0x0  }
0x25a: {  	v4 =	vsel vm0, $0x4479C000, v5  }
0x25b: {  	[tilespmem:s15+$0x0] =	vst v4  }
0x25c: {  	v4 =	vld [tilespmem:s18+$0x0];
	_ =	sdelay $0x4  }
0x25d: {  	v4 =	vsel vm0, $0x4479C000, v4  }
0x25e: {  	[tilespmem:s18+$0x0] =	vst v4  }
0x25f: {  	v4 =	vld [tilespmem:s17+$0x0]  }
.Ltmp21:
0x260: {  	(pc) =	sbr.rel @p0 .LBB2_43-.Ltmp21, $2  }
0x261: {  	_ =	sdelay $0x2  }
0x262: {  	s20 =	smov.u32 s22;
	s18 =	sadd.s32 $0x10, s18;
	s17 =	sadd.s32 $0x10, s17;
	v4 =	vsel vm0, $0x4479C000, v4  }
0x263: {  	s19 =	sand.u32 $0x1FF0, s19;
	[tilespmem:s16+$0x0] =	vst v4  }
0x264: {  	s15 =	sadd.s32 $0x10, s15;
	v4 =	vld [tilespmem:s19+$0xA000]  }
0x265: {  	v5 =	vld [tilespmem:s15+$0x0];
	_ =	sdelay $0x3  }
0x266: {  	vm0 =	vlt.s32 v4, $0x0  }
0x267: {  	v4 =	vsel vm0, $0x4479C000, v5  }
0x268: {  	[tilespmem:s15+$0x0] =	vst v4  }
0x269: {  	v4 =	vld [tilespmem:s18+$0x0];
	_ =	sdelay $0x4  }
0x26a: {  	v4 =	vsel vm0, $0x4479C000, v4  }
0x26b: {  	[tilespmem:s18+$0x0] =	vst v4  }
0x26c: {  	v4 =	vld [tilespmem:s17+$0x0];
	_ =	sdelay $0x4  }
0x26d: {  	v4 =	vsel vm0, $0x4479C000, v4  }
0x26e: {  	s15 =	simm.s32 $0x12900;
	[tilespmem:s17+$0x0] =	vst v4;
	s17 =	rddreg [dreg:$0x11]  }
0x26f: {  	[hbm4b:s17+s10] =	stream.strided.scatter [tilespmem:s15], [sflag:$0x4], $0x2000, s11, s10, $0x38;
	[tilespmem:$0x1A900] =	vst v63  }
0x270: {  	_ =	swait.ge [sflag:s12], $0x2000  }
0x271: {  	[sflag:s12] =	ssyncset.done $0x0  }
0x272: {  	s18 =	rddreg [dreg:$0x13];
	[sflag:s12] =	ssyncadd.s32 $0xFFFFE000  }
0x273: {  	[hbm4b:s18+s10] =	stream.strided.scatter [tilespmem:s7], [sflag:$0x4], $0x2000, s11, s10, $0x38;
	[tilespmem:$0x1A900] =	vst v63  }
0x274: {  	_ =	swait.ge [sflag:s12], $0x2000  }
0x275: {  	[sflag:s12] =	ssyncset.done $0x0  }
0x276: {  	s19 =	rddreg [dreg:$0x14];
	[sflag:s12] =	ssyncadd.s32 $0xFFFFE000  }
0x277: {  	[hbm4b:s19+s10] =	stream.strided.scatter [tilespmem:s8], [sflag:$0x4], $0x2000, s11, s10, $0x38;
	[tilespmem:$0x1A900] =	vst v63  }
0x278: {  	_ =	swait.ge [sflag:s12], $0x2000  }
0x279: {  	[sflag:s12] =	ssyncset.done $0x0  }
0x27a: {  	s20 =	simm.s32 $0x0;
	s21 =	simm.s32 $0x18900;
	[sflag:s12] =	ssyncadd.s32 $0xFFFFE000  }
0x27b: {  	s16 =	sand.u32 $0x1FF0, s20;
	v4 =	vld [tilespmem:s21+$0x0]  }
0x27c: {  	v5 =	vld [tilespmem:s16+$0xA000];
	_ =	sdelay $0x3  }
0x27d: {  	v4 =	vcvt.s32.f32 v4  }
0x27e: {  	vm15 =	vlt.s32 v5, $0x0  }
0x27f: {  	v4 =	vsel vm15, $0x4479C000, v4  }
0x280: {  	s22 =	simm.s32 $0x10;
	s16 =	simm.s32 $0x18910;
	[tilespmem:s15+$0x0] =	vst v4  }
0x281: {  	s17 =	simm.s32 $0x20;
	s18 =	sand.u32 $0x1FF0, s22;
	v4 =	vld [tilespmem:s16+$0x0]  }
.LBB2_45:
0x282: {  	p0 =	sne.s32 s17, $0x1FF0;
	v5 =	vld [tilespmem:s18+$0xA000];
	_ =	sdelay $0x3  }
.Ltmp22:
0x283: {  	v4 =	vcvt.s32.f32 v4;
	(pc) =	sbr.rel @p0 .LBB2_45-.Ltmp22, $4  }
0x284: {  	vm0 =	vlt.s32 v5, $0x0  }
0x285: {  	s15 =	sadd.s32 $0x10, s15;
	v4 =	vsel vm0, $0x4479C000, v4  }
0x286: {  	s16 =	sadd.s32 $0x10, s16;
	[tilespmem:s15+$0x0] =	vst v4  }
0x287: {  	s18 =	sand.u32 $0x1FF0, s17;
	s17 =	sadd.s32 $0x10, s17;
	v4 =	vld [tilespmem:s16+$0x0]  }
0x288: {  	v5 =	vld [tilespmem:s18+$0xA000];
	_ =	sdelay $0x3  }
0x289: {  	v4 =	vcvt.s32.f32 v4  }
0x28a: {  	s14 =	sadd.s32 $0x1, s14;
	vm0 =	vlt.s32 v5, $0x0  }
0x28b: {  	s15 =	sadd.s32 $0x10, s15;
	p0 =	sne.s32 s14, s24;
	v4 =	vsel vm0, $0x4479C000, v4  }
.Ltmp23:
0x28c: {  	[tilespmem:s15+$0x0] =	vst v4;
	(pc) =	sbr.rel @p0 .LBB2_1-.Ltmp23, $4  }
0x28d: {  	[hbm4b:s23+s10] =	stream.strided.scatter [tilespmem:s6], [sflag:$0x4], $0x2000, s11, s10, $0x38;
	[tilespmem:$0x1A900] =	vst v63  }
0x28e: {  	_ =	swait.ge [sflag:s12], $0x2000  }
0x28f: {  	[sflag:s12] =	ssyncset.done $0x0  }
0x290: {  	[sflag:s12] =	ssyncadd.s32 $0xFFFFE000  }
0x291: {  	_ =	sfence.sel $0x180000  }
0x292: {  	[bflag:$0x0] =	sbarrier.arrive $0xFFFF  }
0x293: {  	_ =	strace $0x90000047  }
0x294: {  	s0 =	stileid.u32;
	[bflag:$0x2] =	sbarrier.arrive $0xFFFF  }
0x295: {  	p0 =	sne.s32 s0, $0x0;
	s0 =	rddreg [dreg:$0x1]  }
0x296: {  	s0 =	sadd.s32 @!p0 $0x100000, s0  }
0x297: {  	[sflag:s0] =	ssyncadd.tile.s32 @!p0 $0x1;
	_ =	shalt  }
.Lfunc_end2:
_tile_overlayer_lowered:
.L_overlay_start_2:
0x298: {  	(tag) =	ssettag $0x2  }
0x299: {  	s0 =	rddreg [dreg:$0x0];
	s2 =	stileid.u32  }
0x29a: {  	s1 =	rddreg [dreg:$0x1];
	p0 =	sne.s32 s2, $0x0  }
0x29b: {  	s3 =	rddreg [dreg:$0x2];
	[bflag:$0x3] =	sbarrier.arrive $0xFFFF;
	s2 =	simm.s32 @!p0 $0x1C04  }
0x29c: {  	[timem:s3], [sflag:s2] =	dma.local @!p0 [hbm:s0], s1  }
0x29d: {  	s0 =	simm.s32 @!p0 $0x4  }
0x29e: {  	_ =	swait.ge @!p0 [sflag:s0], s1  }
0x29f: {  	s1 =	ssub.s32 @!p0 $0x0, s1;
	[sflag:s0] =	ssyncset.done @!p0 $0x0  }
0x2a0: {  	[sflag:s0] =	ssyncadd.s32 @!p0 s1  }
0x2a1: {  	[bflag:$0x3] =	sbarrier.arrive $0xFFFF  }
0x2a2: {  	_ =	shalt  }

</sc_bundles>
